<compile_context>
chip_gen: v7x
topology: tpu7x:2x2x1
jax: 0.10.2.dev20260603
libtpu: 0.0.44.dev20260713+nightly
codegen_flags: <defaults>
</compile_context>

<pallas_src>
import jax
import jax.numpy as jnp
from jax import lax
from jax.experimental import pallas as pl
from jax.experimental.pallas import tpu as pltpu
from jax.experimental.pallas import tpu_sc as plsc

N = 10000
C = 128
E = 320000
NOSC = 4
EPS_SPHERE = 1e-6
EPS_GN = 1e-5

NC = 2
NS = 16
NW = NC * NS
CH = 128
NCHUNK0 = 121
NCHUNK1 = 37
EPW0 = NCHUNK0 * CH
EPW1 = NCHUNK1 * CH
TAIL = 2
E_PAD = NS * (EPW0 + EPW1) + EPW0 + TAIL * CH
IDX_SHIFT = 14
NP = 10240

_F32 = jnp.float32



def _agg_body(hs_hbm, pk_hbm, zer_hbm, out_hbm,
              pk_buf, sidx0, sidx1, didx0, didx1, rows0, rows1,
              acc_sh, gsem0, gsem1, ssem0, ssem1):
    cid = lax.axis_index("c")
    sid = lax.axis_index("s")
    nchunk = jnp.where(cid == 0, NCHUNK0, NCHUNK1)
    base = cid * (NS * EPW0) + sid * jnp.where(cid == 0, EPW0, EPW1)
    sidx = [sidx0, sidx1]
    didx = [didx0, didx1]
    rows = [rows0, rows1]
    gsem = [gsem0, gsem1]
    ssem = [ssem0, ssem1]

    @pl.when(sid == 0)
    def _():
        pltpu.sync_copy(zer_hbm, acc_sh)

    pltpu.sync_copy(pk_hbm.at[pl.ds(base, EPW0 + TAIL * CH)], pk_buf)
    plsc.subcore_barrier()

    def unpack(g, r):
        for j in range(CH // 16):
            v = pk_buf[pl.ds(g * CH + 16 * j, 16)]
            sidx[r][pl.ds(16 * j, 16)] = lax.shift_right_logical(v, IDX_SHIFT)
            didx[r][pl.ds(16 * j, 16)] = v & ((1 << IDX_SHIFT) - 1)

    def gather(g, r):
        pltpu.async_copy(hs_hbm.at[sidx[r]], rows[r], gsem[r])

    def gather_wait(r):
        pltpu.make_async_copy(hs_hbm.at[sidx[r]], rows[r], gsem[r]).wait()

    def scatter(r):
        pltpu.async_copy(rows[r], acc_sh.at[didx[r]], ssem[r], add=True)

    def scatter_wait(r):
        pltpu.make_async_copy(rows[r], acc_sh.at[didx[r]], ssem[r]).wait()

    unpack(0, 0)
    gather(0, 0)
    unpack(1, 1)
    gather(1, 1)
    gather_wait(0)
    scatter(0)

    def body(k, carry):
        g = 2 * k + 1
        gather_wait(1)
        scatter(1)
        scatter_wait(0)
        unpack(g + 1, 0)
        gather(g + 1, 0)
        gather_wait(0)
        scatter(0)
        scatter_wait(1)
        unpack(g + 2, 1)
        gather(g + 2, 1)
        return carry

    lax.fori_loop(0, (nchunk - 1) // 2, body, 0)
    pltpu.make_async_copy(hs_hbm.at[sidx[1]], rows[1], gsem[1]).wait()
    pltpu.make_async_copy(rows[0], acc_sh.at[didx[0]], ssem[0]).wait()
    plsc.subcore_barrier()

    @pl.when(sid == 0)
    def _():
        pltpu.sync_copy(acc_sh, out_hbm.at[cid])


_agg_call = pl.kernel(
    _agg_body,
    out_type=jax.ShapeDtypeStruct((NC, NP, C), _F32),
    mesh=plsc.VectorSubcoreMesh(core_axis_name="c", subcore_axis_name="s"),
    scratch_types=[
        pltpu.VMEM((EPW0 + TAIL * CH,), jnp.int32),
        pltpu.VMEM((CH,), jnp.int32),
        pltpu.VMEM((CH,), jnp.int32),
        pltpu.VMEM((CH,), jnp.int32),
        pltpu.VMEM((CH,), jnp.int32),
        pltpu.VMEM((CH, C), _F32),
        pltpu.VMEM((CH, C), _F32),
        pltpu.VMEM_SHARED((NP, C), _F32),
        pltpu.SemaphoreType.DMA,
        pltpu.SemaphoreType.DMA,
        pltpu.SemaphoreType.DMA,
        pltpu.SemaphoreType.DMA,
    ],
)


def _deg_body(ones_hbm, pk_hbm, zer_hbm, out_hbm,
              pk_buf, didx0, didx1, ones_v,
              acc_sh, ssem0, ssem1):
    cid = lax.axis_index("c")
    sid = lax.axis_index("s")
    nchunk = jnp.where(cid == 0, NCHUNK0, NCHUNK1)
    base = cid * (NS * EPW0) + sid * jnp.where(cid == 0, EPW0, EPW1)
    didx = [didx0, didx1]
    ssem = [ssem0, ssem1]

    @pl.when(sid == 0)
    def _():
        pltpu.sync_copy(zer_hbm, acc_sh)

    pltpu.sync_copy(pk_hbm.at[pl.ds(base, EPW0 + TAIL * CH)], pk_buf)
    pltpu.sync_copy(ones_hbm, ones_v)
    plsc.subcore_barrier()

    def unpack(g, r):
        for j in range(CH // 16):
            v = pk_buf[pl.ds(g * CH + 16 * j, 16)]
            didx[r][pl.ds(16 * j, 16)] = v & ((1 << IDX_SHIFT) - 1)

    def scatter(r):
        pltpu.async_copy(ones_v, acc_sh.at[didx[r]], ssem[r], add=True)

    def scatter_wait(r):
        pltpu.make_async_copy(ones_v, acc_sh.at[didx[r]], ssem[r]).wait()

    unpack(0, 0)
    scatter(0)
    unpack(1, 1)
    scatter(1)

    def body(k, carry):
        g = 2 * k
        scatter_wait(0)
        unpack(g + 2, 0)
        scatter(0)
        scatter_wait(1)
        unpack(g + 3, 1)
        scatter(1)
        return carry

    lax.fori_loop(0, (nchunk - 3) // 2, body, 0)
    scatter_wait(0)
    unpack(nchunk - 1, 0)
    scatter(0)
    scatter_wait(0)
    scatter_wait(1)
    plsc.subcore_barrier()

    @pl.when(sid == 0)
    def _():
        pltpu.sync_copy(acc_sh, out_hbm.at[cid])


_deg_call = pl.kernel(
    _deg_body,
    out_type=jax.ShapeDtypeStruct((NC, NP, C), _F32),
    mesh=plsc.VectorSubcoreMesh(core_axis_name="c", subcore_axis_name="s"),
    scratch_types=[
        pltpu.VMEM((EPW0 + TAIL * CH,), jnp.int32),
        pltpu.VMEM((CH,), jnp.int32),
        pltpu.VMEM((CH,), jnp.int32),
        pltpu.VMEM((CH, C), _F32),
        pltpu.VMEM_SHARED((NP, C), _F32),
        pltpu.SemaphoreType.DMA,
        pltpu.SemaphoreType.DMA,
    ],
)



def _gmat():
    ii = lax.broadcasted_iota(jnp.int32, (C, C), 0) // NOSC
    jj = lax.broadcasted_iota(jnp.int32, (C, C), 1) // NOSC
    return (ii == jj).astype(_F32)


def _gdot(p, G):
    return jnp.dot(p, G, precision=lax.Precision.HIGHEST,
                   preferred_element_type=_F32)


def _sphere(v, G):
    n2 = jnp.clip(_gdot(v * v, G), EPS_SPHERE, None)
    return v * lax.rsqrt(n2)


BNP = 2048


def _stats_body(y_ref, colsum_ref, colsq_ref):
    i = pl.program_id(0)
    y = y_ref[...]
    s1 = jnp.sum(y, axis=0, keepdims=True)
    s2 = jnp.sum(y * y, axis=0, keepdims=True)

    @pl.when(i == 0)
    def _():
        colsum_ref[...] = s1
        colsq_ref[...] = s2

    @pl.when(i != 0)
    def _():
        colsum_ref[...] += s1
        colsq_ref[...] += s2


_stats_call = pl.pallas_call(
    _stats_body,
    grid=(NP // BNP,),
    in_specs=[pl.BlockSpec((BNP, C), lambda i: (i, 0))],
    out_specs=[pl.BlockSpec((1, C), lambda i: (0, 0)),
               pl.BlockSpec((1, C), lambda i: (0, 0))],
    out_shape=[jax.ShapeDtypeStruct((1, C), _F32),
               jax.ShapeDtypeStruct((1, C), _F32)],
)


def _pre_body(y_ref, x_ref, degp_ref, colsum_ref, colsq_ref, gnw_ref, gnb_ref,
              w_ref, y2_ref, xs0_ref, hs0_ref, disc_ref):
    G = _gmat()
    cnt = _F32(NOSC * N)
    mean = _gdot(colsum_ref[...], G) / cnt
    var = _gdot(colsq_ref[...], G) / cnt - mean * mean
    yn = (y_ref[...] - mean) * lax.rsqrt(var + EPS_GN)
    yv = yn * gnw_ref[...] + gnb_ref[...]
    y2_ref[...] = _sphere(yv, G)

    xs0 = _sphere(x_ref[...], G)
    xs0_ref[...] = xs0

    deg = degp_ref[0][:, 0:1] + degp_ref[1][:, 0:1] + 1.0
    disc = jnp.broadcast_to(lax.rsqrt(deg), (BNP, C))
    disc_ref[...] = disc
    hs0_ref[...] = jnp.dot(xs0, w_ref[...], preferred_element_type=_F32) * disc


_prow_spec = pl.BlockSpec((BNP, C), lambda i: (i, 0))
_pre_call = pl.pallas_call(
    _pre_body,
    grid=(NP // BNP,),
    in_specs=[
        _prow_spec,
        _prow_spec,
        pl.BlockSpec((NC, BNP, C), lambda i: (0, i, 0)),
        pl.BlockSpec((1, C), lambda i: (0, 0)),
        pl.BlockSpec((1, C), lambda i: (0, 0)),
        pl.BlockSpec((1, C), lambda i: (0, 0)),
        pl.BlockSpec((1, C), lambda i: (0, 0)),
        pl.BlockSpec((C, C), lambda i: (0, 0)),
    ],
    out_specs=[_prow_spec, _prow_spec, _prow_spec, _prow_spec],
    out_shape=[
        jax.ShapeDtypeStruct((NP, C), _F32),
        jax.ShapeDtypeStruct((NP, C), _F32),
        jax.ShapeDtypeStruct((NP, C), _F32),
        jax.ShapeDtypeStruct((NP, C), _F32),
    ],
)


BN = 2048


def _step_body(xs_ref, aggp_ref, hs_ref, disc_ref, y2_ref, w_ref, b_ref,
               gam_ref, xsn_ref, hsn_ref):
    G = _gmat()
    xs = xs_ref[...]
    dis = disc_ref[...]
    c = dis * (aggp_ref[0] + aggp_ref[1] + hs_ref[...]) + b_ref[...] + y2_ref[...]
    sim = _gdot(xs * c, G)
    dxdt = c - sim * xs
    xn = xs + gam_ref[...] * dxdt
    xsn = _sphere(xn, G)
    xsn_ref[...] = xsn
    hsn_ref[...] = jnp.dot(xsn, w_ref[...], preferred_element_type=_F32) * dis


_row_spec = pl.BlockSpec((BN, C), lambda i: (i, 0))
_step_call = pl.pallas_call(
    _step_body,
    grid=(NP // BN,),
    in_specs=[
        _row_spec,
        pl.BlockSpec((NC, BN, C), lambda i: (0, i, 0)),
        _row_spec,
        _row_spec,
        _row_spec,
        pl.BlockSpec((C, C), lambda i: (0, 0)),
        pl.BlockSpec((1, C), lambda i: (0, 0)),
        pl.BlockSpec((1, 1), lambda i: (0, 0)),
    ],
    out_specs=[_row_spec, _row_spec],
    out_shape=[
        jax.ShapeDtypeStruct((NP, C), _F32),
        jax.ShapeDtypeStruct((NP, C), _F32),
    ],
)



def kernel(x, y, sc, Q, gamma, W_gcn, b_gcn, gn_weight, gn_bias):
    pad = jnp.zeros((NP - N, C), _F32)
    x2 = jnp.concatenate([x.reshape(N, C), pad])
    y2in = jnp.concatenate([y.reshape(N, C), pad])
    epad = E_PAD - E
    packed = jnp.concatenate([
        (sc[0] << IDX_SHIFT) | sc[1],
        jnp.full((epad,), NP - 1, sc.dtype),
    ])
    ones_row = jnp.ones((CH, C), _F32)
    zer_agg = jnp.zeros((NP, C), _F32)
    gnw = gn_weight.reshape(1, C)
    gnb = gn_bias.reshape(1, C)
    bb = b_gcn.reshape(1, C)
    gam = jnp.asarray(gamma, _F32).reshape(1, 1)

    degp = _deg_call(ones_row, packed, zer_agg)
    colsum, colsq = _stats_call(y2in)
    y2n, xs0, hs0, disc = _pre_call(y2in, x2, degp, colsum, colsq, gnw, gnb, W_gcn)

    def body(_, carry):
        xs, hs = carry
        aggp = _agg_call(hs, packed, zer_agg)
        xsn, hsn = _step_call(xs, aggp, hs, disc, y2n, W_gcn, bb, gam)
        return (xsn, hsn)

    xs, _ = lax.fori_loop(0, Q, body, (xs0, hs0))
    return xs[:N].reshape(1, N, C)

# --- scband reference (transcript-rebuilt; emitter-appended) ---
"""Pipeline reference for scband-kuramoto-solver-3959959847449 (READ-ONLY COPY).

The authoritative reference and input builder live on the scoring server;
editing this copy changes nothing except your own understanding.
"""

import jax, jax.numpy as jnp
import numpy as np

N = 10000
E = 320000
C = 128
NOSC = 4
GROUPS = 32  # ch // n
EPS_SPHERE = 1e-6
EPS_GN = 1e-5


def _map_to_sphere(x):
    B_, N_, C_ = x.shape
    xv = x.reshape(B_, N_, C_ // NOSC, NOSC)
    norm2 = jnp.clip(jnp.sum(xv * xv, axis=-1, keepdims=True), EPS_SPHERE, None)
    xv = xv * jax.lax.rsqrt(norm2)
    return xv.reshape(B_, N_, C_)


def _project_osc(v, x):
    B_, N_, C_ = x.shape
    xv = x.reshape(B_, N_, C_ // NOSC, NOSC)
    vv = v.reshape(B_, N_, C_ // NOSC, NOSC)
    sim = jnp.sum(xv * vv, axis=-1, keepdims=True)
    out = vv - sim * xv
    return out.reshape(B_, N_, C_)


def _group_norm(y, w, b):
    # y: [B, C, N], GroupNorm(GROUPS, C, affine=True)
    B_, C_, N_ = y.shape
    yg = y.reshape(B_, GROUPS, C_ // GROUPS, N_)
    mean = jnp.mean(yg, axis=(2, 3), keepdims=True)
    var = jnp.var(yg, axis=(2, 3), keepdims=True)
    yg = (yg - mean) / jnp.sqrt(var + EPS_GN)
    y = yg.reshape(B_, C_, N_)
    return y * w[None, :, None] + b[None, :, None]


def _gcn_conv(x2d, edge_index, W, b):
    # standard GCNConv: add self-loops, symmetric normalization, x @ W, scatter-add
    src = jnp.concatenate([edge_index[0], jnp.arange(N, dtype=edge_index.dtype)])
    dst = jnp.concatenate([edge_index[1], jnp.arange(N, dtype=edge_index.dtype)])
    deg = jax.ops.segment_sum(jnp.ones(src.shape[0], dtype=x2d.dtype), dst, num_segments=N)
    dis = jnp.where(deg > 0, 1.0 / jnp.sqrt(jnp.clip(deg, 1e-12, None)), 0.0)
    norm = dis[src] * dis[dst]
    h = x2d @ W
    msg = h[src] * norm[:, None]
    out = jax.ops.segment_sum(msg, dst, num_segments=N)
    return out + b


def setup_inputs(seed: int = 0) -> dict:
    key = jax.random.key(seed)
    k1, k2, k3, k4 = jax.random.split(key, 4)
    x = jax.random.normal(k1, (1, N, C), dtype=jnp.float32)
    y = jax.random.normal(k2, (1, N, C), dtype=jnp.float32)
    sc = jax.random.randint(k3, (2, E), 0, N, dtype=jnp.int32)
    gamma = jnp.float32(1.0)
    W_gcn = jax.random.normal(k4, (C, C), dtype=jnp.float32) * (1.0 / np.sqrt(C))
    b_gcn = jnp.zeros((C,), dtype=jnp.float32)
    gn_weight = jnp.ones((C,), dtype=jnp.float32)
    gn_bias = jnp.zeros((C,), dtype=jnp.float32)
    return {"x": x, "y": y, "sc": sc, "Q": 4, "gamma": gamma,
            "W_gcn": W_gcn, "b_gcn": b_gcn, "gn_weight": gn_weight, "gn_bias": gn_bias}


def reference(x, y, sc, Q, gamma, W_gcn, b_gcn, gn_weight, gn_bias):
    # conditioning stimulus y: [B, N, C] -> GroupNorm over channels -> sphere
    yt = jnp.transpose(y, (0, 2, 1))            # [B, C, N]
    yt = _group_norm(yt, gn_weight, gn_bias)
    y2 = jnp.transpose(yt, (0, 2, 1))           # [B, N, C]
    y2 = _map_to_sphere(y2)
    xs = _map_to_sphere(x)

    def _step(_, xs_):
        # SyncModule conv path: batch=1, squeeze -> GCNConv -> unsqueeze
        c = _gcn_conv(xs_[0], sc, W_gcn, b_gcn)[None] + y2
        dxdt = _project_osc(c, xs_)
        return _map_to_sphere(xs_ + gamma * dxdt)

    xs = jax.lax.fori_loop(0, Q, _step, xs)
    return xs

if __name__ == "__main__":
    import jax
    _d = setup_inputs()
    print(jax.jit(kernel)(*tuple(_d.values())))

</pallas_src>

<mosaic_0001>
#map = affine_map<(d0, d1) -> (0, 0)>
#map1 = affine_map<(d0, d1) -> (0)>
#map2 = affine_map<(d0, d1) -> (0, 0, 0)>
module attributes {stable_mosaic.version = 14 : i64} {
  func.func @_agg_body(%arg0: i32, %arg1: i32, %arg2: memref<10240x128xf32, #tpu.memory_space<hbm>>, %arg3: memref<339328xi32, #tpu.memory_space<hbm>>, %arg4: memref<10240x128xf32, #tpu.memory_space<hbm>>, %arg5: memref<2x10240x128xf32, #tpu.memory_space<hbm>>, %arg6: memref<15744xi32, #tpu.memory_space<vmem>>, %arg7: memref<128xi32, #tpu.memory_space<vmem>>, %arg8: memref<128xi32, #tpu.memory_space<vmem>>, %arg9: memref<128xi32, #tpu.memory_space<vmem>>, %arg10: memref<128xi32, #tpu.memory_space<vmem>>, %arg11: memref<128x128xf32, #tpu.memory_space<vmem>>, %arg12: memref<128x128xf32, #tpu.memory_space<vmem>>, %arg13: memref<10240x128xf32, #tpu.memory_space<vmem_shared>>, %arg14: memref<!tpu.dma_semaphore, #tpu.memory_space<semaphore_mem>>, %arg15: memref<!tpu.dma_semaphore, #tpu.memory_space<semaphore_mem>>, %arg16: memref<!tpu.dma_semaphore, #tpu.memory_space<semaphore_mem>>, %arg17: memref<!tpu.dma_semaphore, #tpu.memory_space<semaphore_mem>>) attributes {dimension_semantics = [#tpu.dimension_semantics<core_parallel>, #tpu.dimension_semantics<subcore_parallel>], iteration_bounds = array<i64: 2, 16>, scalar_prefetch = 0 : i64, scratch_operands = 12 : i64, tpu.core_type = #tpu.core_type<sc_vector_subcore>, window_params = [{transform_indices = #map}, {transform_indices = #map1}, {transform_indices = #map}, {transform_indices = #map2}]} {
    %eq3A = arith.constant 0 : i32
    %eq3A_0 = arith.cmpi eq, %arg0, %eq3A : i32
    %jit3A = arith.constant 121 : i32
    %jit3A_1 = arith.constant 37 : i32
    %select_n3A = arith.select %eq3A_0, %jit3A, %jit3A_1 : i32
    %mul3A = arith.constant 247808 : i32
    %mul3A_2 = arith.muli %arg0, %mul3A : i32
    %eq3A_3 = arith.constant 0 : i32
    %eq3A_4 = arith.cmpi eq, %arg0, %eq3A_3 : i32
    %jit3A_5 = arith.constant 15488 : i32
    %jit3A_6 = arith.constant 4736 : i32
    %select_n3A_7 = arith.select %eq3A_4, %jit3A_5, %jit3A_6 : i32
    %mul3A_8 = arith.muli %arg1, %select_n3A_7 : i32
    %add3A = arith.addi %mul3A_2, %mul3A_8 : i32
    %eq3A_9 = arith.constant 0 : i32
    %eq3A_10 = arith.cmpi eq, %arg1, %eq3A_9 : i32
    %convert_element_type3A = arith.extui %eq3A_10 : i1 to i32
    %cond3A = arith.constant 0 : i32
    %cond3A_11 = arith.cmpi ne, %convert_element_type3A, %cond3A : i32
    scf.if %cond3A_11 {
      "tpu.region"() ({
        %run_scoped3A = tpu.sem_alloc : memref<!tpu.dma_semaphore, #tpu.memory_space<semaphore_mem>>
        tpu.enqueue_dma source(%arg4 : memref<10240x128xf32, #tpu.memory_space<hbm>>) target(%arg13 : memref<10240x128xf32, #tpu.memory_space<vmem_shared>>) target_semaphore(%run_scoped3A : memref<!tpu.dma_semaphore, #tpu.memory_space<semaphore_mem>>)
        tpu.wait_dma2 semaphore(%run_scoped3A : memref<!tpu.dma_semaphore, #tpu.memory_space<semaphore_mem>>) src(%arg4 : memref<10240x128xf32, #tpu.memory_space<hbm>>) dst(%arg13 : memref<10240x128xf32, #tpu.memory_space<vmem_shared>>)
        tpu.yield
      }) : () -> ()
    } else {
    }
    "tpu.region"() ({
      %run_scoped3A = tpu.sem_alloc : memref<!tpu.dma_semaphore, #tpu.memory_space<semaphore_mem>>
      %dma_start3A_332 = tpu.memref_slice %arg3[%add3A] : memref<339328xi32, #tpu.memory_space<hbm>> -> memref<15744xi32, #tpu.memory_space<hbm>>
      %dma_start3A_333 = tpu.memref_slice %arg3[%add3A] : memref<339328xi32, #tpu.memory_space<hbm>> -> memref<15744xi32, #tpu.memory_space<hbm>>
      tpu.enqueue_dma source(%dma_start3A_333 : memref<15744xi32, #tpu.memory_space<hbm>>) target(%arg6 : memref<15744xi32, #tpu.memory_space<vmem>>) target_semaphore(%run_scoped3A : memref<!tpu.dma_semaphore, #tpu.memory_space<semaphore_mem>>)
      %dma_wait3A_334 = tpu.memref_slice %arg3[%add3A] : memref<339328xi32, #tpu.memory_space<hbm>> -> memref<15744xi32, #tpu.memory_space<hbm>>
      %dma_wait3A_335 = tpu.memref_slice %arg3[%add3A] : memref<339328xi32, #tpu.memory_space<hbm>> -> memref<15744xi32, #tpu.memory_space<hbm>>
      tpu.wait_dma2 semaphore(%run_scoped3A : memref<!tpu.dma_semaphore, #tpu.memory_space<semaphore_mem>>) src(%dma_wait3A_335 : memref<15744xi32, #tpu.memory_space<hbm>>) dst(%arg6 : memref<15744xi32, #tpu.memory_space<vmem>>)
      tpu.yield
    }) : () -> ()
    %barrier3A = arith.constant 0 : index
    tpu.barrier barrier_id(%barrier3A)
    %get3A = arith.constant 0 : index
    %get3A_12 = tpu.vector_load %arg6[%get3A] {strides = array<i32>} : memref<15744xi32, #tpu.memory_space<vmem>>, vector<16xi32>,
    %get3A_13 = vector.shape_cast %get3A_12 : vector<16xi32> to vector<16xi32>
    %shift_right_logical3A = arith.constant 14 : i32
    %shift_right_logical3A_14 = vector.broadcast %shift_right_logical3A : i32 to vector<16xi32>
    %shift_right_logical3A_15 = arith.shrui %get3A_13, %shift_right_logical3A_14 : vector<16xi32>
    %swap3A = arith.constant 0 : index
    %swap3A_16 = tpu.vector_load %arg7[%swap3A] {strides = array<i32>} : memref<128xi32, #tpu.memory_space<vmem>>, vector<16xi32>,
    %swap3A_17 = vector.shape_cast %swap3A_16 : vector<16xi32> to vector<16xi32>
    %swap3A_18 = vector.shape_cast %shift_right_logical3A_15 : vector<16xi32> to vector<16xi32>
    tpu.vector_store %arg7[%swap3A], %swap3A_18 {strides = array<i32>} : memref<128xi32, #tpu.memory_space<vmem>>, vector<16xi32>,
    %and3A = arith.constant 16383 : i32
    %and3A_19 = vector.broadcast %and3A : i32 to vector<16xi32>
    %and3A_20 = arith.andi %get3A_13, %and3A_19 : vector<16xi32>
    %swap3A_21 = arith.constant 0 : index
    %swap3A_22 = tpu.vector_load %arg9[%swap3A_21] {strides = array<i32>} : memref<128xi32, #tpu.memory_space<vmem>>, vector<16xi32>,
    %swap3A_23 = vector.shape_cast %swap3A_22 : vector<16xi32> to vector<16xi32>
    %swap3A_24 = vector.shape_cast %and3A_20 : vector<16xi32> to vector<16xi32>
    tpu.vector_store %arg9[%swap3A_21], %swap3A_24 {strides = array<i32>} : memref<128xi32, #tpu.memory_space<vmem>>, vector<16xi32>,
    %get3A_25 = arith.constant 16 : index
    %get3A_26 = tpu.vector_load %arg6[%get3A_25] {strides = array<i32>} : memref<15744xi32, #tpu.memory_space<vmem>>, vector<16xi32>,
    %get3A_27 = vector.shape_cast %get3A_26 : vector<16xi32> to vector<16xi32>
    %shift_right_logical3A_28 = arith.constant 14 : i32
    %shift_right_logical3A_29 = vector.broadcast %shift_right_logical3A_28 : i32 to vector<16xi32>
    %shift_right_logical3A_30 = arith.shrui %get3A_27, %shift_right_logical3A_29 : vector<16xi32>
    %swap3A_31 = arith.constant 16 : index
    %swap3A_32 = tpu.vector_load %arg7[%swap3A_31] {strides = array<i32>} : memref<128xi32, #tpu.memory_space<vmem>>, vector<16xi32>,
    %swap3A_33 = vector.shape_cast %swap3A_32 : vector<16xi32> to vector<16xi32>
    %swap3A_34 = vector.shape_cast %shift_right_logical3A_30 : vector<16xi32> to vector<16xi32>
    tpu.vector_store %arg7[%swap3A_31], %swap3A_34 {strides = array<i32>} : memref<128xi32, #tpu.memory_space<vmem>>, vector<16xi32>,
    %and3A_35 = arith.constant 16383 : i32
    %and3A_36 = vector.broadcast %and3A_35 : i32 to vector<16xi32>
    %and3A_37 = arith.andi %get3A_27, %and3A_36 : vector<16xi32>
    %swap3A_38 = arith.constant 16 : index
    %swap3A_39 = tpu.vector_load %arg9[%swap3A_38] {strides = array<i32>} : memref<128xi32, #tpu.memory_space<vmem>>, vector<16xi32>,
    %swap3A_40 = vector.shape_cast %swap3A_39 : vector<16xi32> to vector<16xi32>
    %swap3A_41 = vector.shape_cast %and3A_37 : vector<16xi32> to vector<16xi32>
    tpu.vector_store %arg9[%swap3A_38], %swap3A_41 {strides = array<i32>} : memref<128xi32, #tpu.memory_space<vmem>>, vector<16xi32>,
    %get3A_42 = arith.constant 32 : index
    %get3A_43 = tpu.vector_load %arg6[%get3A_42] {strides = array<i32>} : memref<15744xi32, #tpu.memory_space<vmem>>, vector<16xi32>,
    %get3A_44 = vector.shape_cast %get3A_43 : vector<16xi32> to vector<16xi32>
    %shift_right_logical3A_45 = arith.constant 14 : i32
    %shift_right_logical3A_46 = vector.broadcast %shift_right_logical3A_45 : i32 to vector<16xi32>
    %shift_right_logical3A_47 = arith.shrui %get3A_44, %shift_right_logical3A_46 : vector<16xi32>
    %swap3A_48 = arith.constant 32 : index
    %swap3A_49 = tpu.vector_load %arg7[%swap3A_48] {strides = array<i32>} : memref<128xi32, #tpu.memory_space<vmem>>, vector<16xi32>,
    %swap3A_50 = vector.shape_cast %swap3A_49 : vector<16xi32> to vector<16xi32>
    %swap3A_51 = vector.shape_cast %shift_right_logical3A_47 : vector<16xi32> to vector<16xi32>
    tpu.vector_store %arg7[%swap3A_48], %swap3A_51 {strides = array<i32>} : memref<128xi32, #tpu.memory_space<vmem>>, vector<16xi32>,
    %and3A_52 = arith.constant 16383 : i32
    %and3A_53 = vector.broadcast %and3A_52 : i32 to vector<16xi32>
    %and3A_54 = arith.andi %get3A_44, %and3A_53 : vector<16xi32>
    %swap3A_55 = arith.constant 32 : index
    %swap3A_56 = tpu.vector_load %arg9[%swap3A_55] {strides = array<i32>} : memref<128xi32, #tpu.memory_space<vmem>>, vector<16xi32>,
    %swap3A_57 = vector.shape_cast %swap3A_56 : vector<16xi32> to vector<16xi32>
    %swap3A_58 = vector.shape_cast %and3A_54 : vector<16xi32> to vector<16xi32>
    tpu.vector_store %arg9[%swap3A_55], %swap3A_58 {strides = array<i32>} : memref<128xi32, #tpu.memory_space<vmem>>, vector<16xi32>,
    %get3A_59 = arith.constant 48 : index
    %get3A_60 = tpu.vector_load %arg6[%get3A_59] {strides = array<i32>} : memref<15744xi32, #tpu.memory_space<vmem>>, vector<16xi32>,
    %get3A_61 = vector.shape_cast %get3A_60 : vector<16xi32> to vector<16xi32>
    %shift_right_logical3A_62 = arith.constant 14 : i32
    %shift_right_logical3A_63 = vector.broadcast %shift_right_logical3A_62 : i32 to vector<16xi32>
    %shift_right_logical3A_64 = arith.shrui %get3A_61, %shift_right_logical3A_63 : vector<16xi32>
    %swap3A_65 = arith.constant 48 : index
    %swap3A_66 = tpu.vector_load %arg7[%swap3A_65] {strides = array<i32>} : memref<128xi32, #tpu.memory_space<vmem>>, vector<16xi32>,
    %swap3A_67 = vector.shape_cast %swap3A_66 : vector<16xi32> to vector<16xi32>
    %swap3A_68 = vector.shape_cast %shift_right_logical3A_64 : vector<16xi32> to vector<16xi32>
    tpu.vector_store %arg7[%swap3A_65], %swap3A_68 {strides = array<i32>} : memref<128xi32, #tpu.memory_space<vmem>>, vector<16xi32>,
    %and3A_69 = arith.constant 16383 : i32
    %and3A_70 = vector.broadcast %and3A_69 : i32 to vector<16xi32>
    %and3A_71 = arith.andi %get3A_61, %and3A_70 : vector<16xi32>
    %swap3A_72 = arith.constant 48 : index
    %swap3A_73 = tpu.vector_load %arg9[%swap3A_72] {strides = array<i32>} : memref<128xi32, #tpu.memory_space<vmem>>, vector<16xi32>,
    %swap3A_74 = vector.shape_cast %swap3A_73 : vector<16xi32> to vector<16xi32>
    %swap3A_75 = vector.shape_cast %and3A_71 : vector<16xi32> to vector<16xi32>
    tpu.vector_store %arg9[%swap3A_72], %swap3A_75 {strides = array<i32>} : memref<128xi32, #tpu.memory_space<vmem>>, vector<16xi32>,
    %get3A_76 = arith.constant 64 : index
    %get3A_77 = tpu.vector_load %arg6[%get3A_76] {strides = array<i32>} : memref<15744xi32, #tpu.memory_space<vmem>>, vector<16xi32>,
    %get3A_78 = vector.shape_cast %get3A_77 : vector<16xi32> to vector<16xi32>
    %shift_right_logical3A_79 = arith.constant 14 : i32
    %shift_right_logical3A_80 = vector.broadcast %shift_right_logical3A_79 : i32 to vector<16xi32>
    %shift_right_logical3A_81 = arith.shrui %get3A_78, %shift_right_logical3A_80 : vector<16xi32>
    %swap3A_82 = arith.constant 64 : index
    %swap3A_83 = tpu.vector_load %arg7[%swap3A_82] {strides = array<i32>} : memref<128xi32, #tpu.memory_space<vmem>>, vector<16xi32>,
    %swap3A_84 = vector.shape_cast %swap3A_83 : vector<16xi32> to vector<16xi32>
    %swap3A_85 = vector.shape_cast %shift_right_logical3A_81 : vector<16xi32> to vector<16xi32>
    tpu.vector_store %arg7[%swap3A_82], %swap3A_85 {strides = array<i32>} : memref<128xi32, #tpu.memory_space<vmem>>, vector<16xi32>,
    %and3A_86 = arith.constant 16383 : i32
    %and3A_87 = vector.broadcast %and3A_86 : i32 to vector<16xi32>
    %and3A_88 = arith.andi %get3A_78, %and3A_87 : vector<16xi32>
    %swap3A_89 = arith.constant 64 : index
    %swap3A_90 = tpu.vector_load %arg9[%swap3A_89] {strides = array<i32>} : memref<128xi32, #tpu.memory_space<vmem>>, vector<16xi32>,
    %swap3A_91 = vector.shape_cast %swap3A_90 : vector<16xi32> to vector<16xi32>
    %swap3A_92 = vector.shape_cast %and3A_88 : vector<16xi32> to vector<16xi32>
    tpu.vector_store %arg9[%swap3A_89], %swap3A_92 {strides = array<i32>} : memref<128xi32, #tpu.memory_space<vmem>>, vector<16xi32>,
    %get3A_93 = arith.constant 80 : index
    %get3A_94 = tpu.vector_load %arg6[%get3A_93] {strides = array<i32>} : memref<15744xi32, #tpu.memory_space<vmem>>, vector<16xi32>,
    %get3A_95 = vector.shape_cast %get3A_94 : vector<16xi32> to vector<16xi32>
    %shift_right_logical3A_96 = arith.constant 14 : i32
    %shift_right_logical3A_97 = vector.broadcast %shift_right_logical3A_96 : i32 to vector<16xi32>
    %shift_right_logical3A_98 = arith.shrui %get3A_95, %shift_right_logical3A_97 : vector<16xi32>
    %swap3A_99 = arith.constant 80 : index
    %swap3A_100 = tpu.vector_load %arg7[%swap3A_99] {strides = array<i32>} : memref<128xi32, #tpu.memory_space<vmem>>, vector<16xi32>,
    %swap3A_101 = vector.shape_cast %swap3A_100 : vector<16xi32> to vector<16xi32>
    %swap3A_102 = vector.shape_cast %shift_right_logical3A_98 : vector<16xi32> to vector<16xi32>
    tpu.vector_store %arg7[%swap3A_99], %swap3A_102 {strides = array<i32>} : memref<128xi32, #tpu.memory_space<vmem>>, vector<16xi32>,
    %and3A_103 = arith.constant 16383 : i32
    %and3A_104 = vector.broadcast %and3A_103 : i32 to vector<16xi32>
    %and3A_105 = arith.andi %get3A_95, %and3A_104 : vector<16xi32>
    %swap3A_106 = arith.constant 80 : index
    %swap3A_107 = tpu.vector_load %arg9[%swap3A_106] {strides = array<i32>} : memref<128xi32, #tpu.memory_space<vmem>>, vector<16xi32>,
    %swap3A_108 = vector.shape_cast %swap3A_107 : vector<16xi32> to vector<16xi32>
    %swap3A_109 = vector.shape_cast %and3A_105 : vector<16xi32> to vector<16xi32>
    tpu.vector_store %arg9[%swap3A_106], %swap3A_109 {strides = array<i32>} : memref<128xi32, #tpu.memory_space<vmem>>, vector<16xi32>,
    %get3A_110 = arith.constant 96 : index
    %get3A_111 = tpu.vector_load %arg6[%get3A_110] {strides = array<i32>} : memref<15744xi32, #tpu.memory_space<vmem>>, vector<16xi32>,
    %get3A_112 = vector.shape_cast %get3A_111 : vector<16xi32> to vector<16xi32>
    %shift_right_logical3A_113 = arith.constant 14 : i32
    %shift_right_logical3A_114 = vector.broadcast %shift_right_logical3A_113 : i32 to vector<16xi32>
    %shift_right_logical3A_115 = arith.shrui %get3A_112, %shift_right_logical3A_114 : vector<16xi32>
    %swap3A_116 = arith.constant 96 : index
    %swap3A_117 = tpu.vector_load %arg7[%swap3A_116] {strides = array<i32>} : memref<128xi32, #tpu.memory_space<vmem>>, vector<16xi32>,
    %swap3A_118 = vector.shape_cast %swap3A_117 : vector<16xi32> to vector<16xi32>
    %swap3A_119 = vector.shape_cast %shift_right_logical3A_115 : vector<16xi32> to vector<16xi32>
    tpu.vector_store %arg7[%swap3A_116], %swap3A_119 {strides = array<i32>} : memref<128xi32, #tpu.memory_space<vmem>>, vector<16xi32>,
    %and3A_120 = arith.constant 16383 : i32
    %and3A_121 = vector.broadcast %and3A_120 : i32 to vector<16xi32>
    %and3A_122 = arith.andi %get3A_112, %and3A_121 : vector<16xi32>
    %swap3A_123 = arith.constant 96 : index
    %swap3A_124 = tpu.vector_load %arg9[%swap3A_123] {strides = array<i32>} : memref<128xi32, #tpu.memory_space<vmem>>, vector<16xi32>,
    %swap3A_125 = vector.shape_cast %swap3A_124 : vector<16xi32> to vector<16xi32>
    %swap3A_126 = vector.shape_cast %and3A_122 : vector<16xi32> to vector<16xi32>
    tpu.vector_store %arg9[%swap3A_123], %swap3A_126 {strides = array<i32>} : memref<128xi32, #tpu.memory_space<vmem>>, vector<16xi32>,
    %get3A_127 = arith.constant 112 : index
    %get3A_128 = tpu.vector_load %arg6[%get3A_127] {strides = array<i32>} : memref<15744xi32, #tpu.memory_space<vmem>>, vector<16xi32>,
    %get3A_129 = vector.shape_cast %get3A_128 : vector<16xi32> to vector<16xi32>
    %shift_right_logical3A_130 = arith.constant 14 : i32
    %shift_right_logical3A_131 = vector.broadcast %shift_right_logical3A_130 : i32 to vector<16xi32>
    %shift_right_logical3A_132 = arith.shrui %get3A_129, %shift_right_logical3A_131 : vector<16xi32>
    %swap3A_133 = arith.constant 112 : index
    %swap3A_134 = tpu.vector_load %arg7[%swap3A_133] {strides = array<i32>} : memref<128xi32, #tpu.memory_space<vmem>>, vector<16xi32>,
    %swap3A_135 = vector.shape_cast %swap3A_134 : vector<16xi32> to vector<16xi32>
    %swap3A_136 = vector.shape_cast %shift_right_logical3A_132 : vector<16xi32> to vector<16xi32>
    tpu.vector_store %arg7[%swap3A_133], %swap3A_136 {strides = array<i32>} : memref<128xi32, #tpu.memory_space<vmem>>, vector<16xi32>,
    %and3A_137 = arith.constant 16383 : i32
    %and3A_138 = vector.broadcast %and3A_137 : i32 to vector<16xi32>
    %and3A_139 = arith.andi %get3A_129, %and3A_138 : vector<16xi32>
    %swap3A_140 = arith.constant 112 : index
    %swap3A_141 = tpu.vector_load %arg9[%swap3A_140] {strides = array<i32>} : memref<128xi32, #tpu.memory_space<vmem>>, vector<16xi32>,
    %swap3A_142 = vector.shape_cast %swap3A_141 : vector<16xi32> to vector<16xi32>
    %swap3A_143 = vector.shape_cast %and3A_139 : vector<16xi32> to vector<16xi32>
    tpu.vector_store %arg9[%swap3A_140], %swap3A_143 {strides = array<i32>} : memref<128xi32, #tpu.memory_space<vmem>>, vector<16xi32>,
    %dma_start3A = arith.constant 0 : i32
    %dma_start3A_144 = arith.constant 0 : i32
    %dma_start3A_145 = tpu.memref_slice %arg2[%dma_start3A, %dma_start3A_144] : memref<10240x128xf32, #tpu.memory_space<hbm>> -> memref<10240x128xf32, #tpu.memory_space<hbm>>
    tpu.enqueue_indirect_dma source(%dma_start3A_145 : memref<10240x128xf32, #tpu.memory_space<hbm>>) target(%arg11 : memref<128x128xf32, #tpu.memory_space<vmem>>) offsets(%arg7 : memref<128xi32, #tpu.memory_space<vmem>>) semaphore(%arg14 : memref<!tpu.dma_semaphore, #tpu.memory_space<semaphore_mem>>)
    %get3A_146 = arith.constant 128 : index
    %get3A_147 = tpu.vector_load %arg6[%get3A_146] {strides = array<i32>} : memref<15744xi32, #tpu.memory_space<vmem>>, vector<16xi32>,
    %get3A_148 = vector.shape_cast %get3A_147 : vector<16xi32> to vector<16xi32>
    %shift_right_logical3A_149 = arith.constant 14 : i32
    %shift_right_logical3A_150 = vector.broadcast %shift_right_logical3A_149 : i32 to vector<16xi32>
    %shift_right_logical3A_151 = arith.shrui %get3A_148, %shift_right_logical3A_150 : vector<16xi32>
    %swap3A_152 = arith.constant 0 : index
    %swap3A_153 = tpu.vector_load %arg8[%swap3A_152] {strides = array<i32>} : memref<128xi32, #tpu.memory_space<vmem>>, vector<16xi32>,
    %swap3A_154 = vector.shape_cast %swap3A_153 : vector<16xi32> to vector<16xi32>
    %swap3A_155 = vector.shape_cast %shift_right_logical3A_151 : vector<16xi32> to vector<16xi32>
    tpu.vector_store %arg8[%swap3A_152], %swap3A_155 {strides = array<i32>} : memref<128xi32, #tpu.memory_space<vmem>>, vector<16xi32>,
    %and3A_156 = arith.constant 16383 : i32
    %and3A_157 = vector.broadcast %and3A_156 : i32 to vector<16xi32>
    %and3A_158 = arith.andi %get3A_148, %and3A_157 : vector<16xi32>
    %swap3A_159 = arith.constant 0 : index
    %swap3A_160 = tpu.vector_load %arg10[%swap3A_159] {strides = array<i32>} : memref<128xi32, #tpu.memory_space<vmem>>, vector<16xi32>,
    %swap3A_161 = vector.shape_cast %swap3A_160 : vector<16xi32> to vector<16xi32>
    %swap3A_162 = vector.shape_cast %and3A_158 : vector<16xi32> to vector<16xi32>
    tpu.vector_store %arg10[%swap3A_159], %swap3A_162 {strides = array<i32>} : memref<128xi32, #tpu.memory_space<vmem>>, vector<16xi32>,
    %get3A_163 = arith.constant 144 : index
    %get3A_164 = tpu.vector_load %arg6[%get3A_163] {strides = array<i32>} : memref<15744xi32, #tpu.memory_space<vmem>>, vector<16xi32>,
    %get3A_165 = vector.shape_cast %get3A_164 : vector<16xi32> to vector<16xi32>
    %shift_right_logical3A_166 = arith.constant 14 : i32
    %shift_right_logical3A_167 = vector.broadcast %shift_right_logical3A_166 : i32 to vector<16xi32>
    %shift_right_logical3A_168 = arith.shrui %get3A_165, %shift_right_logical3A_167 : vector<16xi32>
    %swap3A_169 = arith.constant 16 : index
    %swap3A_170 = tpu.vector_load %arg8[%swap3A_169] {strides = array<i32>} : memref<128xi32, #tpu.memory_space<vmem>>, vector<16xi32>,
    %swap3A_171 = vector.shape_cast %swap3A_170 : vector<16xi32> to vector<16xi32>
    %swap3A_172 = vector.shape_cast %shift_right_logical3A_168 : vector<16xi32> to vector<16xi32>
    tpu.vector_store %arg8[%swap3A_169], %swap3A_172 {strides = array<i32>} : memref<128xi32, #tpu.memory_space<vmem>>, vector<16xi32>,
    %and3A_173 = arith.constant 16383 : i32
    %and3A_174 = vector.broadcast %and3A_173 : i32 to vector<16xi32>
    %and3A_175 = arith.andi %get3A_165, %and3A_174 : vector<16xi32>
    %swap3A_176 = arith.constant 16 : index
    %swap3A_177 = tpu.vector_load %arg10[%swap3A_176] {strides = array<i32>} : memref<128xi32, #tpu.memory_space<vmem>>, vector<16xi32>,
    %swap3A_178 = vector.shape_cast %swap3A_177 : vector<16xi32> to vector<16xi32>
    %swap3A_179 = vector.shape_cast %and3A_175 : vector<16xi32> to vector<16xi32>
    tpu.vector_store %arg10[%swap3A_176], %swap3A_179 {strides = array<i32>} : memref<128xi32, #tpu.memory_space<vmem>>, vector<16xi32>,
    %get3A_180 = arith.constant 160 : index
    %get3A_181 = tpu.vector_load %arg6[%get3A_180] {strides = array<i32>} : memref<15744xi32, #tpu.memory_space<vmem>>, vector<16xi32>,
    %get3A_182 = vector.shape_cast %get3A_181 : vector<16xi32> to vector<16xi32>
    %shift_right_logical3A_183 = arith.constant 14 : i32
    %shift_right_logical3A_184 = vector.broadcast %shift_right_logical3A_183 : i32 to vector<16xi32>
    %shift_right_logical3A_185 = arith.shrui %get3A_182, %shift_right_logical3A_184 : vector<16xi32>
    %swap3A_186 = arith.constant 32 : index
    %swap3A_187 = tpu.vector_load %arg8[%swap3A_186] {strides = array<i32>} : memref<128xi32, #tpu.memory_space<vmem>>, vector<16xi32>,
    %swap3A_188 = vector.shape_cast %swap3A_187 : vector<16xi32> to vector<16xi32>
    %swap3A_189 = vector.shape_cast %shift_right_logical3A_185 : vector<16xi32> to vector<16xi32>
    tpu.vector_store %arg8[%swap3A_186], %swap3A_189 {strides = array<i32>} : memref<128xi32, #tpu.memory_space<vmem>>, vector<16xi32>,
    %and3A_190 = arith.constant 16383 : i32
    %and3A_191 = vector.broadcast %and3A_190 : i32 to vector<16xi32>
    %and3A_192 = arith.andi %get3A_182, %and3A_191 : vector<16xi32>
    %swap3A_193 = arith.constant 32 : index
    %swap3A_194 = tpu.vector_load %arg10[%swap3A_193] {strides = array<i32>} : memref<128xi32, #tpu.memory_space<vmem>>, vector<16xi32>,
    %swap3A_195 = vector.shape_cast %swap3A_194 : vector<16xi32> to vector<16xi32>
    %swap3A_196 = vector.shape_cast %and3A_192 : vector<16xi32> to vector<16xi32>
    tpu.vector_store %arg10[%swap3A_193], %swap3A_196 {strides = array<i32>} : memref<128xi32, #tpu.memory_space<vmem>>, vector<16xi32>,
    %get3A_197 = arith.constant 176 : index
    %get3A_198 = tpu.vector_load %arg6[%get3A_197] {strides = array<i32>} : memref<15744xi32, #tpu.memory_space<vmem>>, vector<16xi32>,
    %get3A_199 = vector.shape_cast %get3A_198 : vector<16xi32> to vector<16xi32>
    %shift_right_logical3A_200 = arith.constant 14 : i32
    %shift_right_logical3A_201 = vector.broadcast %shift_right_logical3A_200 : i32 to vector<16xi32>
    %shift_right_logical3A_202 = arith.shrui %get3A_199, %shift_right_logical3A_201 : vector<16xi32>
    %swap3A_203 = arith.constant 48 : index
    %swap3A_204 = tpu.vector_load %arg8[%swap3A_203] {strides = array<i32>} : memref<128xi32, #tpu.memory_space<vmem>>, vector<16xi32>,
    %swap3A_205 = vector.shape_cast %swap3A_204 : vector<16xi32> to vector<16xi32>
    %swap3A_206 = vector.shape_cast %shift_right_logical3A_202 : vector<16xi32> to vector<16xi32>
    tpu.vector_store %arg8[%swap3A_203], %swap3A_206 {strides = array<i32>} : memref<128xi32, #tpu.memory_space<vmem>>, vector<16xi32>,
    %and3A_207 = arith.constant 16383 : i32
    %and3A_208 = vector.broadcast %and3A_207 : i32 to vector<16xi32>
    %and3A_209 = arith.andi %get3A_199, %and3A_208 : vector<16xi32>
    %swap3A_210 = arith.constant 48 : index
    %swap3A_211 = tpu.vector_load %arg10[%swap3A_210] {strides = array<i32>} : memref<128xi32, #tpu.memory_space<vmem>>, vector<16xi32>,
    %swap3A_212 = vector.shape_cast %swap3A_211 : vector<16xi32> to vector<16xi32>
    %swap3A_213 = vector.shape_cast %and3A_209 : vector<16xi32> to vector<16xi32>
    tpu.vector_store %arg10[%swap3A_210], %swap3A_213 {strides = array<i32>} : memref<128xi32, #tpu.memory_space<vmem>>, vector<16xi32>,
    %get3A_214 = arith.constant 192 : index
    %get3A_215 = tpu.vector_load %arg6[%get3A_214] {strides = array<i32>} : memref<15744xi32, #tpu.memory_space<vmem>>, vector<16xi32>,
    %get3A_216 = vector.shape_cast %get3A_215 : vector<16xi32> to vector<16xi32>
    %shift_right_logical3A_217 = arith.constant 14 : i32
    %shift_right_logical3A_218 = vector.broadcast %shift_right_logical3A_217 : i32 to vector<16xi32>
    %shift_right_logical3A_219 = arith.shrui %get3A_216, %shift_right_logical3A_218 : vector<16xi32>
    %swap3A_220 = arith.constant 64 : index
    %swap3A_221 = tpu.vector_load %arg8[%swap3A_220] {strides = array<i32>} : memref<128xi32, #tpu.memory_space<vmem>>, vector<16xi32>,
    %swap3A_222 = vector.shape_cast %swap3A_221 : vector<16xi32> to vector<16xi32>
    %swap3A_223 = vector.shape_cast %shift_right_logical3A_219 : vector<16xi32> to vector<16xi32>
    tpu.vector_store %arg8[%swap3A_220], %swap3A_223 {strides = array<i32>} : memref<128xi32, #tpu.memory_space<vmem>>, vector<16xi32>,
    %and3A_224 = arith.constant 16383 : i32
    %and3A_225 = vector.broadcast %and3A_224 : i32 to vector<16xi32>
    %and3A_226 = arith.andi %get3A_216, %and3A_225 : vector<16xi32>
    %swap3A_227 = arith.constant 64 : index
    %swap3A_228 = tpu.vector_load %arg10[%swap3A_227] {strides = array<i32>} : memref<128xi32, #tpu.memory_space<vmem>>, vector<16xi32>,
    %swap3A_229 = vector.shape_cast %swap3A_228 : vector<16xi32> to vector<16xi32>
    %swap3A_230 = vector.shape_cast %and3A_226 : vector<16xi32> to vector<16xi32>
    tpu.vector_store %arg10[%swap3A_227], %swap3A_230 {strides = array<i32>} : memref<128xi32, #tpu.memory_space<vmem>>, vector<16xi32>,
    %get3A_231 = arith.constant 208 : index
    %get3A_232 = tpu.vector_load %arg6[%get3A_231] {strides = array<i32>} : memref<15744xi32, #tpu.memory_space<vmem>>, vector<16xi32>,
    %get3A_233 = vector.shape_cast %get3A_232 : vector<16xi32> to vector<16xi32>
    %shift_right_logical3A_234 = arith.constant 14 : i32
    %shift_right_logical3A_235 = vector.broadcast %shift_right_logical3A_234 : i32 to vector<16xi32>
    %shift_right_logical3A_236 = arith.shrui %get3A_233, %shift_right_logical3A_235 : vector<16xi32>
    %swap3A_237 = arith.constant 80 : index
    %swap3A_238 = tpu.vector_load %arg8[%swap3A_237] {strides = array<i32>} : memref<128xi32, #tpu.memory_space<vmem>>, vector<16xi32>,
    %swap3A_239 = vector.shape_cast %swap3A_238 : vector<16xi32> to vector<16xi32>
    %swap3A_240 = vector.shape_cast %shift_right_logical3A_236 : vector<16xi32> to vector<16xi32>
    tpu.vector_store %arg8[%swap3A_237], %swap3A_240 {strides = array<i32>} : memref<128xi32, #tpu.memory_space<vmem>>, vector<16xi32>,
    %and3A_241 = arith.constant 16383 : i32
    %and3A_242 = vector.broadcast %and3A_241 : i32 to vector<16xi32>
    %and3A_243 = arith.andi %get3A_233, %and3A_242 : vector<16xi32>
    %swap3A_244 = arith.constant 80 : index
    %swap3A_245 = tpu.vector_load %arg10[%swap3A_244] {strides = array<i32>} : memref<128xi32, #tpu.memory_space<vmem>>, vector<16xi32>,
    %swap3A_246 = vector.shape_cast %swap3A_245 : vector<16xi32> to vector<16xi32>
    %swap3A_247 = vector.shape_cast %and3A_243 : vector<16xi32> to vector<16xi32>
    tpu.vector_store %arg10[%swap3A_244], %swap3A_247 {strides = array<i32>} : memref<128xi32, #tpu.memory_space<vmem>>, vector<16xi32>,
    %get3A_248 = arith.constant 224 : index
    %get3A_249 = tpu.vector_load %arg6[%get3A_248] {strides = array<i32>} : memref<15744xi32, #tpu.memory_space<vmem>>, vector<16xi32>,
    %get3A_250 = vector.shape_cast %get3A_249 : vector<16xi32> to vector<16xi32>
    %shift_right_logical3A_251 = arith.constant 14 : i32
    %shift_right_logical3A_252 = vector.broadcast %shift_right_logical3A_251 : i32 to vector<16xi32>
    %shift_right_logical3A_253 = arith.shrui %get3A_250, %shift_right_logical3A_252 : vector<16xi32>
    %swap3A_254 = arith.constant 96 : index
    %swap3A_255 = tpu.vector_load %arg8[%swap3A_254] {strides = array<i32>} : memref<128xi32, #tpu.memory_space<vmem>>, vector<16xi32>,
    %swap3A_256 = vector.shape_cast %swap3A_255 : vector<16xi32> to vector<16xi32>
    %swap3A_257 = vector.shape_cast %shift_right_logical3A_253 : vector<16xi32> to vector<16xi32>
    tpu.vector_store %arg8[%swap3A_254], %swap3A_257 {strides = array<i32>} : memref<128xi32, #tpu.memory_space<vmem>>, vector<16xi32>,
    %and3A_258 = arith.constant 16383 : i32
    %and3A_259 = vector.broadcast %and3A_258 : i32 to vector<16xi32>
    %and3A_260 = arith.andi %get3A_250, %and3A_259 : vector<16xi32>
    %swap3A_261 = arith.constant 96 : index
    %swap3A_262 = tpu.vector_load %arg10[%swap3A_261] {strides = array<i32>} : memref<128xi32, #tpu.memory_space<vmem>>, vector<16xi32>,
    %swap3A_263 = vector.shape_cast %swap3A_262 : vector<16xi32> to vector<16xi32>
    %swap3A_264 = vector.shape_cast %and3A_260 : vector<16xi32> to vector<16xi32>
    tpu.vector_store %arg10[%swap3A_261], %swap3A_264 {strides = array<i32>} : memref<128xi32, #tpu.memory_space<vmem>>, vector<16xi32>,
    %get3A_265 = arith.constant 240 : index
    %get3A_266 = tpu.vector_load %arg6[%get3A_265] {strides = array<i32>} : memref<15744xi32, #tpu.memory_space<vmem>>, vector<16xi32>,
    %get3A_267 = vector.shape_cast %get3A_266 : vector<16xi32> to vector<16xi32>
    %shift_right_logical3A_268 = arith.constant 14 : i32
    %shift_right_logical3A_269 = vector.broadcast %shift_right_logical3A_268 : i32 to vector<16xi32>
    %shift_right_logical3A_270 = arith.shrui %get3A_267, %shift_right_logical3A_269 : vector<16xi32>
    %swap3A_271 = arith.constant 112 : index
    %swap3A_272 = tpu.vector_load %arg8[%swap3A_271] {strides = array<i32>} : memref<128xi32, #tpu.memory_space<vmem>>, vector<16xi32>,
    %swap3A_273 = vector.shape_cast %swap3A_272 : vector<16xi32> to vector<16xi32>
    %swap3A_274 = vector.shape_cast %shift_right_logical3A_270 : vector<16xi32> to vector<16xi32>
    tpu.vector_store %arg8[%swap3A_271], %swap3A_274 {strides = array<i32>} : memref<128xi32, #tpu.memory_space<vmem>>, vector<16xi32>,
    %and3A_275 = arith.constant 16383 : i32
    %and3A_276 = vector.broadcast %and3A_275 : i32 to vector<16xi32>
    %and3A_277 = arith.andi %get3A_267, %and3A_276 : vector<16xi32>
    %swap3A_278 = arith.constant 112 : index
    %swap3A_279 = tpu.vector_load %arg10[%swap3A_278] {strides = array<i32>} : memref<128xi32, #tpu.memory_space<vmem>>, vector<16xi32>,
    %swap3A_280 = vector.shape_cast %swap3A_279 : vector<16xi32> to vector<16xi32>
    %swap3A_281 = vector.shape_cast %and3A_277 : vector<16xi32> to vector<16xi32>
    tpu.vector_store %arg10[%swap3A_278], %swap3A_281 {strides = array<i32>} : memref<128xi32, #tpu.memory_space<vmem>>, vector<16xi32>,
    %dma_start3A_282 = arith.constant 0 : i32
    %dma_start3A_283 = arith.constant 0 : i32
    %dma_start3A_284 = tpu.memref_slice %arg2[%dma_start3A_282, %dma_start3A_283] : memref<10240x128xf32, #tpu.memory_space<hbm>> -> memref<10240x128xf32, #tpu.memory_space<hbm>>
    tpu.enqueue_indirect_dma source(%dma_start3A_284 : memref<10240x128xf32, #tpu.memory_space<hbm>>) target(%arg12 : memref<128x128xf32, #tpu.memory_space<vmem>>) offsets(%arg8 : memref<128xi32, #tpu.memory_space<vmem>>) semaphore(%arg15 : memref<!tpu.dma_semaphore, #tpu.memory_space<semaphore_mem>>)
    %dma_wait3A = arith.constant 0 : i32
    %dma_wait3A_285 = arith.constant 0 : i32
    %dma_wait3A_286 = tpu.memref_slice %arg2[%dma_wait3A, %dma_wait3A_285] : memref<10240x128xf32, #tpu.memory_space<hbm>> -> memref<10240x128xf32, #tpu.memory_space<hbm>>
    tpu.wait_indirect_dma semaphore(%arg14 : memref<!tpu.dma_semaphore, #tpu.memory_space<semaphore_mem>>) src(%dma_wait3A_286 : memref<10240x128xf32, #tpu.memory_space<hbm>>) dst(%arg11 : memref<128x128xf32, #tpu.memory_space<vmem>>)
    %dma_start3A_287 = arith.constant 0 : i32
    %dma_start3A_288 = arith.constant 0 : i32
    %dma_start3A_289 = tpu.memref_slice %arg13[%dma_start3A_287, %dma_start3A_288] : memref<10240x128xf32, #tpu.memory_space<vmem_shared>> -> memref<10240x128xf32, #tpu.memory_space<vmem_shared>>
    tpu.enqueue_indirect_dma source(%arg11 : memref<128x128xf32, #tpu.memory_space<vmem>>) target(%dma_start3A_289 : memref<10240x128xf32, #tpu.memory_space<vmem_shared>>) offsets(%arg9 : memref<128xi32, #tpu.memory_space<vmem>>) semaphore(%arg16 : memref<!tpu.dma_semaphore, #tpu.memory_space<semaphore_mem>>) {add = true}
    %sub3A = arith.constant 1 : i32
    %sub3A_290 = arith.subi %select_n3A, %sub3A : i32
    %jit3A_291 = arith.constant 2 : i32
    %div3A = arith.divsi %sub3A_290, %jit3A_291 : i32
    %sign3A = arith.constant 0 : i32
    %sign3A_292 = arith.cmpi sgt, %sub3A_290, %sign3A : i32
    %sign3A_293 = arith.extui %sign3A_292 : i1 to i32
    %sign3A_294 = arith.constant 0 : i32
    %sign3A_295 = arith.cmpi slt, %sub3A_290, %sign3A_294 : i32
    %sign3A_296 = arith.extui %sign3A_295 : i1 to i32
    %sign3A_297 = arith.subi %sign3A_293, %sign3A_296 : i32
    %sign3A_298 = arith.constant 0 : i32
    %sign3A_299 = arith.cmpi sgt, %jit3A_291, %sign3A_298 : i32
    %sign3A_300 = arith.extui %sign3A_299 : i1 to i32
    %sign3A_301 = arith.constant 0 : i32
    %sign3A_302 = arith.cmpi slt, %jit3A_291, %sign3A_301 : i32
    %sign3A_303 = arith.extui %sign3A_302 : i1 to i32
    %sign3A_304 = arith.subi %sign3A_300, %sign3A_303 : i32
    %ne3A = arith.cmpi ne, %sign3A_297, %sign3A_304 : i32
    %rem3A = arith.remsi %sub3A_290, %jit3A_291 : i32
    %ne3A_305 = arith.constant 0 : i32
    %ne3A_306 = arith.cmpi ne, %rem3A, %ne3A_305 : i32
    %and3A_307 = arith.andi %ne3A, %ne3A_306 : i1
    %sub3A_308 = arith.constant 1 : i32
    %sub3A_309 = arith.subi %div3A, %sub3A_308 : i32
    %select_n3A_310 = arith.select %and3A_307, %sub3A_309, %div3A : i32
    %while3A = arith.constant 0 : i32
    %while3A_311 = arith.constant 0 : i32
    %while3A_312 = arith.subi %select_n3A_310, %while3A_311 : i32
    %while3A_313 = arith.addi %while3A_311, %while3A_312 : i32
    %while3A_314 = arith.constant 1 : i32
    %while3A_315 = arith.divsi %while3A_312, %while3A_314 : i32
    %while3A_316 = arith.muli %while3A_315, %while3A_314 : i32
    %while3A_317 = arith.addi %while3A_311, %while3A_316 : i32
    %while3A_318 = arith.constant 1 : i32
    scf.for %while3A_332 = %while3A_311 to %while3A_317 step %while3A_318  : i32 {
      %mul3A_333 = arith.constant 2 : i32
      %mul3A_334 = arith.muli %mul3A_333, %while3A_332 : i32
      %add3A_335 = arith.constant 1 : i32
      %add3A_336 = arith.addi %mul3A_334, %add3A_335 : i32
      %dma_wait3A_337 = arith.constant 0 : i32
      %dma_wait3A_338 = arith.constant 0 : i32
      %dma_wait3A_339 = tpu.memref_slice %arg2[%dma_wait3A_337, %dma_wait3A_338] : memref<10240x128xf32, #tpu.memory_space<hbm>> -> memref<10240x128xf32, #tpu.memory_space<hbm>>
      tpu.wait_indirect_dma semaphore(%arg15 : memref<!tpu.dma_semaphore, #tpu.memory_space<semaphore_mem>>) src(%dma_wait3A_339 : memref<10240x128xf32, #tpu.memory_space<hbm>>) dst(%arg12 : memref<128x128xf32, #tpu.memory_space<vmem>>)
      %dma_start3A_340 = arith.constant 0 : i32
      %dma_start3A_341 = arith.constant 0 : i32
      %dma_start3A_342 = tpu.memref_slice %arg13[%dma_start3A_340, %dma_start3A_341] : memref<10240x128xf32, #tpu.memory_space<vmem_shared>> -> memref<10240x128xf32, #tpu.memory_space<vmem_shared>>
      tpu.enqueue_indirect_dma source(%arg12 : memref<128x128xf32, #tpu.memory_space<vmem>>) target(%dma_start3A_342 : memref<10240x128xf32, #tpu.memory_space<vmem_shared>>) offsets(%arg10 : memref<128xi32, #tpu.memory_space<vmem>>) semaphore(%arg17 : memref<!tpu.dma_semaphore, #tpu.memory_space<semaphore_mem>>) {add = true}
      %dma_wait3A_343 = arith.constant 0 : i32
      %dma_wait3A_344 = arith.constant 0 : i32
      %dma_wait3A_345 = tpu.memref_slice %arg13[%dma_wait3A_343, %dma_wait3A_344] : memref<10240x128xf32, #tpu.memory_space<vmem_shared>> -> memref<10240x128xf32, #tpu.memory_space<vmem_shared>>
      tpu.wait_indirect_dma semaphore(%arg16 : memref<!tpu.dma_semaphore, #tpu.memory_space<semaphore_mem>>) src(%arg11 : memref<128x128xf32, #tpu.memory_space<vmem>>) dst(%dma_wait3A_345 : memref<10240x128xf32, #tpu.memory_space<vmem_shared>>)
      %add3A_346 = arith.constant 1 : i32
      %add3A_347 = arith.addi %add3A_336, %add3A_346 : i32
      %mul3A_348 = arith.constant 128 : i32
      %mul3A_349 = arith.muli %add3A_347, %mul3A_348 : i32
      %add3A_350 = arith.constant 0 : i32
      %add3A_351 = arith.addi %mul3A_349, %add3A_350 : i32
      %get3A_352 = arith.index_cast %add3A_351 : i32 to index
      %get3A_353 = tpu.vector_load %arg6[%get3A_352] {strides = array<i32>} : memref<15744xi32, #tpu.memory_space<vmem>>, vector<16xi32>,
      %get3A_354 = vector.shape_cast %get3A_353 : vector<16xi32> to vector<16xi32>
      %shift_right_logical3A_355 = arith.constant 14 : i32
      %shift_right_logical3A_356 = vector.broadcast %shift_right_logical3A_355 : i32 to vector<16xi32>
      %shift_right_logical3A_357 = arith.shrui %get3A_354, %shift_right_logical3A_356 : vector<16xi32>
      %swap3A_358 = arith.constant 0 : index
      %swap3A_359 = tpu.vector_load %arg7[%swap3A_358] {strides = array<i32>} : memref<128xi32, #tpu.memory_space<vmem>>, vector<16xi32>,
      %swap3A_360 = vector.shape_cast %swap3A_359 : vector<16xi32> to vector<16xi32>
      %swap3A_361 = vector.shape_cast %shift_right_logical3A_357 : vector<16xi32> to vector<16xi32>
      tpu.vector_store %arg7[%swap3A_358], %swap3A_361 {strides = array<i32>} : memref<128xi32, #tpu.memory_space<vmem>>, vector<16xi32>,
      %and3A_362 = arith.constant 16383 : i32
      %and3A_363 = vector.broadcast %and3A_362 : i32 to vector<16xi32>
      %and3A_364 = arith.andi %get3A_354, %and3A_363 : vector<16xi32>
      %swap3A_365 = arith.constant 0 : index
      %swap3A_366 = tpu.vector_load %arg9[%swap3A_365] {strides = array<i32>} : memref<128xi32, #tpu.memory_space<vmem>>, vector<16xi32>,
      %swap3A_367 = vector.shape_cast %swap3A_366 : vector<16xi32> to vector<16xi32>
      %swap3A_368 = vector.shape_cast %and3A_364 : vector<16xi32> to vector<16xi32>
      tpu.vector_store %arg9[%swap3A_365], %swap3A_368 {strides = array<i32>} : memref<128xi32, #tpu.memory_space<vmem>>, vector<16xi32>,
      %mul3A_369 = arith.constant 128 : i32
      %mul3A_370 = arith.muli %add3A_347, %mul3A_369 : i32
      %add3A_371 = arith.constant 16 : i32
      %add3A_372 = arith.addi %mul3A_370, %add3A_371 : i32
      %get3A_373 = arith.index_cast %add3A_372 : i32 to index
      %get3A_374 = tpu.vector_load %arg6[%get3A_373] {strides = array<i32>} : memref<15744xi32, #tpu.memory_space<vmem>>, vector<16xi32>,
      %get3A_375 = vector.shape_cast %get3A_374 : vector<16xi32> to vector<16xi32>
      %shift_right_logical3A_376 = arith.constant 14 : i32
      %shift_right_logical3A_377 = vector.broadcast %shift_right_logical3A_376 : i32 to vector<16xi32>
      %shift_right_logical3A_378 = arith.shrui %get3A_375, %shift_right_logical3A_377 : vector<16xi32>
      %swap3A_379 = arith.constant 16 : index
      %swap3A_380 = tpu.vector_load %arg7[%swap3A_379] {strides = array<i32>} : memref<128xi32, #tpu.memory_space<vmem>>, vector<16xi32>,
      %swap3A_381 = vector.shape_cast %swap3A_380 : vector<16xi32> to vector<16xi32>
      %swap3A_382 = vector.shape_cast %shift_right_logical3A_378 : vector<16xi32> to vector<16xi32>
      tpu.vector_store %arg7[%swap3A_379], %swap3A_382 {strides = array<i32>} : memref<128xi32, #tpu.memory_space<vmem>>, vector<16xi32>,
      %and3A_383 = arith.constant 16383 : i32
      %and3A_384 = vector.broadcast %and3A_383 : i32 to vector<16xi32>
      %and3A_385 = arith.andi %get3A_375, %and3A_384 : vector<16xi32>
      %swap3A_386 = arith.constant 16 : index
      %swap3A_387 = tpu.vector_load %arg9[%swap3A_386] {strides = array<i32>} : memref<128xi32, #tpu.memory_space<vmem>>, vector<16xi32>,
      %swap3A_388 = vector.shape_cast %swap3A_387 : vector<16xi32> to vector<16xi32>
      %swap3A_389 = vector.shape_cast %and3A_385 : vector<16xi32> to vector<16xi32>
      tpu.vector_store %arg9[%swap3A_386], %swap3A_389 {strides = array<i32>} : memref<128xi32, #tpu.memory_space<vmem>>, vector<16xi32>,
      %mul3A_390 = arith.constant 128 : i32
      %mul3A_391 = arith.muli %add3A_347, %mul3A_390 : i32
      %add3A_392 = arith.constant 32 : i32
      %add3A_393 = arith.addi %mul3A_391, %add3A_392 : i32
      %get3A_394 = arith.index_cast %add3A_393 : i32 to index
      %get3A_395 = tpu.vector_load %arg6[%get3A_394] {strides = array<i32>} : memref<15744xi32, #tpu.memory_space<vmem>>, vector<16xi32>,
      %get3A_396 = vector.shape_cast %get3A_395 : vector<16xi32> to vector<16xi32>
      %shift_right_logical3A_397 = arith.constant 14 : i32
      %shift_right_logical3A_398 = vector.broadcast %shift_right_logical3A_397 : i32 to vector<16xi32>
      %shift_right_logical3A_399 = arith.shrui %get3A_396, %shift_right_logical3A_398 : vector<16xi32>
      %swap3A_400 = arith.constant 32 : index
      %swap3A_401 = tpu.vector_load %arg7[%swap3A_400] {strides = array<i32>} : memref<128xi32, #tpu.memory_space<vmem>>, vector<16xi32>,
      %swap3A_402 = vector.shape_cast %swap3A_401 : vector<16xi32> to vector<16xi32>
      %swap3A_403 = vector.shape_cast %shift_right_logical3A_399 : vector<16xi32> to vector<16xi32>
      tpu.vector_store %arg7[%swap3A_400], %swap3A_403 {strides = array<i32>} : memref<128xi32, #tpu.memory_space<vmem>>, vector<16xi32>,
      %and3A_404 = arith.constant 16383 : i32
      %and3A_405 = vector.broadcast %and3A_404 : i32 to vector<16xi32>
      %and3A_406 = arith.andi %get3A_396, %and3A_405 : vector<16xi32>
      %swap3A_407 = arith.constant 32 : index
      %swap3A_408 = tpu.vector_load %arg9[%swap3A_407] {strides = array<i32>} : memref<128xi32, #tpu.memory_space<vmem>>, vector<16xi32>,
      %swap3A_409 = vector.shape_cast %swap3A_408 : vector<16xi32> to vector<16xi32>
      %swap3A_410 = vector.shape_cast %and3A_406 : vector<16xi32> to vector<16xi32>
      tpu.vector_store %arg9[%swap3A_407], %swap3A_410 {strides = array<i32>} : memref<128xi32, #tpu.memory_space<vmem>>, vector<16xi32>,
      %mul3A_411 = arith.constant 128 : i32
      %mul3A_412 = arith.muli %add3A_347, %mul3A_411 : i32
      %add3A_413 = arith.constant 48 : i32
      %add3A_414 = arith.addi %mul3A_412, %add3A_413 : i32
      %get3A_415 = arith.index_cast %add3A_414 : i32 to index
      %get3A_416 = tpu.vector_load %arg6[%get3A_415] {strides = array<i32>} : memref<15744xi32, #tpu.memory_space<vmem>>, vector<16xi32>,
      %get3A_417 = vector.shape_cast %get3A_416 : vector<16xi32> to vector<16xi32>
      %shift_right_logical3A_418 = arith.constant 14 : i32
      %shift_right_logical3A_419 = vector.broadcast %shift_right_logical3A_418 : i32 to vector<16xi32>
      %shift_right_logical3A_420 = arith.shrui %get3A_417, %shift_right_logical3A_419 : vector<16xi32>
      %swap3A_421 = arith.constant 48 : index
      %swap3A_422 = tpu.vector_load %arg7[%swap3A_421] {strides = array<i32>} : memref<128xi32, #tpu.memory_space<vmem>>, vector<16xi32>,
      %swap3A_423 = vector.shape_cast %swap3A_422 : vector<16xi32> to vector<16xi32>
      %swap3A_424 = vector.shape_cast %shift_right_logical3A_420 : vector<16xi32> to vector<16xi32>
      tpu.vector_store %arg7[%swap3A_421], %swap3A_424 {strides = array<i32>} : memref<128xi32, #tpu.memory_space<vmem>>, vector<16xi32>,
      %and3A_425 = arith.constant 16383 : i32
      %and3A_426 = vector.broadcast %and3A_425 : i32 to vector<16xi32>
      %and3A_427 = arith.andi %get3A_417, %and3A_426 : vector<16xi32>
      %swap3A_428 = arith.constant 48 : index
      %swap3A_429 = tpu.vector_load %arg9[%swap3A_428] {strides = array<i32>} : memref<128xi32, #tpu.memory_space<vmem>>, vector<16xi32>,
      %swap3A_430 = vector.shape_cast %swap3A_429 : vector<16xi32> to vector<16xi32>
      %swap3A_431 = vector.shape_cast %and3A_427 : vector<16xi32> to vector<16xi32>
      tpu.vector_store %arg9[%swap3A_428], %swap3A_431 {strides = array<i32>} : memref<128xi32, #tpu.memory_space<vmem>>, vector<16xi32>,
      %mul3A_432 = arith.constant 128 : i32
      %mul3A_433 = arith.muli %add3A_347, %mul3A_432 : i32
      %add3A_434 = arith.constant 64 : i32
      %add3A_435 = arith.addi %mul3A_433, %add3A_434 : i32
      %get3A_436 = arith.index_cast %add3A_435 : i32 to index
      %get3A_437 = tpu.vector_load %arg6[%get3A_436] {strides = array<i32>} : memref<15744xi32, #tpu.memory_space<vmem>>, vector<16xi32>,
      %get3A_438 = vector.shape_cast %get3A_437 : vector<16xi32> to vector<16xi32>
      %shift_right_logical3A_439 = arith.constant 14 : i32
      %shift_right_logical3A_440 = vector.broadcast %shift_right_logical3A_439 : i32 to vector<16xi32>
      %shift_right_logical3A_441 = arith.shrui %get3A_438, %shift_right_logical3A_440 : vector<16xi32>
      %swap3A_442 = arith.constant 64 : index
      %swap3A_443 = tpu.vector_load %arg7[%swap3A_442] {strides = array<i32>} : memref<128xi32, #tpu.memory_space<vmem>>, vector<16xi32>,
      %swap3A_444 = vector.shape_cast %swap3A_443 : vector<16xi32> to vector<16xi32>
      %swap3A_445 = vector.shape_cast %shift_right_logical3A_441 : vector<16xi32> to vector<16xi32>
      tpu.vector_store %arg7[%swap3A_442], %swap3A_445 {strides = array<i32>} : memref<128xi32, #tpu.memory_space<vmem>>, vector<16xi32>,
      %and3A_446 = arith.constant 16383 : i32
      %and3A_447 = vector.broadcast %and3A_446 : i32 to vector<16xi32>
      %and3A_448 = arith.andi %get3A_438, %and3A_447 : vector<16xi32>
      %swap3A_449 = arith.constant 64 : index
      %swap3A_450 = tpu.vector_load %arg9[%swap3A_449] {strides = array<i32>} : memref<128xi32, #tpu.memory_space<vmem>>, vector<16xi32>,
      %swap3A_451 = vector.shape_cast %swap3A_450 : vector<16xi32> to vector<16xi32>
      %swap3A_452 = vector.shape_cast %and3A_448 : vector<16xi32> to vector<16xi32>
      tpu.vector_store %arg9[%swap3A_449], %swap3A_452 {strides = array<i32>} : memref<128xi32, #tpu.memory_space<vmem>>, vector<16xi32>,
      %mul3A_453 = arith.constant 128 : i32
      %mul3A_454 = arith.muli %add3A_347, %mul3A_453 : i32
      %add3A_455 = arith.constant 80 : i32
      %add3A_456 = arith.addi %mul3A_454, %add3A_455 : i32
      %get3A_457 = arith.index_cast %add3A_456 : i32 to index
      %get3A_458 = tpu.vector_load %arg6[%get3A_457] {strides = array<i32>} : memref<15744xi32, #tpu.memory_space<vmem>>, vector<16xi32>,
      %get3A_459 = vector.shape_cast %get3A_458 : vector<16xi32> to vector<16xi32>
      %shift_right_logical3A_460 = arith.constant 14 : i32
      %shift_right_logical3A_461 = vector.broadcast %shift_right_logical3A_460 : i32 to vector<16xi32>
      %shift_right_logical3A_462 = arith.shrui %get3A_459, %shift_right_logical3A_461 : vector<16xi32>
      %swap3A_463 = arith.constant 80 : index
      %swap3A_464 = tpu.vector_load %arg7[%swap3A_463] {strides = array<i32>} : memref<128xi32, #tpu.memory_space<vmem>>, vector<16xi32>,
      %swap3A_465 = vector.shape_cast %swap3A_464 : vector<16xi32> to vector<16xi32>
      %swap3A_466 = vector.shape_cast %shift_right_logical3A_462 : vector<16xi32> to vector<16xi32>
      tpu.vector_store %arg7[%swap3A_463], %swap3A_466 {strides = array<i32>} : memref<128xi32, #tpu.memory_space<vmem>>, vector<16xi32>,
      %and3A_467 = arith.constant 16383 : i32
      %and3A_468 = vector.broadcast %and3A_467 : i32 to vector<16xi32>
      %and3A_469 = arith.andi %get3A_459, %and3A_468 : vector<16xi32>
      %swap3A_470 = arith.constant 80 : index
      %swap3A_471 = tpu.vector_load %arg9[%swap3A_470] {strides = array<i32>} : memref<128xi32, #tpu.memory_space<vmem>>, vector<16xi32>,
      %swap3A_472 = vector.shape_cast %swap3A_471 : vector<16xi32> to vector<16xi32>
      %swap3A_473 = vector.shape_cast %and3A_469 : vector<16xi32> to vector<16xi32>
      tpu.vector_store %arg9[%swap3A_470], %swap3A_473 {strides = array<i32>} : memref<128xi32, #tpu.memory_space<vmem>>, vector<16xi32>,
      %mul3A_474 = arith.constant 128 : i32
      %mul3A_475 = arith.muli %add3A_347, %mul3A_474 : i32
      %add3A_476 = arith.constant 96 : i32
      %add3A_477 = arith.addi %mul3A_475, %add3A_476 : i32
      %get3A_478 = arith.index_cast %add3A_477 : i32 to index
      %get3A_479 = tpu.vector_load %arg6[%get3A_478] {strides = array<i32>} : memref<15744xi32, #tpu.memory_space<vmem>>, vector<16xi32>,
      %get3A_480 = vector.shape_cast %get3A_479 : vector<16xi32> to vector<16xi32>
      %shift_right_logical3A_481 = arith.constant 14 : i32
      %shift_right_logical3A_482 = vector.broadcast %shift_right_logical3A_481 : i32 to vector<16xi32>
      %shift_right_logical3A_483 = arith.shrui %get3A_480, %shift_right_logical3A_482 : vector<16xi32>
      %swap3A_484 = arith.constant 96 : index
      %swap3A_485 = tpu.vector_load %arg7[%swap3A_484] {strides = array<i32>} : memref<128xi32, #tpu.memory_space<vmem>>, vector<16xi32>,
      %swap3A_486 = vector.shape_cast %swap3A_485 : vector<16xi32> to vector<16xi32>
      %swap3A_487 = vector.shape_cast %shift_right_logical3A_483 : vector<16xi32> to vector<16xi32>
      tpu.vector_store %arg7[%swap3A_484], %swap3A_487 {strides = array<i32>} : memref<128xi32, #tpu.memory_space<vmem>>, vector<16xi32>,
      %and3A_488 = arith.constant 16383 : i32
      %and3A_489 = vector.broadcast %and3A_488 : i32 to vector<16xi32>
      %and3A_490 = arith.andi %get3A_480, %and3A_489 : vector<16xi32>
      %swap3A_491 = arith.constant 96 : index
      %swap3A_492 = tpu.vector_load %arg9[%swap3A_491] {strides = array<i32>} : memref<128xi32, #tpu.memory_space<vmem>>, vector<16xi32>,
      %swap3A_493 = vector.shape_cast %swap3A_492 : vector<16xi32> to vector<16xi32>
      %swap3A_494 = vector.shape_cast %and3A_490 : vector<16xi32> to vector<16xi32>
      tpu.vector_store %arg9[%swap3A_491], %swap3A_494 {strides = array<i32>} : memref<128xi32, #tpu.memory_space<vmem>>, vector<16xi32>,
      %mul3A_495 = arith.constant 128 : i32
      %mul3A_496 = arith.muli %add3A_347, %mul3A_495 : i32
      %add3A_497 = arith.constant 112 : i32
      %add3A_498 = arith.addi %mul3A_496, %add3A_497 : i32
      %get3A_499 = arith.index_cast %add3A_498 : i32 to index
      %get3A_500 = tpu.vector_load %arg6[%get3A_499] {strides = array<i32>} : memref<15744xi32, #tpu.memory_space<vmem>>, vector<16xi32>,
      %get3A_501 = vector.shape_cast %get3A_500 : vector<16xi32> to vector<16xi32>
      %shift_right_logical3A_502 = arith.constant 14 : i32
      %shift_right_logical3A_503 = vector.broadcast %shift_right_logical3A_502 : i32 to vector<16xi32>
      %shift_right_logical3A_504 = arith.shrui %get3A_501, %shift_right_logical3A_503 : vector<16xi32>
      %swap3A_505 = arith.constant 112 : index
      %swap3A_506 = tpu.vector_load %arg7[%swap3A_505] {strides = array<i32>} : memref<128xi32, #tpu.memory_space<vmem>>, vector<16xi32>,
      %swap3A_507 = vector.shape_cast %swap3A_506 : vector<16xi32> to vector<16xi32>
      %swap3A_508 = vector.shape_cast %shift_right_logical3A_504 : vector<16xi32> to vector<16xi32>
      tpu.vector_store %arg7[%swap3A_505], %swap3A_508 {strides = array<i32>} : memref<128xi32, #tpu.memory_space<vmem>>, vector<16xi32>,
      %and3A_509 = arith.constant 16383 : i32
      %and3A_510 = vector.broadcast %and3A_509 : i32 to vector<16xi32>
      %and3A_511 = arith.andi %get3A_501, %and3A_510 : vector<16xi32>
      %swap3A_512 = arith.constant 112 : index
      %swap3A_513 = tpu.vector_load %arg9[%swap3A_512] {strides = array<i32>} : memref<128xi32, #tpu.memory_space<vmem>>, vector<16xi32>,
      %swap3A_514 = vector.shape_cast %swap3A_513 : vector<16xi32> to vector<16xi32>
      %swap3A_515 = vector.shape_cast %and3A_511 : vector<16xi32> to vector<16xi32>
      tpu.vector_store %arg9[%swap3A_512], %swap3A_515 {strides = array<i32>} : memref<128xi32, #tpu.memory_space<vmem>>, vector<16xi32>,
      %add3A_516 = arith.constant 1 : i32
      %add3A_517 = arith.addi %add3A_336, %add3A_516 : i32
      %dma_start3A_518 = arith.constant 0 : i32
      %dma_start3A_519 = arith.constant 0 : i32
      %dma_start3A_520 = tpu.memref_slice %arg2[%dma_start3A_518, %dma_start3A_519] : memref<10240x128xf32, #tpu.memory_space<hbm>> -> memref<10240x128xf32, #tpu.memory_space<hbm>>
      tpu.enqueue_indirect_dma source(%dma_start3A_520 : memref<10240x128xf32, #tpu.memory_space<hbm>>) target(%arg11 : memref<128x128xf32, #tpu.memory_space<vmem>>) offsets(%arg7 : memref<128xi32, #tpu.memory_space<vmem>>) semaphore(%arg14 : memref<!tpu.dma_semaphore, #tpu.memory_space<semaphore_mem>>)
      %dma_wait3A_521 = arith.constant 0 : i32
      %dma_wait3A_522 = arith.constant 0 : i32
      %dma_wait3A_523 = tpu.memref_slice %arg2[%dma_wait3A_521, %dma_wait3A_522] : memref<10240x128xf32, #tpu.memory_space<hbm>> -> memref<10240x128xf32, #tpu.memory_space<hbm>>
      tpu.wait_indirect_dma semaphore(%arg14 : memref<!tpu.dma_semaphore, #tpu.memory_space<semaphore_mem>>) src(%dma_wait3A_523 : memref<10240x128xf32, #tpu.memory_space<hbm>>) dst(%arg11 : memref<128x128xf32, #tpu.memory_space<vmem>>)
      %dma_start3A_524 = arith.constant 0 : i32
      %dma_start3A_525 = arith.constant 0 : i32
      %dma_start3A_526 = tpu.memref_slice %arg13[%dma_start3A_524, %dma_start3A_525] : memref<10240x128xf32, #tpu.memory_space<vmem_shared>> -> memref<10240x128xf32, #tpu.memory_space<vmem_shared>>
      tpu.enqueue_indirect_dma source(%arg11 : memref<128x128xf32, #tpu.memory_space<vmem>>) target(%dma_start3A_526 : memref<10240x128xf32, #tpu.memory_space<vmem_shared>>) offsets(%arg9 : memref<128xi32, #tpu.memory_space<vmem>>) semaphore(%arg16 : memref<!tpu.dma_semaphore, #tpu.memory_space<semaphore_mem>>) {add = true}
      %dma_wait3A_527 = arith.constant 0 : i32
      %dma_wait3A_528 = arith.constant 0 : i32
      %dma_wait3A_529 = tpu.memref_slice %arg13[%dma_wait3A_527, %dma_wait3A_528] : memref<10240x128xf32, #tpu.memory_space<vmem_shared>> -> memref<10240x128xf32, #tpu.memory_space<vmem_shared>>
      tpu.wait_indirect_dma semaphore(%arg17 : memref<!tpu.dma_semaphore, #tpu.memory_space<semaphore_mem>>) src(%arg12 : memref<128x128xf32, #tpu.memory_space<vmem>>) dst(%dma_wait3A_529 : memref<10240x128xf32, #tpu.memory_space<vmem_shared>>)
      %add3A_530 = arith.constant 2 : i32
      %add3A_531 = arith.addi %add3A_336, %add3A_530 : i32
      %mul3A_532 = arith.constant 128 : i32
      %mul3A_533 = arith.muli %add3A_531, %mul3A_532 : i32
      %add3A_534 = arith.constant 0 : i32
      %add3A_535 = arith.addi %mul3A_533, %add3A_534 : i32
      %get3A_536 = arith.index_cast %add3A_535 : i32 to index
      %get3A_537 = tpu.vector_load %arg6[%get3A_536] {strides = array<i32>} : memref<15744xi32, #tpu.memory_space<vmem>>, vector<16xi32>,
      %get3A_538 = vector.shape_cast %get3A_537 : vector<16xi32> to vector<16xi32>
      %shift_right_logical3A_539 = arith.constant 14 : i32
      %shift_right_logical3A_540 = vector.broadcast %shift_right_logical3A_539 : i32 to vector<16xi32>
      %shift_right_logical3A_541 = arith.shrui %get3A_538, %shift_right_logical3A_540 : vector<16xi32>
      %swap3A_542 = arith.constant 0 : index
      %swap3A_543 = tpu.vector_load %arg8[%swap3A_542] {strides = array<i32>} : memref<128xi32, #tpu.memory_space<vmem>>, vector<16xi32>,
      %swap3A_544 = vector.shape_cast %swap3A_543 : vector<16xi32> to vector<16xi32>
      %swap3A_545 = vector.shape_cast %shift_right_logical3A_541 : vector<16xi32> to vector<16xi32>
      tpu.vector_store %arg8[%swap3A_542], %swap3A_545 {strides = array<i32>} : memref<128xi32, #tpu.memory_space<vmem>>, vector<16xi32>,
      %and3A_546 = arith.constant 16383 : i32
      %and3A_547 = vector.broadcast %and3A_546 : i32 to vector<16xi32>
      %and3A_548 = arith.andi %get3A_538, %and3A_547 : vector<16xi32>
      %swap3A_549 = arith.constant 0 : index
      %swap3A_550 = tpu.vector_load %arg10[%swap3A_549] {strides = array<i32>} : memref<128xi32, #tpu.memory_space<vmem>>, vector<16xi32>,
      %swap3A_551 = vector.shape_cast %swap3A_550 : vector<16xi32> to vector<16xi32>
      %swap3A_552 = vector.shape_cast %and3A_548 : vector<16xi32> to vector<16xi32>
      tpu.vector_store %arg10[%swap3A_549], %swap3A_552 {strides = array<i32>} : memref<128xi32, #tpu.memory_space<vmem>>, vector<16xi32>,
      %mul3A_553 = arith.constant 128 : i32
      %mul3A_554 = arith.muli %add3A_531, %mul3A_553 : i32
      %add3A_555 = arith.constant 16 : i32
      %add3A_556 = arith.addi %mul3A_554, %add3A_555 : i32
      %get3A_557 = arith.index_cast %add3A_556 : i32 to index
      %get3A_558 = tpu.vector_load %arg6[%get3A_557] {strides = array<i32>} : memref<15744xi32, #tpu.memory_space<vmem>>, vector<16xi32>,
      %get3A_559 = vector.shape_cast %get3A_558 : vector<16xi32> to vector<16xi32>
      %shift_right_logical3A_560 = arith.constant 14 : i32
      %shift_right_logical3A_561 = vector.broadcast %shift_right_logical3A_560 : i32 to vector<16xi32>
      %shift_right_logical3A_562 = arith.shrui %get3A_559, %shift_right_logical3A_561 : vector<16xi32>
      %swap3A_563 = arith.constant 16 : index
      %swap3A_564 = tpu.vector_load %arg8[%swap3A_563] {strides = array<i32>} : memref<128xi32, #tpu.memory_space<vmem>>, vector<16xi32>,
      %swap3A_565 = vector.shape_cast %swap3A_564 : vector<16xi32> to vector<16xi32>
      %swap3A_566 = vector.shape_cast %shift_right_logical3A_562 : vector<16xi32> to vector<16xi32>
      tpu.vector_store %arg8[%swap3A_563], %swap3A_566 {strides = array<i32>} : memref<128xi32, #tpu.memory_space<vmem>>, vector<16xi32>,
      %and3A_567 = arith.constant 16383 : i32
      %and3A_568 = vector.broadcast %and3A_567 : i32 to vector<16xi32>
      %and3A_569 = arith.andi %get3A_559, %and3A_568 : vector<16xi32>
      %swap3A_570 = arith.constant 16 : index
      %swap3A_571 = tpu.vector_load %arg10[%swap3A_570] {strides = array<i32>} : memref<128xi32, #tpu.memory_space<vmem>>, vector<16xi32>,
      %swap3A_572 = vector.shape_cast %swap3A_571 : vector<16xi32> to vector<16xi32>
      %swap3A_573 = vector.shape_cast %and3A_569 : vector<16xi32> to vector<16xi32>
      tpu.vector_store %arg10[%swap3A_570], %swap3A_573 {strides = array<i32>} : memref<128xi32, #tpu.memory_space<vmem>>, vector<16xi32>,
      %mul3A_574 = arith.constant 128 : i32
      %mul3A_575 = arith.muli %add3A_531, %mul3A_574 : i32
      %add3A_576 = arith.constant 32 : i32
      %add3A_577 = arith.addi %mul3A_575, %add3A_576 : i32
      %get3A_578 = arith.index_cast %add3A_577 : i32 to index
      %get3A_579 = tpu.vector_load %arg6[%get3A_578] {strides = array<i32>} : memref<15744xi32, #tpu.memory_space<vmem>>, vector<16xi32>,
      %get3A_580 = vector.shape_cast %get3A_579 : vector<16xi32> to vector<16xi32>
      %shift_right_logical3A_581 = arith.constant 14 : i32
      %shift_right_logical3A_582 = vector.broadcast %shift_right_logical3A_581 : i32 to vector<16xi32>
      %shift_right_logical3A_583 = arith.shrui %get3A_580, %shift_right_logical3A_582 : vector<16xi32>
      %swap3A_584 = arith.constant 32 : index
      %swap3A_585 = tpu.vector_load %arg8[%swap3A_584] {strides = array<i32>} : memref<128xi32, #tpu.memory_space<vmem>>, vector<16xi32>,
      %swap3A_586 = vector.shape_cast %swap3A_585 : vector<16xi32> to vector<16xi32>
      %swap3A_587 = vector.shape_cast %shift_right_logical3A_583 : vector<16xi32> to vector<16xi32>
      tpu.vector_store %arg8[%swap3A_584], %swap3A_587 {strides = array<i32>} : memref<128xi32, #tpu.memory_space<vmem>>, vector<16xi32>,
      %and3A_588 = arith.constant 16383 : i32
      %and3A_589 = vector.broadcast %and3A_588 : i32 to vector<16xi32>
      %and3A_590 = arith.andi %get3A_580, %and3A_589 : vector<16xi32>
      %swap3A_591 = arith.constant 32 : index
      %swap3A_592 = tpu.vector_load %arg10[%swap3A_591] {strides = array<i32>} : memref<128xi32, #tpu.memory_space<vmem>>, vector<16xi32>,
      %swap3A_593 = vector.shape_cast %swap3A_592 : vector<16xi32> to vector<16xi32>
      %swap3A_594 = vector.shape_cast %and3A_590 : vector<16xi32> to vector<16xi32>
      tpu.vector_store %arg10[%swap3A_591], %swap3A_594 {strides = array<i32>} : memref<128xi32, #tpu.memory_space<vmem>>, vector<16xi32>,
      %mul3A_595 = arith.constant 128 : i32
      %mul3A_596 = arith.muli %add3A_531, %mul3A_595 : i32
      %add3A_597 = arith.constant 48 : i32
      %add3A_598 = arith.addi %mul3A_596, %add3A_597 : i32
      %get3A_599 = arith.index_cast %add3A_598 : i32 to index
      %get3A_600 = tpu.vector_load %arg6[%get3A_599] {strides = array<i32>} : memref<15744xi32, #tpu.memory_space<vmem>>, vector<16xi32>,
      %get3A_601 = vector.shape_cast %get3A_600 : vector<16xi32> to vector<16xi32>
      %shift_right_logical3A_602 = arith.constant 14 : i32
      %shift_right_logical3A_603 = vector.broadcast %shift_right_logical3A_602 : i32 to vector<16xi32>
      %shift_right_logical3A_604 = arith.shrui %get3A_601, %shift_right_logical3A_603 : vector<16xi32>
      %swap3A_605 = arith.constant 48 : index
      %swap3A_606 = tpu.vector_load %arg8[%swap3A_605] {strides = array<i32>} : memref<128xi32, #tpu.memory_space<vmem>>, vector<16xi32>,
      %swap3A_607 = vector.shape_cast %swap3A_606 : vector<16xi32> to vector<16xi32>
      %swap3A_608 = vector.shape_cast %shift_right_logical3A_604 : vector<16xi32> to vector<16xi32>
      tpu.vector_store %arg8[%swap3A_605], %swap3A_608 {strides = array<i32>} : memref<128xi32, #tpu.memory_space<vmem>>, vector<16xi32>,
      %and3A_609 = arith.constant 16383 : i32
      %and3A_610 = vector.broadcast %and3A_609 : i32 to vector<16xi32>
      %and3A_611 = arith.andi %get3A_601, %and3A_610 : vector<16xi32>
      %swap3A_612 = arith.constant 48 : index
      %swap3A_613 = tpu.vector_load %arg10[%swap3A_612] {strides = array<i32>} : memref<128xi32, #tpu.memory_space<vmem>>, vector<16xi32>,
      %swap3A_614 = vector.shape_cast %swap3A_613 : vector<16xi32> to vector<16xi32>
      %swap3A_615 = vector.shape_cast %and3A_611 : vector<16xi32> to vector<16xi32>
      tpu.vector_store %arg10[%swap3A_612], %swap3A_615 {strides = array<i32>} : memref<128xi32, #tpu.memory_space<vmem>>, vector<16xi32>,
      %mul3A_616 = arith.constant 128 : i32
      %mul3A_617 = arith.muli %add3A_531, %mul3A_616 : i32
      %add3A_618 = arith.constant 64 : i32
      %add3A_619 = arith.addi %mul3A_617, %add3A_618 : i32
      %get3A_620 = arith.index_cast %add3A_619 : i32 to index
      %get3A_621 = tpu.vector_load %arg6[%get3A_620] {strides = array<i32>} : memref<15744xi32, #tpu.memory_space<vmem>>, vector<16xi32>,
      %get3A_622 = vector.shape_cast %get3A_621 : vector<16xi32> to vector<16xi32>
      %shift_right_logical3A_623 = arith.constant 14 : i32
      %shift_right_logical3A_624 = vector.broadcast %shift_right_logical3A_623 : i32 to vector<16xi32>
      %shift_right_logical3A_625 = arith.shrui %get3A_622, %shift_right_logical3A_624 : vector<16xi32>
      %swap3A_626 = arith.constant 64 : index
      %swap3A_627 = tpu.vector_load %arg8[%swap3A_626] {strides = array<i32>} : memref<128xi32, #tpu.memory_space<vmem>>, vector<16xi32>,
      %swap3A_628 = vector.shape_cast %swap3A_627 : vector<16xi32> to vector<16xi32>
      %swap3A_629 = vector.shape_cast %shift_right_logical3A_625 : vector<16xi32> to vector<16xi32>
      tpu.vector_store %arg8[%swap3A_626], %swap3A_629 {strides = array<i32>} : memref<128xi32, #tpu.memory_space<vmem>>, vector<16xi32>,
      %and3A_630 = arith.constant 16383 : i32
      %and3A_631 = vector.broadcast %and3A_630 : i32 to vector<16xi32>
      %and3A_632 = arith.andi %get3A_622, %and3A_631 : vector<16xi32>
      %swap3A_633 = arith.constant 64 : index
      %swap3A_634 = tpu.vector_load %arg10[%swap3A_633] {strides = array<i32>} : memref<128xi32, #tpu.memory_space<vmem>>, vector<16xi32>,
      %swap3A_635 = vector.shape_cast %swap3A_634 : vector<16xi32> to vector<16xi32>
      %swap3A_636 = vector.shape_cast %and3A_632 : vector<16xi32> to vector<16xi32>
      tpu.vector_store %arg10[%swap3A_633], %swap3A_636 {strides = array<i32>} : memref<128xi32, #tpu.memory_space<vmem>>, vector<16xi32>,
      %mul3A_637 = arith.constant 128 : i32
      %mul3A_638 = arith.muli %add3A_531, %mul3A_637 : i32
      %add3A_639 = arith.constant 80 : i32
      %add3A_640 = arith.addi %mul3A_638, %add3A_639 : i32
      %get3A_641 = arith.index_cast %add3A_640 : i32 to index
      %get3A_642 = tpu.vector_load %arg6[%get3A_641] {strides = array<i32>} : memref<15744xi32, #tpu.memory_space<vmem>>, vector<16xi32>,
      %get3A_643 = vector.shape_cast %get3A_642 : vector<16xi32> to vector<16xi32>
      %shift_right_logical3A_644 = arith.constant 14 : i32
      %shift_right_logical3A_645 = vector.broadcast %shift_right_logical3A_644 : i32 to vector<16xi32>
      %shift_right_logical3A_646 = arith.shrui %get3A_643, %shift_right_logical3A_645 : vector<16xi32>
      %swap3A_647 = arith.constant 80 : index
      %swap3A_648 = tpu.vector_load %arg8[%swap3A_647] {strides = array<i32>} : memref<128xi32, #tpu.memory_space<vmem>>, vector<16xi32>,
      %swap3A_649 = vector.shape_cast %swap3A_648 : vector<16xi32> to vector<16xi32>
      %swap3A_650 = vector.shape_cast %shift_right_logical3A_646 : vector<16xi32> to vector<16xi32>
      tpu.vector_store %arg8[%swap3A_647], %swap3A_650 {strides = array<i32>} : memref<128xi32, #tpu.memory_space<vmem>>, vector<16xi32>,
      %and3A_651 = arith.constant 16383 : i32
      %and3A_652 = vector.broadcast %and3A_651 : i32 to vector<16xi32>
      %and3A_653 = arith.andi %get3A_643, %and3A_652 : vector<16xi32>
      %swap3A_654 = arith.constant 80 : index
      %swap3A_655 = tpu.vector_load %arg10[%swap3A_654] {strides = array<i32>} : memref<128xi32, #tpu.memory_space<vmem>>, vector<16xi32>,
      %swap3A_656 = vector.shape_cast %swap3A_655 : vector<16xi32> to vector<16xi32>
      %swap3A_657 = vector.shape_cast %and3A_653 : vector<16xi32> to vector<16xi32>
      tpu.vector_store %arg10[%swap3A_654], %swap3A_657 {strides = array<i32>} : memref<128xi32, #tpu.memory_space<vmem>>, vector<16xi32>,
      %mul3A_658 = arith.constant 128 : i32
      %mul3A_659 = arith.muli %add3A_531, %mul3A_658 : i32
      %add3A_660 = arith.constant 96 : i32
      %add3A_661 = arith.addi %mul3A_659, %add3A_660 : i32
      %get3A_662 = arith.index_cast %add3A_661 : i32 to index
      %get3A_663 = tpu.vector_load %arg6[%get3A_662] {strides = array<i32>} : memref<15744xi32, #tpu.memory_space<vmem>>, vector<16xi32>,
      %get3A_664 = vector.shape_cast %get3A_663 : vector<16xi32> to vector<16xi32>
      %shift_right_logical3A_665 = arith.constant 14 : i32
      %shift_right_logical3A_666 = vector.broadcast %shift_right_logical3A_665 : i32 to vector<16xi32>
      %shift_right_logical3A_667 = arith.shrui %get3A_664, %shift_right_logical3A_666 : vector<16xi32>
      %swap3A_668 = arith.constant 96 : index
      %swap3A_669 = tpu.vector_load %arg8[%swap3A_668] {strides = array<i32>} : memref<128xi32, #tpu.memory_space<vmem>>, vector<16xi32>,
      %swap3A_670 = vector.shape_cast %swap3A_669 : vector<16xi32> to vector<16xi32>
      %swap3A_671 = vector.shape_cast %shift_right_logical3A_667 : vector<16xi32> to vector<16xi32>
      tpu.vector_store %arg8[%swap3A_668], %swap3A_671 {strides = array<i32>} : memref<128xi32, #tpu.memory_space<vmem>>, vector<16xi32>,
      %and3A_672 = arith.constant 16383 : i32
      %and3A_673 = vector.broadcast %and3A_672 : i32 to vector<16xi32>
      %and3A_674 = arith.andi %get3A_664, %and3A_673 : vector<16xi32>
      %swap3A_675 = arith.constant 96 : index
      %swap3A_676 = tpu.vector_load %arg10[%swap3A_675] {strides = array<i32>} : memref<128xi32, #tpu.memory_space<vmem>>, vector<16xi32>,
      %swap3A_677 = vector.shape_cast %swap3A_676 : vector<16xi32> to vector<16xi32>
      %swap3A_678 = vector.shape_cast %and3A_674 : vector<16xi32> to vector<16xi32>
      tpu.vector_store %arg10[%swap3A_675], %swap3A_678 {strides = array<i32>} : memref<128xi32, #tpu.memory_space<vmem>>, vector<16xi32>,
      %mul3A_679 = arith.constant 128 : i32
      %mul3A_680 = arith.muli %add3A_531, %mul3A_679 : i32
      %add3A_681 = arith.constant 112 : i32
      %add3A_682 = arith.addi %mul3A_680, %add3A_681 : i32
      %get3A_683 = arith.index_cast %add3A_682 : i32 to index
      %get3A_684 = tpu.vector_load %arg6[%get3A_683] {strides = array<i32>} : memref<15744xi32, #tpu.memory_space<vmem>>, vector<16xi32>,
      %get3A_685 = vector.shape_cast %get3A_684 : vector<16xi32> to vector<16xi32>
      %shift_right_logical3A_686 = arith.constant 14 : i32
      %shift_right_logical3A_687 = vector.broadcast %shift_right_logical3A_686 : i32 to vector<16xi32>
      %shift_right_logical3A_688 = arith.shrui %get3A_685, %shift_right_logical3A_687 : vector<16xi32>
      %swap3A_689 = arith.constant 112 : index
      %swap3A_690 = tpu.vector_load %arg8[%swap3A_689] {strides = array<i32>} : memref<128xi32, #tpu.memory_space<vmem>>, vector<16xi32>,
      %swap3A_691 = vector.shape_cast %swap3A_690 : vector<16xi32> to vector<16xi32>
      %swap3A_692 = vector.shape_cast %shift_right_logical3A_688 : vector<16xi32> to vector<16xi32>
      tpu.vector_store %arg8[%swap3A_689], %swap3A_692 {strides = array<i32>} : memref<128xi32, #tpu.memory_space<vmem>>, vector<16xi32>,
      %and3A_693 = arith.constant 16383 : i32
      %and3A_694 = vector.broadcast %and3A_693 : i32 to vector<16xi32>
      %and3A_695 = arith.andi %get3A_685, %and3A_694 : vector<16xi32>
      %swap3A_696 = arith.constant 112 : index
      %swap3A_697 = tpu.vector_load %arg10[%swap3A_696] {strides = array<i32>} : memref<128xi32, #tpu.memory_space<vmem>>, vector<16xi32>,
      %swap3A_698 = vector.shape_cast %swap3A_697 : vector<16xi32> to vector<16xi32>
      %swap3A_699 = vector.shape_cast %and3A_695 : vector<16xi32> to vector<16xi32>
      tpu.vector_store %arg10[%swap3A_696], %swap3A_699 {strides = array<i32>} : memref<128xi32, #tpu.memory_space<vmem>>, vector<16xi32>,
      %add3A_700 = arith.constant 2 : i32
      %add3A_701 = arith.addi %add3A_336, %add3A_700 : i32
      %dma_start3A_702 = arith.constant 0 : i32
      %dma_start3A_703 = arith.constant 0 : i32
      %dma_start3A_704 = tpu.memref_slice %arg2[%dma_start3A_702, %dma_start3A_703] : memref<10240x128xf32, #tpu.memory_space<hbm>> -> memref<10240x128xf32, #tpu.memory_space<hbm>>
      tpu.enqueue_indirect_dma source(%dma_start3A_704 : memref<10240x128xf32, #tpu.memory_space<hbm>>) target(%arg12 : memref<128x128xf32, #tpu.memory_space<vmem>>) offsets(%arg8 : memref<128xi32, #tpu.memory_space<vmem>>) semaphore(%arg15 : memref<!tpu.dma_semaphore, #tpu.memory_space<semaphore_mem>>)
    }
    %while3A_319 = arith.constant 1 : i32
    scf.for %while3A_332 = %while3A_317 to %while3A_313 step %while3A_319  : i32 {
      %mul3A_333 = arith.constant 2 : i32
      %mul3A_334 = arith.muli %mul3A_333, %while3A_332 : i32
      %add3A_335 = arith.constant 1 : i32
      %add3A_336 = arith.addi %mul3A_334, %add3A_335 : i32
      %dma_wait3A_337 = arith.constant 0 : i32
      %dma_wait3A_338 = arith.constant 0 : i32
      %dma_wait3A_339 = tpu.memref_slice %arg2[%dma_wait3A_337, %dma_wait3A_338] : memref<10240x128xf32, #tpu.memory_space<hbm>> -> memref<10240x128xf32, #tpu.memory_space<hbm>>
      tpu.wait_indirect_dma semaphore(%arg15 : memref<!tpu.dma_semaphore, #tpu.memory_space<semaphore_mem>>) src(%dma_wait3A_339 : memref<10240x128xf32, #tpu.memory_space<hbm>>) dst(%arg12 : memref<128x128xf32, #tpu.memory_space<vmem>>)
      %dma_start3A_340 = arith.constant 0 : i32
      %dma_start3A_341 = arith.constant 0 : i32
      %dma_start3A_342 = tpu.memref_slice %arg13[%dma_start3A_340, %dma_start3A_341] : memref<10240x128xf32, #tpu.memory_space<vmem_shared>> -> memref<10240x128xf32, #tpu.memory_space<vmem_shared>>
      tpu.enqueue_indirect_dma source(%arg12 : memref<128x128xf32, #tpu.memory_space<vmem>>) target(%dma_start3A_342 : memref<10240x128xf32, #tpu.memory_space<vmem_shared>>) offsets(%arg10 : memref<128xi32, #tpu.memory_space<vmem>>) semaphore(%arg17 : memref<!tpu.dma_semaphore, #tpu.memory_space<semaphore_mem>>) {add = true}
      %dma_wait3A_343 = arith.constant 0 : i32
      %dma_wait3A_344 = arith.constant 0 : i32
      %dma_wait3A_345 = tpu.memref_slice %arg13[%dma_wait3A_343, %dma_wait3A_344] : memref<10240x128xf32, #tpu.memory_space<vmem_shared>> -> memref<10240x128xf32, #tpu.memory_space<vmem_shared>>
      tpu.wait_indirect_dma semaphore(%arg16 : memref<!tpu.dma_semaphore, #tpu.memory_space<semaphore_mem>>) src(%arg11 : memref<128x128xf32, #tpu.memory_space<vmem>>) dst(%dma_wait3A_345 : memref<10240x128xf32, #tpu.memory_space<vmem_shared>>)
      %add3A_346 = arith.constant 1 : i32
      %add3A_347 = arith.addi %add3A_336, %add3A_346 : i32
      %mul3A_348 = arith.constant 128 : i32
      %mul3A_349 = arith.muli %add3A_347, %mul3A_348 : i32
      %add3A_350 = arith.constant 0 : i32
      %add3A_351 = arith.addi %mul3A_349, %add3A_350 : i32
      %get3A_352 = arith.index_cast %add3A_351 : i32 to index
      %get3A_353 = tpu.vector_load %arg6[%get3A_352] {strides = array<i32>} : memref<15744xi32, #tpu.memory_space<vmem>>, vector<16xi32>,
      %get3A_354 = vector.shape_cast %get3A_353 : vector<16xi32> to vector<16xi32>
      %shift_right_logical3A_355 = arith.constant 14 : i32
      %shift_right_logical3A_356 = vector.broadcast %shift_right_logical3A_355 : i32 to vector<16xi32>
      %shift_right_logical3A_357 = arith.shrui %get3A_354, %shift_right_logical3A_356 : vector<16xi32>
      %swap3A_358 = arith.constant 0 : index
      %swap3A_359 = tpu.vector_load %arg7[%swap3A_358] {strides = array<i32>} : memref<128xi32, #tpu.memory_space<vmem>>, vector<16xi32>,
      %swap3A_360 = vector.shape_cast %swap3A_359 : vector<16xi32> to vector<16xi32>
      %swap3A_361 = vector.shape_cast %shift_right_logical3A_357 : vector<16xi32> to vector<16xi32>
      tpu.vector_store %arg7[%swap3A_358], %swap3A_361 {strides = array<i32>} : memref<128xi32, #tpu.memory_space<vmem>>, vector<16xi32>,
      %and3A_362 = arith.constant 16383 : i32
      %and3A_363 = vector.broadcast %and3A_362 : i32 to vector<16xi32>
      %and3A_364 = arith.andi %get3A_354, %and3A_363 : vector<16xi32>
      %swap3A_365 = arith.constant 0 : index
      %swap3A_366 = tpu.vector_load %arg9[%swap3A_365] {strides = array<i32>} : memref<128xi32, #tpu.memory_space<vmem>>, vector<16xi32>,
      %swap3A_367 = vector.shape_cast %swap3A_366 : vector<16xi32> to vector<16xi32>
      %swap3A_368 = vector.shape_cast %and3A_364 : vector<16xi32> to vector<16xi32>
      tpu.vector_store %arg9[%swap3A_365], %swap3A_368 {strides = array<i32>} : memref<128xi32, #tpu.memory_space<vmem>>, vector<16xi32>,
      %mul3A_369 = arith.constant 128 : i32
      %mul3A_370 = arith.muli %add3A_347, %mul3A_369 : i32
      %add3A_371 = arith.constant 16 : i32
      %add3A_372 = arith.addi %mul3A_370, %add3A_371 : i32
      %get3A_373 = arith.index_cast %add3A_372 : i32 to index
      %get3A_374 = tpu.vector_load %arg6[%get3A_373] {strides = array<i32>} : memref<15744xi32, #tpu.memory_space<vmem>>, vector<16xi32>,
      %get3A_375 = vector.shape_cast %get3A_374 : vector<16xi32> to vector<16xi32>
      %shift_right_logical3A_376 = arith.constant 14 : i32
      %shift_right_logical3A_377 = vector.broadcast %shift_right_logical3A_376 : i32 to vector<16xi32>
      %shift_right_logical3A_378 = arith.shrui %get3A_375, %shift_right_logical3A_377 : vector<16xi32>
      %swap3A_379 = arith.constant 16 : index
      %swap3A_380 = tpu.vector_load %arg7[%swap3A_379] {strides = array<i32>} : memref<128xi32, #tpu.memory_space<vmem>>, vector<16xi32>,
      %swap3A_381 = vector.shape_cast %swap3A_380 : vector<16xi32> to vector<16xi32>
      %swap3A_382 = vector.shape_cast %shift_right_logical3A_378 : vector<16xi32> to vector<16xi32>
      tpu.vector_store %arg7[%swap3A_379], %swap3A_382 {strides = array<i32>} : memref<128xi32, #tpu.memory_space<vmem>>, vector<16xi32>,
      %and3A_383 = arith.constant 16383 : i32
      %and3A_384 = vector.broadcast %and3A_383 : i32 to vector<16xi32>
      %and3A_385 = arith.andi %get3A_375, %and3A_384 : vector<16xi32>
      %swap3A_386 = arith.constant 16 : index
      %swap3A_387 = tpu.vector_load %arg9[%swap3A_386] {strides = array<i32>} : memref<128xi32, #tpu.memory_space<vmem>>, vector<16xi32>,
      %swap3A_388 = vector.shape_cast %swap3A_387 : vector<16xi32> to vector<16xi32>
      %swap3A_389 = vector.shape_cast %and3A_385 : vector<16xi32> to vector<16xi32>
      tpu.vector_store %arg9[%swap3A_386], %swap3A_389 {strides = array<i32>} : memref<128xi32, #tpu.memory_space<vmem>>, vector<16xi32>,
      %mul3A_390 = arith.constant 128 : i32
      %mul3A_391 = arith.muli %add3A_347, %mul3A_390 : i32
      %add3A_392 = arith.constant 32 : i32
      %add3A_393 = arith.addi %mul3A_391, %add3A_392 : i32
      %get3A_394 = arith.index_cast %add3A_393 : i32 to index
      %get3A_395 = tpu.vector_load %arg6[%get3A_394] {strides = array<i32>} : memref<15744xi32, #tpu.memory_space<vmem>>, vector<16xi32>,
      %get3A_396 = vector.shape_cast %get3A_395 : vector<16xi32> to vector<16xi32>
      %shift_right_logical3A_397 = arith.constant 14 : i32
      %shift_right_logical3A_398 = vector.broadcast %shift_right_logical3A_397 : i32 to vector<16xi32>
      %shift_right_logical3A_399 = arith.shrui %get3A_396, %shift_right_logical3A_398 : vector<16xi32>
      %swap3A_400 = arith.constant 32 : index
      %swap3A_401 = tpu.vector_load %arg7[%swap3A_400] {strides = array<i32>} : memref<128xi32, #tpu.memory_space<vmem>>, vector<16xi32>,
      %swap3A_402 = vector.shape_cast %swap3A_401 : vector<16xi32> to vector<16xi32>
      %swap3A_403 = vector.shape_cast %shift_right_logical3A_399 : vector<16xi32> to vector<16xi32>
      tpu.vector_store %arg7[%swap3A_400], %swap3A_403 {strides = array<i32>} : memref<128xi32, #tpu.memory_space<vmem>>, vector<16xi32>,
      %and3A_404 = arith.constant 16383 : i32
      %and3A_405 = vector.broadcast %and3A_404 : i32 to vector<16xi32>
      %and3A_406 = arith.andi %get3A_396, %and3A_405 : vector<16xi32>
      %swap3A_407 = arith.constant 32 : index
      %swap3A_408 = tpu.vector_load %arg9[%swap3A_407] {strides = array<i32>} : memref<128xi32, #tpu.memory_space<vmem>>, vector<16xi32>,
      %swap3A_409 = vector.shape_cast %swap3A_408 : vector<16xi32> to vector<16xi32>
      %swap3A_410 = vector.shape_cast %and3A_406 : vector<16xi32> to vector<16xi32>
      tpu.vector_store %arg9[%swap3A_407], %swap3A_410 {strides = array<i32>} : memref<128xi32, #tpu.memory_space<vmem>>, vector<16xi32>,
      %mul3A_411 = arith.constant 128 : i32
      %mul3A_412 = arith.muli %add3A_347, %mul3A_411 : i32
      %add3A_413 = arith.constant 48 : i32
      %add3A_414 = arith.addi %mul3A_412, %add3A_413 : i32
      %get3A_415 = arith.index_cast %add3A_414 : i32 to index
      %get3A_416 = tpu.vector_load %arg6[%get3A_415] {strides = array<i32>} : memref<15744xi32, #tpu.memory_space<vmem>>, vector<16xi32>,
      %get3A_417 = vector.shape_cast %get3A_416 : vector<16xi32> to vector<16xi32>
      %shift_right_logical3A_418 = arith.constant 14 : i32
      %shift_right_logical3A_419 = vector.broadcast %shift_right_logical3A_418 : i32 to vector<16xi32>
      %shift_right_logical3A_420 = arith.shrui %get3A_417, %shift_right_logical3A_419 : vector<16xi32>
      %swap3A_421 = arith.constant 48 : index
      %swap3A_422 = tpu.vector_load %arg7[%swap3A_421] {strides = array<i32>} : memref<128xi32, #tpu.memory_space<vmem>>, vector<16xi32>,
      %swap3A_423 = vector.shape_cast %swap3A_422 : vector<16xi32> to vector<16xi32>
      %swap3A_424 = vector.shape_cast %shift_right_logical3A_420 : vector<16xi32> to vector<16xi32>
      tpu.vector_store %arg7[%swap3A_421], %swap3A_424 {strides = array<i32>} : memref<128xi32, #tpu.memory_space<vmem>>, vector<16xi32>,
      %and3A_425 = arith.constant 16383 : i32
      %and3A_426 = vector.broadcast %and3A_425 : i32 to vector<16xi32>
      %and3A_427 = arith.andi %get3A_417, %and3A_426 : vector<16xi32>
      %swap3A_428 = arith.constant 48 : index
      %swap3A_429 = tpu.vector_load %arg9[%swap3A_428] {strides = array<i32>} : memref<128xi32, #tpu.memory_space<vmem>>, vector<16xi32>,
      %swap3A_430 = vector.shape_cast %swap3A_429 : vector<16xi32> to vector<16xi32>
      %swap3A_431 = vector.shape_cast %and3A_427 : vector<16xi32> to vector<16xi32>
      tpu.vector_store %arg9[%swap3A_428], %swap3A_431 {strides = array<i32>} : memref<128xi32, #tpu.memory_space<vmem>>, vector<16xi32>,
      %mul3A_432 = arith.constant 128 : i32
      %mul3A_433 = arith.muli %add3A_347, %mul3A_432 : i32
      %add3A_434 = arith.constant 64 : i32
      %add3A_435 = arith.addi %mul3A_433, %add3A_434 : i32
      %get3A_436 = arith.index_cast %add3A_435 : i32 to index
      %get3A_437 = tpu.vector_load %arg6[%get3A_436] {strides = array<i32>} : memref<15744xi32, #tpu.memory_space<vmem>>, vector<16xi32>,
      %get3A_438 = vector.shape_cast %get3A_437 : vector<16xi32> to vector<16xi32>
      %shift_right_logical3A_439 = arith.constant 14 : i32
      %shift_right_logical3A_440 = vector.broadcast %shift_right_logical3A_439 : i32 to vector<16xi32>
      %shift_right_logical3A_441 = arith.shrui %get3A_438, %shift_right_logical3A_440 : vector<16xi32>
      %swap3A_442 = arith.constant 64 : index
      %swap3A_443 = tpu.vector_load %arg7[%swap3A_442] {strides = array<i32>} : memref<128xi32, #tpu.memory_space<vmem>>, vector<16xi32>,
      %swap3A_444 = vector.shape_cast %swap3A_443 : vector<16xi32> to vector<16xi32>
      %swap3A_445 = vector.shape_cast %shift_right_logical3A_441 : vector<16xi32> to vector<16xi32>
      tpu.vector_store %arg7[%swap3A_442], %swap3A_445 {strides = array<i32>} : memref<128xi32, #tpu.memory_space<vmem>>, vector<16xi32>,
      %and3A_446 = arith.constant 16383 : i32
      %and3A_447 = vector.broadcast %and3A_446 : i32 to vector<16xi32>
      %and3A_448 = arith.andi %get3A_438, %and3A_447 : vector<16xi32>
      %swap3A_449 = arith.constant 64 : index
      %swap3A_450 = tpu.vector_load %arg9[%swap3A_449] {strides = array<i32>} : memref<128xi32, #tpu.memory_space<vmem>>, vector<16xi32>,
      %swap3A_451 = vector.shape_cast %swap3A_450 : vector<16xi32> to vector<16xi32>
      %swap3A_452 = vector.shape_cast %and3A_448 : vector<16xi32> to vector<16xi32>
      tpu.vector_store %arg9[%swap3A_449], %swap3A_452 {strides = array<i32>} : memref<128xi32, #tpu.memory_space<vmem>>, vector<16xi32>,
      %mul3A_453 = arith.constant 128 : i32
      %mul3A_454 = arith.muli %add3A_347, %mul3A_453 : i32
      %add3A_455 = arith.constant 80 : i32
      %add3A_456 = arith.addi %mul3A_454, %add3A_455 : i32
      %get3A_457 = arith.index_cast %add3A_456 : i32 to index
      %get3A_458 = tpu.vector_load %arg6[%get3A_457] {strides = array<i32>} : memref<15744xi32, #tpu.memory_space<vmem>>, vector<16xi32>,
      %get3A_459 = vector.shape_cast %get3A_458 : vector<16xi32> to vector<16xi32>
      %shift_right_logical3A_460 = arith.constant 14 : i32
      %shift_right_logical3A_461 = vector.broadcast %shift_right_logical3A_460 : i32 to vector<16xi32>
      %shift_right_logical3A_462 = arith.shrui %get3A_459, %shift_right_logical3A_461 : vector<16xi32>
      %swap3A_463 = arith.constant 80 : index
      %swap3A_464 = tpu.vector_load %arg7[%swap3A_463] {strides = array<i32>} : memref<128xi32, #tpu.memory_space<vmem>>, vector<16xi32>,
      %swap3A_465 = vector.shape_cast %swap3A_464 : vector<16xi32> to vector<16xi32>
      %swap3A_466 = vector.shape_cast %shift_right_logical3A_462 : vector<16xi32> to vector<16xi32>
      tpu.vector_store %arg7[%swap3A_463], %swap3A_466 {strides = array<i32>} : memref<128xi32, #tpu.memory_space<vmem>>, vector<16xi32>,
      %and3A_467 = arith.constant 16383 : i32
      %and3A_468 = vector.broadcast %and3A_467 : i32 to vector<16xi32>
      %and3A_469 = arith.andi %get3A_459, %and3A_468 : vector<16xi32>
      %swap3A_470 = arith.constant 80 : index
      %swap3A_471 = tpu.vector_load %arg9[%swap3A_470] {strides = array<i32>} : memref<128xi32, #tpu.memory_space<vmem>>, vector<16xi32>,
      %swap3A_472 = vector.shape_cast %swap3A_471 : vector<16xi32> to vector<16xi32>
      %swap3A_473 = vector.shape_cast %and3A_469 : vector<16xi32> to vector<16xi32>
      tpu.vector_store %arg9[%swap3A_470], %swap3A_473 {strides = array<i32>} : memref<128xi32, #tpu.memory_space<vmem>>, vector<16xi32>,
      %mul3A_474 = arith.constant 128 : i32
      %mul3A_475 = arith.muli %add3A_347, %mul3A_474 : i32
      %add3A_476 = arith.constant 96 : i32
      %add3A_477 = arith.addi %mul3A_475, %add3A_476 : i32
      %get3A_478 = arith.index_cast %add3A_477 : i32 to index
      %get3A_479 = tpu.vector_load %arg6[%get3A_478] {strides = array<i32>} : memref<15744xi32, #tpu.memory_space<vmem>>, vector<16xi32>,
      %get3A_480 = vector.shape_cast %get3A_479 : vector<16xi32> to vector<16xi32>
      %shift_right_logical3A_481 = arith.constant 14 : i32
      %shift_right_logical3A_482 = vector.broadcast %shift_right_logical3A_481 : i32 to vector<16xi32>
      %shift_right_logical3A_483 = arith.shrui %get3A_480, %shift_right_logical3A_482 : vector<16xi32>
      %swap3A_484 = arith.constant 96 : index
      %swap3A_485 = tpu.vector_load %arg7[%swap3A_484] {strides = array<i32>} : memref<128xi32, #tpu.memory_space<vmem>>, vector<16xi32>,
      %swap3A_486 = vector.shape_cast %swap3A_485 : vector<16xi32> to vector<16xi32>
      %swap3A_487 = vector.shape_cast %shift_right_logical3A_483 : vector<16xi32> to vector<16xi32>
      tpu.vector_store %arg7[%swap3A_484], %swap3A_487 {strides = array<i32>} : memref<128xi32, #tpu.memory_space<vmem>>, vector<16xi32>,
      %and3A_488 = arith.constant 16383 : i32
      %and3A_489 = vector.broadcast %and3A_488 : i32 to vector<16xi32>
      %and3A_490 = arith.andi %get3A_480, %and3A_489 : vector<16xi32>
      %swap3A_491 = arith.constant 96 : index
      %swap3A_492 = tpu.vector_load %arg9[%swap3A_491] {strides = array<i32>} : memref<128xi32, #tpu.memory_space<vmem>>, vector<16xi32>,
      %swap3A_493 = vector.shape_cast %swap3A_492 : vector<16xi32> to vector<16xi32>
      %swap3A_494 = vector.shape_cast %and3A_490 : vector<16xi32> to vector<16xi32>
      tpu.vector_store %arg9[%swap3A_491], %swap3A_494 {strides = array<i32>} : memref<128xi32, #tpu.memory_space<vmem>>, vector<16xi32>,
      %mul3A_495 = arith.constant 128 : i32
      %mul3A_496 = arith.muli %add3A_347, %mul3A_495 : i32
      %add3A_497 = arith.constant 112 : i32
      %add3A_498 = arith.addi %mul3A_496, %add3A_497 : i32
      %get3A_499 = arith.index_cast %add3A_498 : i32 to index
      %get3A_500 = tpu.vector_load %arg6[%get3A_499] {strides = array<i32>} : memref<15744xi32, #tpu.memory_space<vmem>>, vector<16xi32>,
      %get3A_501 = vector.shape_cast %get3A_500 : vector<16xi32> to vector<16xi32>
      %shift_right_logical3A_502 = arith.constant 14 : i32
      %shift_right_logical3A_503 = vector.broadcast %shift_right_logical3A_502 : i32 to vector<16xi32>
      %shift_right_logical3A_504 = arith.shrui %get3A_501, %shift_right_logical3A_503 : vector<16xi32>
      %swap3A_505 = arith.constant 112 : index
      %swap3A_506 = tpu.vector_load %arg7[%swap3A_505] {strides = array<i32>} : memref<128xi32, #tpu.memory_space<vmem>>, vector<16xi32>,
      %swap3A_507 = vector.shape_cast %swap3A_506 : vector<16xi32> to vector<16xi32>
      %swap3A_508 = vector.shape_cast %shift_right_logical3A_504 : vector<16xi32> to vector<16xi32>
      tpu.vector_store %arg7[%swap3A_505], %swap3A_508 {strides = array<i32>} : memref<128xi32, #tpu.memory_space<vmem>>, vector<16xi32>,
      %and3A_509 = arith.constant 16383 : i32
      %and3A_510 = vector.broadcast %and3A_509 : i32 to vector<16xi32>
      %and3A_511 = arith.andi %get3A_501, %and3A_510 : vector<16xi32>
      %swap3A_512 = arith.constant 112 : index
      %swap3A_513 = tpu.vector_load %arg9[%swap3A_512] {strides = array<i32>} : memref<128xi32, #tpu.memory_space<vmem>>, vector<16xi32>,
      %swap3A_514 = vector.shape_cast %swap3A_513 : vector<16xi32> to vector<16xi32>
      %swap3A_515 = vector.shape_cast %and3A_511 : vector<16xi32> to vector<16xi32>
      tpu.vector_store %arg9[%swap3A_512], %swap3A_515 {strides = array<i32>} : memref<128xi32, #tpu.memory_space<vmem>>, vector<16xi32>,
      %add3A_516 = arith.constant 1 : i32
      %add3A_517 = arith.addi %add3A_336, %add3A_516 : i32
      %dma_start3A_518 = arith.constant 0 : i32
      %dma_start3A_519 = arith.constant 0 : i32
      %dma_start3A_520 = tpu.memref_slice %arg2[%dma_start3A_518, %dma_start3A_519] : memref<10240x128xf32, #tpu.memory_space<hbm>> -> memref<10240x128xf32, #tpu.memory_space<hbm>>
      tpu.enqueue_indirect_dma source(%dma_start3A_520 : memref<10240x128xf32, #tpu.memory_space<hbm>>) target(%arg11 : memref<128x128xf32, #tpu.memory_space<vmem>>) offsets(%arg7 : memref<128xi32, #tpu.memory_space<vmem>>) semaphore(%arg14 : memref<!tpu.dma_semaphore, #tpu.memory_space<semaphore_mem>>)
      %dma_wait3A_521 = arith.constant 0 : i32
      %dma_wait3A_522 = arith.constant 0 : i32
      %dma_wait3A_523 = tpu.memref_slice %arg2[%dma_wait3A_521, %dma_wait3A_522] : memref<10240x128xf32, #tpu.memory_space<hbm>> -> memref<10240x128xf32, #tpu.memory_space<hbm>>
      tpu.wait_indirect_dma semaphore(%arg14 : memref<!tpu.dma_semaphore, #tpu.memory_space<semaphore_mem>>) src(%dma_wait3A_523 : memref<10240x128xf32, #tpu.memory_space<hbm>>) dst(%arg11 : memref<128x128xf32, #tpu.memory_space<vmem>>)
      %dma_start3A_524 = arith.constant 0 : i32
      %dma_start3A_525 = arith.constant 0 : i32
      %dma_start3A_526 = tpu.memref_slice %arg13[%dma_start3A_524, %dma_start3A_525] : memref<10240x128xf32, #tpu.memory_space<vmem_shared>> -> memref<10240x128xf32, #tpu.memory_space<vmem_shared>>
      tpu.enqueue_indirect_dma source(%arg11 : memref<128x128xf32, #tpu.memory_space<vmem>>) target(%dma_start3A_526 : memref<10240x128xf32, #tpu.memory_space<vmem_shared>>) offsets(%arg9 : memref<128xi32, #tpu.memory_space<vmem>>) semaphore(%arg16 : memref<!tpu.dma_semaphore, #tpu.memory_space<semaphore_mem>>) {add = true}
      %dma_wait3A_527 = arith.constant 0 : i32
      %dma_wait3A_528 = arith.constant 0 : i32
      %dma_wait3A_529 = tpu.memref_slice %arg13[%dma_wait3A_527, %dma_wait3A_528] : memref<10240x128xf32, #tpu.memory_space<vmem_shared>> -> memref<10240x128xf32, #tpu.memory_space<vmem_shared>>
      tpu.wait_indirect_dma semaphore(%arg17 : memref<!tpu.dma_semaphore, #tpu.memory_space<semaphore_mem>>) src(%arg12 : memref<128x128xf32, #tpu.memory_space<vmem>>) dst(%dma_wait3A_529 : memref<10240x128xf32, #tpu.memory_space<vmem_shared>>)
      %add3A_530 = arith.constant 2 : i32
      %add3A_531 = arith.addi %add3A_336, %add3A_530 : i32
      %mul3A_532 = arith.constant 128 : i32
      %mul3A_533 = arith.muli %add3A_531, %mul3A_532 : i32
      %add3A_534 = arith.constant 0 : i32
      %add3A_535 = arith.addi %mul3A_533, %add3A_534 : i32
      %get3A_536 = arith.index_cast %add3A_535 : i32 to index
      %get3A_537 = tpu.vector_load %arg6[%get3A_536] {strides = array<i32>} : memref<15744xi32, #tpu.memory_space<vmem>>, vector<16xi32>,
      %get3A_538 = vector.shape_cast %get3A_537 : vector<16xi32> to vector<16xi32>
      %shift_right_logical3A_539 = arith.constant 14 : i32
      %shift_right_logical3A_540 = vector.broadcast %shift_right_logical3A_539 : i32 to vector<16xi32>
      %shift_right_logical3A_541 = arith.shrui %get3A_538, %shift_right_logical3A_540 : vector<16xi32>
      %swap3A_542 = arith.constant 0 : index
      %swap3A_543 = tpu.vector_load %arg8[%swap3A_542] {strides = array<i32>} : memref<128xi32, #tpu.memory_space<vmem>>, vector<16xi32>,
      %swap3A_544 = vector.shape_cast %swap3A_543 : vector<16xi32> to vector<16xi32>
      %swap3A_545 = vector.shape_cast %shift_right_logical3A_541 : vector<16xi32> to vector<16xi32>
      tpu.vector_store %arg8[%swap3A_542], %swap3A_545 {strides = array<i32>} : memref<128xi32, #tpu.memory_space<vmem>>, vector<16xi32>,
      %and3A_546 = arith.constant 16383 : i32
      %and3A_547 = vector.broadcast %and3A_546 : i32 to vector<16xi32>
      %and3A_548 = arith.andi %get3A_538, %and3A_547 : vector<16xi32>
      %swap3A_549 = arith.constant 0 : index
      %swap3A_550 = tpu.vector_load %arg10[%swap3A_549] {strides = array<i32>} : memref<128xi32, #tpu.memory_space<vmem>>, vector<16xi32>,
      %swap3A_551 = vector.shape_cast %swap3A_550 : vector<16xi32> to vector<16xi32>
      %swap3A_552 = vector.shape_cast %and3A_548 : vector<16xi32> to vector<16xi32>
      tpu.vector_store %arg10[%swap3A_549], %swap3A_552 {strides = array<i32>} : memref<128xi32, #tpu.memory_space<vmem>>, vector<16xi32>,
      %mul3A_553 = arith.constant 128 : i32
      %mul3A_554 = arith.muli %add3A_531, %mul3A_553 : i32
      %add3A_555 = arith.constant 16 : i32
      %add3A_556 = arith.addi %mul3A_554, %add3A_555 : i32
      %get3A_557 = arith.index_cast %add3A_556 : i32 to index
      %get3A_558 = tpu.vector_load %arg6[%get3A_557] {strides = array<i32>} : memref<15744xi32, #tpu.memory_space<vmem>>, vector<16xi32>,
      %get3A_559 = vector.shape_cast %get3A_558 : vector<16xi32> to vector<16xi32>
      %shift_right_logical3A_560 = arith.constant 14 : i32
      %shift_right_logical3A_561 = vector.broadcast %shift_right_logical3A_560 : i32 to vector<16xi32>
      %shift_right_logical3A_562 = arith.shrui %get3A_559, %shift_right_logical3A_561 : vector<16xi32>
      %swap3A_563 = arith.constant 16 : index
      %swap3A_564 = tpu.vector_load %arg8[%swap3A_563] {strides = array<i32>} : memref<128xi32, #tpu.memory_space<vmem>>, vector<16xi32>,
      %swap3A_565 = vector.shape_cast %swap3A_564 : vector<16xi32> to vector<16xi32>
      %swap3A_566 = vector.shape_cast %shift_right_logical3A_562 : vector<16xi32> to vector<16xi32>
      tpu.vector_store %arg8[%swap3A_563], %swap3A_566 {strides = array<i32>} : memref<128xi32, #tpu.memory_space<vmem>>, vector<16xi32>,
      %and3A_567 = arith.constant 16383 : i32
      %and3A_568 = vector.broadcast %and3A_567 : i32 to vector<16xi32>
      %and3A_569 = arith.andi %get3A_559, %and3A_568 : vector<16xi32>
      %swap3A_570 = arith.constant 16 : index
      %swap3A_571 = tpu.vector_load %arg10[%swap3A_570] {strides = array<i32>} : memref<128xi32, #tpu.memory_space<vmem>>, vector<16xi32>,
      %swap3A_572 = vector.shape_cast %swap3A_571 : vector<16xi32> to vector<16xi32>
      %swap3A_573 = vector.shape_cast %and3A_569 : vector<16xi32> to vector<16xi32>
      tpu.vector_store %arg10[%swap3A_570], %swap3A_573 {strides = array<i32>} : memref<128xi32, #tpu.memory_space<vmem>>, vector<16xi32>,
      %mul3A_574 = arith.constant 128 : i32
      %mul3A_575 = arith.muli %add3A_531, %mul3A_574 : i32
      %add3A_576 = arith.constant 32 : i32
      %add3A_577 = arith.addi %mul3A_575, %add3A_576 : i32
      %get3A_578 = arith.index_cast %add3A_577 : i32 to index
      %get3A_579 = tpu.vector_load %arg6[%get3A_578] {strides = array<i32>} : memref<15744xi32, #tpu.memory_space<vmem>>, vector<16xi32>,
      %get3A_580 = vector.shape_cast %get3A_579 : vector<16xi32> to vector<16xi32>
      %shift_right_logical3A_581 = arith.constant 14 : i32
      %shift_right_logical3A_582 = vector.broadcast %shift_right_logical3A_581 : i32 to vector<16xi32>
      %shift_right_logical3A_583 = arith.shrui %get3A_580, %shift_right_logical3A_582 : vector<16xi32>
      %swap3A_584 = arith.constant 32 : index
      %swap3A_585 = tpu.vector_load %arg8[%swap3A_584] {strides = array<i32>} : memref<128xi32, #tpu.memory_space<vmem>>, vector<16xi32>,
      %swap3A_586 = vector.shape_cast %swap3A_585 : vector<16xi32> to vector<16xi32>
      %swap3A_587 = vector.shape_cast %shift_right_logical3A_583 : vector<16xi32> to vector<16xi32>
      tpu.vector_store %arg8[%swap3A_584], %swap3A_587 {strides = array<i32>} : memref<128xi32, #tpu.memory_space<vmem>>, vector<16xi32>,
      %and3A_588 = arith.constant 16383 : i32
      %and3A_589 = vector.broadcast %and3A_588 : i32 to vector<16xi32>
      %and3A_590 = arith.andi %get3A_580, %and3A_589 : vector<16xi32>
      %swap3A_591 = arith.constant 32 : index
      %swap3A_592 = tpu.vector_load %arg10[%swap3A_591] {strides = array<i32>} : memref<128xi32, #tpu.memory_space<vmem>>, vector<16xi32>,
      %swap3A_593 = vector.shape_cast %swap3A_592 : vector<16xi32> to vector<16xi32>
      %swap3A_594 = vector.shape_cast %and3A_590 : vector<16xi32> to vector<16xi32>
      tpu.vector_store %arg10[%swap3A_591], %swap3A_594 {strides = array<i32>} : memref<128xi32, #tpu.memory_space<vmem>>, vector<16xi32>,
      %mul3A_595 = arith.constant 128 : i32
      %mul3A_596 = arith.muli %add3A_531, %mul3A_595 : i32
      %add3A_597 = arith.constant 48 : i32
      %add3A_598 = arith.addi %mul3A_596, %add3A_597 : i32
      %get3A_599 = arith.index_cast %add3A_598 : i32 to index
      %get3A_600 = tpu.vector_load %arg6[%get3A_599] {strides = array<i32>} : memref<15744xi32, #tpu.memory_space<vmem>>, vector<16xi32>,
      %get3A_601 = vector.shape_cast %get3A_600 : vector<16xi32> to vector<16xi32>
      %shift_right_logical3A_602 = arith.constant 14 : i32
      %shift_right_logical3A_603 = vector.broadcast %shift_right_logical3A_602 : i32 to vector<16xi32>
      %shift_right_logical3A_604 = arith.shrui %get3A_601, %shift_right_logical3A_603 : vector<16xi32>
      %swap3A_605 = arith.constant 48 : index
      %swap3A_606 = tpu.vector_load %arg8[%swap3A_605] {strides = array<i32>} : memref<128xi32, #tpu.memory_space<vmem>>, vector<16xi32>,
      %swap3A_607 = vector.shape_cast %swap3A_606 : vector<16xi32> to vector<16xi32>
      %swap3A_608 = vector.shape_cast %shift_right_logical3A_604 : vector<16xi32> to vector<16xi32>
      tpu.vector_store %arg8[%swap3A_605], %swap3A_608 {strides = array<i32>} : memref<128xi32, #tpu.memory_space<vmem>>, vector<16xi32>,
      %and3A_609 = arith.constant 16383 : i32
      %and3A_610 = vector.broadcast %and3A_609 : i32 to vector<16xi32>
      %and3A_611 = arith.andi %get3A_601, %and3A_610 : vector<16xi32>
      %swap3A_612 = arith.constant 48 : index
      %swap3A_613 = tpu.vector_load %arg10[%swap3A_612] {strides = array<i32>} : memref<128xi32, #tpu.memory_space<vmem>>, vector<16xi32>,
      %swap3A_614 = vector.shape_cast %swap3A_613 : vector<16xi32> to vector<16xi32>
      %swap3A_615 = vector.shape_cast %and3A_611 : vector<16xi32> to vector<16xi32>
      tpu.vector_store %arg10[%swap3A_612], %swap3A_615 {strides = array<i32>} : memref<128xi32, #tpu.memory_space<vmem>>, vector<16xi32>,
      %mul3A_616 = arith.constant 128 : i32
      %mul3A_617 = arith.muli %add3A_531, %mul3A_616 : i32
      %add3A_618 = arith.constant 64 : i32
      %add3A_619 = arith.addi %mul3A_617, %add3A_618 : i32
      %get3A_620 = arith.index_cast %add3A_619 : i32 to index
      %get3A_621 = tpu.vector_load %arg6[%get3A_620] {strides = array<i32>} : memref<15744xi32, #tpu.memory_space<vmem>>, vector<16xi32>,
      %get3A_622 = vector.shape_cast %get3A_621 : vector<16xi32> to vector<16xi32>
      %shift_right_logical3A_623 = arith.constant 14 : i32
      %shift_right_logical3A_624 = vector.broadcast %shift_right_logical3A_623 : i32 to vector<16xi32>
      %shift_right_logical3A_625 = arith.shrui %get3A_622, %shift_right_logical3A_624 : vector<16xi32>
      %swap3A_626 = arith.constant 64 : index
      %swap3A_627 = tpu.vector_load %arg8[%swap3A_626] {strides = array<i32>} : memref<128xi32, #tpu.memory_space<vmem>>, vector<16xi32>,
      %swap3A_628 = vector.shape_cast %swap3A_627 : vector<16xi32> to vector<16xi32>
      %swap3A_629 = vector.shape_cast %shift_right_logical3A_625 : vector<16xi32> to vector<16xi32>
      tpu.vector_store %arg8[%swap3A_626], %swap3A_629 {strides = array<i32>} : memref<128xi32, #tpu.memory_space<vmem>>, vector<16xi32>,
      %and3A_630 = arith.constant 16383 : i32
      %and3A_631 = vector.broadcast %and3A_630 : i32 to vector<16xi32>
      %and3A_632 = arith.andi %get3A_622, %and3A_631 : vector<16xi32>
      %swap3A_633 = arith.constant 64 : index
      %swap3A_634 = tpu.vector_load %arg10[%swap3A_633] {strides = array<i32>} : memref<128xi32, #tpu.memory_space<vmem>>, vector<16xi32>,
      %swap3A_635 = vector.shape_cast %swap3A_634 : vector<16xi32> to vector<16xi32>
      %swap3A_636 = vector.shape_cast %and3A_632 : vector<16xi32> to vector<16xi32>
      tpu.vector_store %arg10[%swap3A_633], %swap3A_636 {strides = array<i32>} : memref<128xi32, #tpu.memory_space<vmem>>, vector<16xi32>,
      %mul3A_637 = arith.constant 128 : i32
      %mul3A_638 = arith.muli %add3A_531, %mul3A_637 : i32
      %add3A_639 = arith.constant 80 : i32
      %add3A_640 = arith.addi %mul3A_638, %add3A_639 : i32
      %get3A_641 = arith.index_cast %add3A_640 : i32 to index
      %get3A_642 = tpu.vector_load %arg6[%get3A_641] {strides = array<i32>} : memref<15744xi32, #tpu.memory_space<vmem>>, vector<16xi32>,
      %get3A_643 = vector.shape_cast %get3A_642 : vector<16xi32> to vector<16xi32>
      %shift_right_logical3A_644 = arith.constant 14 : i32
      %shift_right_logical3A_645 = vector.broadcast %shift_right_logical3A_644 : i32 to vector<16xi32>
      %shift_right_logical3A_646 = arith.shrui %get3A_643, %shift_right_logical3A_645 : vector<16xi32>
      %swap3A_647 = arith.constant 80 : index
      %swap3A_648 = tpu.vector_load %arg8[%swap3A_647] {strides = array<i32>} : memref<128xi32, #tpu.memory_space<vmem>>, vector<16xi32>,
      %swap3A_649 = vector.shape_cast %swap3A_648 : vector<16xi32> to vector<16xi32>
      %swap3A_650 = vector.shape_cast %shift_right_logical3A_646 : vector<16xi32> to vector<16xi32>
      tpu.vector_store %arg8[%swap3A_647], %swap3A_650 {strides = array<i32>} : memref<128xi32, #tpu.memory_space<vmem>>, vector<16xi32>,
      %and3A_651 = arith.constant 16383 : i32
      %and3A_652 = vector.broadcast %and3A_651 : i32 to vector<16xi32>
      %and3A_653 = arith.andi %get3A_643, %and3A_652 : vector<16xi32>
      %swap3A_654 = arith.constant 80 : index
      %swap3A_655 = tpu.vector_load %arg10[%swap3A_654] {strides = array<i32>} : memref<128xi32, #tpu.memory_space<vmem>>, vector<16xi32>,
      %swap3A_656 = vector.shape_cast %swap3A_655 : vector<16xi32> to vector<16xi32>
      %swap3A_657 = vector.shape_cast %and3A_653 : vector<16xi32> to vector<16xi32>
      tpu.vector_store %arg10[%swap3A_654], %swap3A_657 {strides = array<i32>} : memref<128xi32, #tpu.memory_space<vmem>>, vector<16xi32>,
      %mul3A_658 = arith.constant 128 : i32
      %mul3A_659 = arith.muli %add3A_531, %mul3A_658 : i32
      %add3A_660 = arith.constant 96 : i32
      %add3A_661 = arith.addi %mul3A_659, %add3A_660 : i32
      %get3A_662 = arith.index_cast %add3A_661 : i32 to index
      %get3A_663 = tpu.vector_load %arg6[%get3A_662] {strides = array<i32>} : memref<15744xi32, #tpu.memory_space<vmem>>, vector<16xi32>,
      %get3A_664 = vector.shape_cast %get3A_663 : vector<16xi32> to vector<16xi32>
      %shift_right_logical3A_665 = arith.constant 14 : i32
      %shift_right_logical3A_666 = vector.broadcast %shift_right_logical3A_665 : i32 to vector<16xi32>
      %shift_right_logical3A_667 = arith.shrui %get3A_664, %shift_right_logical3A_666 : vector<16xi32>
      %swap3A_668 = arith.constant 96 : index
      %swap3A_669 = tpu.vector_load %arg8[%swap3A_668] {strides = array<i32>} : memref<128xi32, #tpu.memory_space<vmem>>, vector<16xi32>,
      %swap3A_670 = vector.shape_cast %swap3A_669 : vector<16xi32> to vector<16xi32>
      %swap3A_671 = vector.shape_cast %shift_right_logical3A_667 : vector<16xi32> to vector<16xi32>
      tpu.vector_store %arg8[%swap3A_668], %swap3A_671 {strides = array<i32>} : memref<128xi32, #tpu.memory_space<vmem>>, vector<16xi32>,
      %and3A_672 = arith.constant 16383 : i32
      %and3A_673 = vector.broadcast %and3A_672 : i32 to vector<16xi32>
      %and3A_674 = arith.andi %get3A_664, %and3A_673 : vector<16xi32>
      %swap3A_675 = arith.constant 96 : index
      %swap3A_676 = tpu.vector_load %arg10[%swap3A_675] {strides = array<i32>} : memref<128xi32, #tpu.memory_space<vmem>>, vector<16xi32>,
      %swap3A_677 = vector.shape_cast %swap3A_676 : vector<16xi32> to vector<16xi32>
      %swap3A_678 = vector.shape_cast %and3A_674 : vector<16xi32> to vector<16xi32>
      tpu.vector_store %arg10[%swap3A_675], %swap3A_678 {strides = array<i32>} : memref<128xi32, #tpu.memory_space<vmem>>, vector<16xi32>,
      %mul3A_679 = arith.constant 128 : i32
      %mul3A_680 = arith.muli %add3A_531, %mul3A_679 : i32
      %add3A_681 = arith.constant 112 : i32
      %add3A_682 = arith.addi %mul3A_680, %add3A_681 : i32
      %get3A_683 = arith.index_cast %add3A_682 : i32 to index
      %get3A_684 = tpu.vector_load %arg6[%get3A_683] {strides = array<i32>} : memref<15744xi32, #tpu.memory_space<vmem>>, vector<16xi32>,
      %get3A_685 = vector.shape_cast %get3A_684 : vector<16xi32> to vector<16xi32>
      %shift_right_logical3A_686 = arith.constant 14 : i32
      %shift_right_logical3A_687 = vector.broadcast %shift_right_logical3A_686 : i32 to vector<16xi32>
      %shift_right_logical3A_688 = arith.shrui %get3A_685, %shift_right_logical3A_687 : vector<16xi32>
      %swap3A_689 = arith.constant 112 : index
      %swap3A_690 = tpu.vector_load %arg8[%swap3A_689] {strides = array<i32>} : memref<128xi32, #tpu.memory_space<vmem>>, vector<16xi32>,
      %swap3A_691 = vector.shape_cast %swap3A_690 : vector<16xi32> to vector<16xi32>
      %swap3A_692 = vector.shape_cast %shift_right_logical3A_688 : vector<16xi32> to vector<16xi32>
      tpu.vector_store %arg8[%swap3A_689], %swap3A_692 {strides = array<i32>} : memref<128xi32, #tpu.memory_space<vmem>>, vector<16xi32>,
      %and3A_693 = arith.constant 16383 : i32
      %and3A_694 = vector.broadcast %and3A_693 : i32 to vector<16xi32>
      %and3A_695 = arith.andi %get3A_685, %and3A_694 : vector<16xi32>
      %swap3A_696 = arith.constant 112 : index
      %swap3A_697 = tpu.vector_load %arg10[%swap3A_696] {strides = array<i32>} : memref<128xi32, #tpu.memory_space<vmem>>, vector<16xi32>,
      %swap3A_698 = vector.shape_cast %swap3A_697 : vector<16xi32> to vector<16xi32>
      %swap3A_699 = vector.shape_cast %and3A_695 : vector<16xi32> to vector<16xi32>
      tpu.vector_store %arg10[%swap3A_696], %swap3A_699 {strides = array<i32>} : memref<128xi32, #tpu.memory_space<vmem>>, vector<16xi32>,
      %add3A_700 = arith.constant 2 : i32
      %add3A_701 = arith.addi %add3A_336, %add3A_700 : i32
      %dma_start3A_702 = arith.constant 0 : i32
      %dma_start3A_703 = arith.constant 0 : i32
      %dma_start3A_704 = tpu.memref_slice %arg2[%dma_start3A_702, %dma_start3A_703] : memref<10240x128xf32, #tpu.memory_space<hbm>> -> memref<10240x128xf32, #tpu.memory_space<hbm>>
      tpu.enqueue_indirect_dma source(%dma_start3A_704 : memref<10240x128xf32, #tpu.memory_space<hbm>>) target(%arg12 : memref<128x128xf32, #tpu.memory_space<vmem>>) offsets(%arg8 : memref<128xi32, #tpu.memory_space<vmem>>) semaphore(%arg15 : memref<!tpu.dma_semaphore, #tpu.memory_space<semaphore_mem>>)
    }
    %dma_wait3A_320 = arith.constant 0 : i32
    %dma_wait3A_321 = arith.constant 0 : i32
    %dma_wait3A_322 = tpu.memref_slice %arg2[%dma_wait3A_320, %dma_wait3A_321] : memref<10240x128xf32, #tpu.memory_space<hbm>> -> memref<10240x128xf32, #tpu.memory_space<hbm>>
    tpu.wait_indirect_dma semaphore(%arg15 : memref<!tpu.dma_semaphore, #tpu.memory_space<semaphore_mem>>) src(%dma_wait3A_322 : memref<10240x128xf32, #tpu.memory_space<hbm>>) dst(%arg12 : memref<128x128xf32, #tpu.memory_space<vmem>>)
    %dma_wait3A_323 = arith.constant 0 : i32
    %dma_wait3A_324 = arith.constant 0 : i32
    %dma_wait3A_325 = tpu.memref_slice %arg13[%dma_wait3A_323, %dma_wait3A_324] : memref<10240x128xf32, #tpu.memory_space<vmem_shared>> -> memref<10240x128xf32, #tpu.memory_space<vmem_shared>>
    tpu.wait_indirect_dma semaphore(%arg16 : memref<!tpu.dma_semaphore, #tpu.memory_space<semaphore_mem>>) src(%arg11 : memref<128x128xf32, #tpu.memory_space<vmem>>) dst(%dma_wait3A_325 : memref<10240x128xf32, #tpu.memory_space<vmem_shared>>)
    %barrier3A_326 = arith.constant 0 : index
    tpu.barrier barrier_id(%barrier3A_326)
    %eq3A_327 = arith.constant 0 : i32
    %eq3A_328 = arith.cmpi eq, %arg1, %eq3A_327 : i32
    %convert_element_type3A_329 = arith.extui %eq3A_328 : i1 to i32
    %cond3A_330 = arith.constant 0 : i32
    %cond3A_331 = arith.cmpi ne, %convert_element_type3A_329, %cond3A_330 : i32
    scf.if %cond3A_331 {
      "tpu.region"() ({
        %run_scoped3A = tpu.sem_alloc : memref<!tpu.dma_semaphore, #tpu.memory_space<semaphore_mem>>
        %dma_start3A_332 = arith.constant 0 : i32
        %dma_start3A_333 = arith.constant 0 : i32
        %dma_start3A_334 = tpu.memref_slice %arg5[%arg0, %dma_start3A_332, %dma_start3A_333] : memref<2x10240x128xf32, #tpu.memory_space<hbm>> -> memref<1x10240x128xf32, #tpu.memory_space<hbm>>
        %dma_start3A_335 = tpu.memref_squeeze %dma_start3A_334 : memref<1x10240x128xf32, #tpu.memory_space<hbm>> -> memref<10240x128xf32, #tpu.memory_space<hbm>>
        tpu.enqueue_dma source(%arg13 : memref<10240x128xf32, #tpu.memory_space<vmem_shared>>) target(%dma_start3A_335 : memref<10240x128xf32, #tpu.memory_space<hbm>>) target_semaphore(%run_scoped3A : memref<!tpu.dma_semaphore, #tpu.memory_space<semaphore_mem>>)
        %dma_wait3A_336 = arith.constant 0 : i32
        %dma_wait3A_337 = arith.constant 0 : i32
        %dma_wait3A_338 = tpu.memref_slice %arg5[%arg0, %dma_wait3A_336, %dma_wait3A_337] : memref<2x10240x128xf32, #tpu.memory_space<hbm>> -> memref<1x10240x128xf32, #tpu.memory_space<hbm>>
        %dma_wait3A_339 = tpu.memref_squeeze %dma_wait3A_338 : memref<1x10240x128xf32, #tpu.memory_space<hbm>> -> memref<10240x128xf32, #tpu.memory_space<hbm>>
        tpu.wait_dma2 semaphore(%run_scoped3A : memref<!tpu.dma_semaphore, #tpu.memory_space<semaphore_mem>>) src(%arg13 : memref<10240x128xf32, #tpu.memory_space<vmem_shared>>) dst(%dma_wait3A_339 : memref<10240x128xf32, #tpu.memory_space<hbm>>)
        tpu.yield
      }) : () -> ()
    } else {
    }
    return
  }
}

#map = affine_map<(d0, d1) -> (0, 0)>
#map1 = affine_map<(d0, d1) -> (0)>
#map2 = affine_map<(d0, d1) -> (0, 0, 0)>
module attributes {stable_mosaic.version = 14 : i64} {
  func.func @_deg_body(%arg0: i32, %arg1: i32, %arg2: memref<128x128xf32, #tpu.memory_space<hbm>>, %arg3: memref<339328xi32, #tpu.memory_space<hbm>>, %arg4: memref<10240x128xf32, #tpu.memory_space<hbm>>, %arg5: memref<2x10240x128xf32, #tpu.memory_space<hbm>>, %arg6: memref<15744xi32, #tpu.memory_space<vmem>>, %arg7: memref<128xi32, #tpu.memory_space<vmem>>, %arg8: memref<128xi32, #tpu.memory_space<vmem>>, %arg9: memref<128x128xf32, #tpu.memory_space<vmem>>, %arg10: memref<10240x128xf32, #tpu.memory_space<vmem_shared>>, %arg11: memref<!tpu.dma_semaphore, #tpu.memory_space<semaphore_mem>>, %arg12: memref<!tpu.dma_semaphore, #tpu.memory_space<semaphore_mem>>) attributes {dimension_semantics = [#tpu.dimension_semantics<core_parallel>, #tpu.dimension_semantics<subcore_parallel>], iteration_bounds = array<i64: 2, 16>, scalar_prefetch = 0 : i64, scratch_operands = 7 : i64, tpu.core_type = #tpu.core_type<sc_vector_subcore>, window_params = [{transform_indices = #map}, {transform_indices = #map1}, {transform_indices = #map}, {transform_indices = #map2}]} {
    %eq3A = arith.constant 0 : i32
    %eq3A_0 = arith.cmpi eq, %arg0, %eq3A : i32
    %jit3A = arith.constant 121 : i32
    %jit3A_1 = arith.constant 37 : i32
    %select_n3A = arith.select %eq3A_0, %jit3A, %jit3A_1 : i32
    %mul3A = arith.constant 247808 : i32
    %mul3A_2 = arith.muli %arg0, %mul3A : i32
    %eq3A_3 = arith.constant 0 : i32
    %eq3A_4 = arith.cmpi eq, %arg0, %eq3A_3 : i32
    %jit3A_5 = arith.constant 15488 : i32
    %jit3A_6 = arith.constant 4736 : i32
    %select_n3A_7 = arith.select %eq3A_4, %jit3A_5, %jit3A_6 : i32
    %mul3A_8 = arith.muli %arg1, %select_n3A_7 : i32
    %add3A = arith.addi %mul3A_2, %mul3A_8 : i32
    %eq3A_9 = arith.constant 0 : i32
    %eq3A_10 = arith.cmpi eq, %arg1, %eq3A_9 : i32
    %convert_element_type3A = arith.extui %eq3A_10 : i1 to i32
    %cond3A = arith.constant 0 : i32
    %cond3A_11 = arith.cmpi ne, %convert_element_type3A, %cond3A : i32
    scf.if %cond3A_11 {
      "tpu.region"() ({
        %run_scoped3A = tpu.sem_alloc : memref<!tpu.dma_semaphore, #tpu.memory_space<semaphore_mem>>
        tpu.enqueue_dma source(%arg4 : memref<10240x128xf32, #tpu.memory_space<hbm>>) target(%arg10 : memref<10240x128xf32, #tpu.memory_space<vmem_shared>>) target_semaphore(%run_scoped3A : memref<!tpu.dma_semaphore, #tpu.memory_space<semaphore_mem>>)
        tpu.wait_dma2 semaphore(%run_scoped3A : memref<!tpu.dma_semaphore, #tpu.memory_space<semaphore_mem>>) src(%arg4 : memref<10240x128xf32, #tpu.memory_space<hbm>>) dst(%arg10 : memref<10240x128xf32, #tpu.memory_space<vmem_shared>>)
        tpu.yield
      }) : () -> ()
    } else {
    }
    "tpu.region"() ({
      %run_scoped3A = tpu.sem_alloc : memref<!tpu.dma_semaphore, #tpu.memory_space<semaphore_mem>>
      %dma_start3A_335 = tpu.memref_slice %arg3[%add3A] : memref<339328xi32, #tpu.memory_space<hbm>> -> memref<15744xi32, #tpu.memory_space<hbm>>
      %dma_start3A_336 = tpu.memref_slice %arg3[%add3A] : memref<339328xi32, #tpu.memory_space<hbm>> -> memref<15744xi32, #tpu.memory_space<hbm>>
      tpu.enqueue_dma source(%dma_start3A_336 : memref<15744xi32, #tpu.memory_space<hbm>>) target(%arg6 : memref<15744xi32, #tpu.memory_space<vmem>>) target_semaphore(%run_scoped3A : memref<!tpu.dma_semaphore, #tpu.memory_space<semaphore_mem>>)
      %dma_wait3A_337 = tpu.memref_slice %arg3[%add3A] : memref<339328xi32, #tpu.memory_space<hbm>> -> memref<15744xi32, #tpu.memory_space<hbm>>
      %dma_wait3A_338 = tpu.memref_slice %arg3[%add3A] : memref<339328xi32, #tpu.memory_space<hbm>> -> memref<15744xi32, #tpu.memory_space<hbm>>
      tpu.wait_dma2 semaphore(%run_scoped3A : memref<!tpu.dma_semaphore, #tpu.memory_space<semaphore_mem>>) src(%dma_wait3A_338 : memref<15744xi32, #tpu.memory_space<hbm>>) dst(%arg6 : memref<15744xi32, #tpu.memory_space<vmem>>)
      tpu.yield
    }) : () -> ()
    "tpu.region"() ({
      %run_scoped3A = tpu.sem_alloc : memref<!tpu.dma_semaphore, #tpu.memory_space<semaphore_mem>>
      tpu.enqueue_dma source(%arg2 : memref<128x128xf32, #tpu.memory_space<hbm>>) target(%arg9 : memref<128x128xf32, #tpu.memory_space<vmem>>) target_semaphore(%run_scoped3A : memref<!tpu.dma_semaphore, #tpu.memory_space<semaphore_mem>>)
      tpu.wait_dma2 semaphore(%run_scoped3A : memref<!tpu.dma_semaphore, #tpu.memory_space<semaphore_mem>>) src(%arg2 : memref<128x128xf32, #tpu.memory_space<hbm>>) dst(%arg9 : memref<128x128xf32, #tpu.memory_space<vmem>>)
      tpu.yield
    }) : () -> ()
    %barrier3A = arith.constant 0 : index
    tpu.barrier barrier_id(%barrier3A)
    %get3A = arith.constant 0 : index
    %get3A_12 = tpu.vector_load %arg6[%get3A] {strides = array<i32>} : memref<15744xi32, #tpu.memory_space<vmem>>, vector<16xi32>,
    %get3A_13 = vector.shape_cast %get3A_12 : vector<16xi32> to vector<16xi32>
    %and3A = arith.constant 16383 : i32
    %and3A_14 = vector.broadcast %and3A : i32 to vector<16xi32>
    %and3A_15 = arith.andi %get3A_13, %and3A_14 : vector<16xi32>
    %swap3A = arith.constant 0 : index
    %swap3A_16 = tpu.vector_load %arg7[%swap3A] {strides = array<i32>} : memref<128xi32, #tpu.memory_space<vmem>>, vector<16xi32>,
    %swap3A_17 = vector.shape_cast %swap3A_16 : vector<16xi32> to vector<16xi32>
    %swap3A_18 = vector.shape_cast %and3A_15 : vector<16xi32> to vector<16xi32>
    tpu.vector_store %arg7[%swap3A], %swap3A_18 {strides = array<i32>} : memref<128xi32, #tpu.memory_space<vmem>>, vector<16xi32>,
    %get3A_19 = arith.constant 16 : index
    %get3A_20 = tpu.vector_load %arg6[%get3A_19] {strides = array<i32>} : memref<15744xi32, #tpu.memory_space<vmem>>, vector<16xi32>,
    %get3A_21 = vector.shape_cast %get3A_20 : vector<16xi32> to vector<16xi32>
    %and3A_22 = arith.constant 16383 : i32
    %and3A_23 = vector.broadcast %and3A_22 : i32 to vector<16xi32>
    %and3A_24 = arith.andi %get3A_21, %and3A_23 : vector<16xi32>
    %swap3A_25 = arith.constant 16 : index
    %swap3A_26 = tpu.vector_load %arg7[%swap3A_25] {strides = array<i32>} : memref<128xi32, #tpu.memory_space<vmem>>, vector<16xi32>,
    %swap3A_27 = vector.shape_cast %swap3A_26 : vector<16xi32> to vector<16xi32>
    %swap3A_28 = vector.shape_cast %and3A_24 : vector<16xi32> to vector<16xi32>
    tpu.vector_store %arg7[%swap3A_25], %swap3A_28 {strides = array<i32>} : memref<128xi32, #tpu.memory_space<vmem>>, vector<16xi32>,
    %get3A_29 = arith.constant 32 : index
    %get3A_30 = tpu.vector_load %arg6[%get3A_29] {strides = array<i32>} : memref<15744xi32, #tpu.memory_space<vmem>>, vector<16xi32>,
    %get3A_31 = vector.shape_cast %get3A_30 : vector<16xi32> to vector<16xi32>
    %and3A_32 = arith.constant 16383 : i32
    %and3A_33 = vector.broadcast %and3A_32 : i32 to vector<16xi32>
    %and3A_34 = arith.andi %get3A_31, %and3A_33 : vector<16xi32>
    %swap3A_35 = arith.constant 32 : index
    %swap3A_36 = tpu.vector_load %arg7[%swap3A_35] {strides = array<i32>} : memref<128xi32, #tpu.memory_space<vmem>>, vector<16xi32>,
    %swap3A_37 = vector.shape_cast %swap3A_36 : vector<16xi32> to vector<16xi32>
    %swap3A_38 = vector.shape_cast %and3A_34 : vector<16xi32> to vector<16xi32>
    tpu.vector_store %arg7[%swap3A_35], %swap3A_38 {strides = array<i32>} : memref<128xi32, #tpu.memory_space<vmem>>, vector<16xi32>,
    %get3A_39 = arith.constant 48 : index
    %get3A_40 = tpu.vector_load %arg6[%get3A_39] {strides = array<i32>} : memref<15744xi32, #tpu.memory_space<vmem>>, vector<16xi32>,
    %get3A_41 = vector.shape_cast %get3A_40 : vector<16xi32> to vector<16xi32>
    %and3A_42 = arith.constant 16383 : i32
    %and3A_43 = vector.broadcast %and3A_42 : i32 to vector<16xi32>
    %and3A_44 = arith.andi %get3A_41, %and3A_43 : vector<16xi32>
    %swap3A_45 = arith.constant 48 : index
    %swap3A_46 = tpu.vector_load %arg7[%swap3A_45] {strides = array<i32>} : memref<128xi32, #tpu.memory_space<vmem>>, vector<16xi32>,
    %swap3A_47 = vector.shape_cast %swap3A_46 : vector<16xi32> to vector<16xi32>
    %swap3A_48 = vector.shape_cast %and3A_44 : vector<16xi32> to vector<16xi32>
    tpu.vector_store %arg7[%swap3A_45], %swap3A_48 {strides = array<i32>} : memref<128xi32, #tpu.memory_space<vmem>>, vector<16xi32>,
    %get3A_49 = arith.constant 64 : index
    %get3A_50 = tpu.vector_load %arg6[%get3A_49] {strides = array<i32>} : memref<15744xi32, #tpu.memory_space<vmem>>, vector<16xi32>,
    %get3A_51 = vector.shape_cast %get3A_50 : vector<16xi32> to vector<16xi32>
    %and3A_52 = arith.constant 16383 : i32
    %and3A_53 = vector.broadcast %and3A_52 : i32 to vector<16xi32>
    %and3A_54 = arith.andi %get3A_51, %and3A_53 : vector<16xi32>
    %swap3A_55 = arith.constant 64 : index
    %swap3A_56 = tpu.vector_load %arg7[%swap3A_55] {strides = array<i32>} : memref<128xi32, #tpu.memory_space<vmem>>, vector<16xi32>,
    %swap3A_57 = vector.shape_cast %swap3A_56 : vector<16xi32> to vector<16xi32>
    %swap3A_58 = vector.shape_cast %and3A_54 : vector<16xi32> to vector<16xi32>
    tpu.vector_store %arg7[%swap3A_55], %swap3A_58 {strides = array<i32>} : memref<128xi32, #tpu.memory_space<vmem>>, vector<16xi32>,
    %get3A_59 = arith.constant 80 : index
    %get3A_60 = tpu.vector_load %arg6[%get3A_59] {strides = array<i32>} : memref<15744xi32, #tpu.memory_space<vmem>>, vector<16xi32>,
    %get3A_61 = vector.shape_cast %get3A_60 : vector<16xi32> to vector<16xi32>
    %and3A_62 = arith.constant 16383 : i32
    %and3A_63 = vector.broadcast %and3A_62 : i32 to vector<16xi32>
    %and3A_64 = arith.andi %get3A_61, %and3A_63 : vector<16xi32>
    %swap3A_65 = arith.constant 80 : index
    %swap3A_66 = tpu.vector_load %arg7[%swap3A_65] {strides = array<i32>} : memref<128xi32, #tpu.memory_space<vmem>>, vector<16xi32>,
    %swap3A_67 = vector.shape_cast %swap3A_66 : vector<16xi32> to vector<16xi32>
    %swap3A_68 = vector.shape_cast %and3A_64 : vector<16xi32> to vector<16xi32>
    tpu.vector_store %arg7[%swap3A_65], %swap3A_68 {strides = array<i32>} : memref<128xi32, #tpu.memory_space<vmem>>, vector<16xi32>,
    %get3A_69 = arith.constant 96 : index
    %get3A_70 = tpu.vector_load %arg6[%get3A_69] {strides = array<i32>} : memref<15744xi32, #tpu.memory_space<vmem>>, vector<16xi32>,
    %get3A_71 = vector.shape_cast %get3A_70 : vector<16xi32> to vector<16xi32>
    %and3A_72 = arith.constant 16383 : i32
    %and3A_73 = vector.broadcast %and3A_72 : i32 to vector<16xi32>
    %and3A_74 = arith.andi %get3A_71, %and3A_73 : vector<16xi32>
    %swap3A_75 = arith.constant 96 : index
    %swap3A_76 = tpu.vector_load %arg7[%swap3A_75] {strides = array<i32>} : memref<128xi32, #tpu.memory_space<vmem>>, vector<16xi32>,
    %swap3A_77 = vector.shape_cast %swap3A_76 : vector<16xi32> to vector<16xi32>
    %swap3A_78 = vector.shape_cast %and3A_74 : vector<16xi32> to vector<16xi32>
    tpu.vector_store %arg7[%swap3A_75], %swap3A_78 {strides = array<i32>} : memref<128xi32, #tpu.memory_space<vmem>>, vector<16xi32>,
    %get3A_79 = arith.constant 112 : index
    %get3A_80 = tpu.vector_load %arg6[%get3A_79] {strides = array<i32>} : memref<15744xi32, #tpu.memory_space<vmem>>, vector<16xi32>,
    %get3A_81 = vector.shape_cast %get3A_80 : vector<16xi32> to vector<16xi32>
    %and3A_82 = arith.constant 16383 : i32
    %and3A_83 = vector.broadcast %and3A_82 : i32 to vector<16xi32>
    %and3A_84 = arith.andi %get3A_81, %and3A_83 : vector<16xi32>
    %swap3A_85 = arith.constant 112 : index
    %swap3A_86 = tpu.vector_load %arg7[%swap3A_85] {strides = array<i32>} : memref<128xi32, #tpu.memory_space<vmem>>, vector<16xi32>,
    %swap3A_87 = vector.shape_cast %swap3A_86 : vector<16xi32> to vector<16xi32>
    %swap3A_88 = vector.shape_cast %and3A_84 : vector<16xi32> to vector<16xi32>
    tpu.vector_store %arg7[%swap3A_85], %swap3A_88 {strides = array<i32>} : memref<128xi32, #tpu.memory_space<vmem>>, vector<16xi32>,
    %dma_start3A = arith.constant 0 : i32
    %dma_start3A_89 = arith.constant 0 : i32
    %dma_start3A_90 = tpu.memref_slice %arg10[%dma_start3A, %dma_start3A_89] : memref<10240x128xf32, #tpu.memory_space<vmem_shared>> -> memref<10240x128xf32, #tpu.memory_space<vmem_shared>>
    tpu.enqueue_indirect_dma source(%arg9 : memref<128x128xf32, #tpu.memory_space<vmem>>) target(%dma_start3A_90 : memref<10240x128xf32, #tpu.memory_space<vmem_shared>>) offsets(%arg7 : memref<128xi32, #tpu.memory_space<vmem>>) semaphore(%arg11 : memref<!tpu.dma_semaphore, #tpu.memory_space<semaphore_mem>>) {add = true}
    %get3A_91 = arith.constant 128 : index
    %get3A_92 = tpu.vector_load %arg6[%get3A_91] {strides = array<i32>} : memref<15744xi32, #tpu.memory_space<vmem>>, vector<16xi32>,
    %get3A_93 = vector.shape_cast %get3A_92 : vector<16xi32> to vector<16xi32>
    %and3A_94 = arith.constant 16383 : i32
    %and3A_95 = vector.broadcast %and3A_94 : i32 to vector<16xi32>
    %and3A_96 = arith.andi %get3A_93, %and3A_95 : vector<16xi32>
    %swap3A_97 = arith.constant 0 : index
    %swap3A_98 = tpu.vector_load %arg8[%swap3A_97] {strides = array<i32>} : memref<128xi32, #tpu.memory_space<vmem>>, vector<16xi32>,
    %swap3A_99 = vector.shape_cast %swap3A_98 : vector<16xi32> to vector<16xi32>
    %swap3A_100 = vector.shape_cast %and3A_96 : vector<16xi32> to vector<16xi32>
    tpu.vector_store %arg8[%swap3A_97], %swap3A_100 {strides = array<i32>} : memref<128xi32, #tpu.memory_space<vmem>>, vector<16xi32>,
    %get3A_101 = arith.constant 144 : index
    %get3A_102 = tpu.vector_load %arg6[%get3A_101] {strides = array<i32>} : memref<15744xi32, #tpu.memory_space<vmem>>, vector<16xi32>,
    %get3A_103 = vector.shape_cast %get3A_102 : vector<16xi32> to vector<16xi32>
    %and3A_104 = arith.constant 16383 : i32
    %and3A_105 = vector.broadcast %and3A_104 : i32 to vector<16xi32>
    %and3A_106 = arith.andi %get3A_103, %and3A_105 : vector<16xi32>
    %swap3A_107 = arith.constant 16 : index
    %swap3A_108 = tpu.vector_load %arg8[%swap3A_107] {strides = array<i32>} : memref<128xi32, #tpu.memory_space<vmem>>, vector<16xi32>,
    %swap3A_109 = vector.shape_cast %swap3A_108 : vector<16xi32> to vector<16xi32>
    %swap3A_110 = vector.shape_cast %and3A_106 : vector<16xi32> to vector<16xi32>
    tpu.vector_store %arg8[%swap3A_107], %swap3A_110 {strides = array<i32>} : memref<128xi32, #tpu.memory_space<vmem>>, vector<16xi32>,
    %get3A_111 = arith.constant 160 : index
    %get3A_112 = tpu.vector_load %arg6[%get3A_111] {strides = array<i32>} : memref<15744xi32, #tpu.memory_space<vmem>>, vector<16xi32>,
    %get3A_113 = vector.shape_cast %get3A_112 : vector<16xi32> to vector<16xi32>
    %and3A_114 = arith.constant 16383 : i32
    %and3A_115 = vector.broadcast %and3A_114 : i32 to vector<16xi32>
    %and3A_116 = arith.andi %get3A_113, %and3A_115 : vector<16xi32>
    %swap3A_117 = arith.constant 32 : index
    %swap3A_118 = tpu.vector_load %arg8[%swap3A_117] {strides = array<i32>} : memref<128xi32, #tpu.memory_space<vmem>>, vector<16xi32>,
    %swap3A_119 = vector.shape_cast %swap3A_118 : vector<16xi32> to vector<16xi32>
    %swap3A_120 = vector.shape_cast %and3A_116 : vector<16xi32> to vector<16xi32>
    tpu.vector_store %arg8[%swap3A_117], %swap3A_120 {strides = array<i32>} : memref<128xi32, #tpu.memory_space<vmem>>, vector<16xi32>,
    %get3A_121 = arith.constant 176 : index
    %get3A_122 = tpu.vector_load %arg6[%get3A_121] {strides = array<i32>} : memref<15744xi32, #tpu.memory_space<vmem>>, vector<16xi32>,
    %get3A_123 = vector.shape_cast %get3A_122 : vector<16xi32> to vector<16xi32>
    %and3A_124 = arith.constant 16383 : i32
    %and3A_125 = vector.broadcast %and3A_124 : i32 to vector<16xi32>
    %and3A_126 = arith.andi %get3A_123, %and3A_125 : vector<16xi32>
    %swap3A_127 = arith.constant 48 : index
    %swap3A_128 = tpu.vector_load %arg8[%swap3A_127] {strides = array<i32>} : memref<128xi32, #tpu.memory_space<vmem>>, vector<16xi32>,
    %swap3A_129 = vector.shape_cast %swap3A_128 : vector<16xi32> to vector<16xi32>
    %swap3A_130 = vector.shape_cast %and3A_126 : vector<16xi32> to vector<16xi32>
    tpu.vector_store %arg8[%swap3A_127], %swap3A_130 {strides = array<i32>} : memref<128xi32, #tpu.memory_space<vmem>>, vector<16xi32>,
    %get3A_131 = arith.constant 192 : index
    %get3A_132 = tpu.vector_load %arg6[%get3A_131] {strides = array<i32>} : memref<15744xi32, #tpu.memory_space<vmem>>, vector<16xi32>,
    %get3A_133 = vector.shape_cast %get3A_132 : vector<16xi32> to vector<16xi32>
    %and3A_134 = arith.constant 16383 : i32
    %and3A_135 = vector.broadcast %and3A_134 : i32 to vector<16xi32>
    %and3A_136 = arith.andi %get3A_133, %and3A_135 : vector<16xi32>
    %swap3A_137 = arith.constant 64 : index
    %swap3A_138 = tpu.vector_load %arg8[%swap3A_137] {strides = array<i32>} : memref<128xi32, #tpu.memory_space<vmem>>, vector<16xi32>,
    %swap3A_139 = vector.shape_cast %swap3A_138 : vector<16xi32> to vector<16xi32>
    %swap3A_140 = vector.shape_cast %and3A_136 : vector<16xi32> to vector<16xi32>
    tpu.vector_store %arg8[%swap3A_137], %swap3A_140 {strides = array<i32>} : memref<128xi32, #tpu.memory_space<vmem>>, vector<16xi32>,
    %get3A_141 = arith.constant 208 : index
    %get3A_142 = tpu.vector_load %arg6[%get3A_141] {strides = array<i32>} : memref<15744xi32, #tpu.memory_space<vmem>>, vector<16xi32>,
    %get3A_143 = vector.shape_cast %get3A_142 : vector<16xi32> to vector<16xi32>
    %and3A_144 = arith.constant 16383 : i32
    %and3A_145 = vector.broadcast %and3A_144 : i32 to vector<16xi32>
    %and3A_146 = arith.andi %get3A_143, %and3A_145 : vector<16xi32>
    %swap3A_147 = arith.constant 80 : index
    %swap3A_148 = tpu.vector_load %arg8[%swap3A_147] {strides = array<i32>} : memref<128xi32, #tpu.memory_space<vmem>>, vector<16xi32>,
    %swap3A_149 = vector.shape_cast %swap3A_148 : vector<16xi32> to vector<16xi32>
    %swap3A_150 = vector.shape_cast %and3A_146 : vector<16xi32> to vector<16xi32>
    tpu.vector_store %arg8[%swap3A_147], %swap3A_150 {strides = array<i32>} : memref<128xi32, #tpu.memory_space<vmem>>, vector<16xi32>,
    %get3A_151 = arith.constant 224 : index
    %get3A_152 = tpu.vector_load %arg6[%get3A_151] {strides = array<i32>} : memref<15744xi32, #tpu.memory_space<vmem>>, vector<16xi32>,
    %get3A_153 = vector.shape_cast %get3A_152 : vector<16xi32> to vector<16xi32>
    %and3A_154 = arith.constant 16383 : i32
    %and3A_155 = vector.broadcast %and3A_154 : i32 to vector<16xi32>
    %and3A_156 = arith.andi %get3A_153, %and3A_155 : vector<16xi32>
    %swap3A_157 = arith.constant 96 : index
    %swap3A_158 = tpu.vector_load %arg8[%swap3A_157] {strides = array<i32>} : memref<128xi32, #tpu.memory_space<vmem>>, vector<16xi32>,
    %swap3A_159 = vector.shape_cast %swap3A_158 : vector<16xi32> to vector<16xi32>
    %swap3A_160 = vector.shape_cast %and3A_156 : vector<16xi32> to vector<16xi32>
    tpu.vector_store %arg8[%swap3A_157], %swap3A_160 {strides = array<i32>} : memref<128xi32, #tpu.memory_space<vmem>>, vector<16xi32>,
    %get3A_161 = arith.constant 240 : index
    %get3A_162 = tpu.vector_load %arg6[%get3A_161] {strides = array<i32>} : memref<15744xi32, #tpu.memory_space<vmem>>, vector<16xi32>,
    %get3A_163 = vector.shape_cast %get3A_162 : vector<16xi32> to vector<16xi32>
    %and3A_164 = arith.constant 16383 : i32
    %and3A_165 = vector.broadcast %and3A_164 : i32 to vector<16xi32>
    %and3A_166 = arith.andi %get3A_163, %and3A_165 : vector<16xi32>
    %swap3A_167 = arith.constant 112 : index
    %swap3A_168 = tpu.vector_load %arg8[%swap3A_167] {strides = array<i32>} : memref<128xi32, #tpu.memory_space<vmem>>, vector<16xi32>,
    %swap3A_169 = vector.shape_cast %swap3A_168 : vector<16xi32> to vector<16xi32>
    %swap3A_170 = vector.shape_cast %and3A_166 : vector<16xi32> to vector<16xi32>
    tpu.vector_store %arg8[%swap3A_167], %swap3A_170 {strides = array<i32>} : memref<128xi32, #tpu.memory_space<vmem>>, vector<16xi32>,
    %dma_start3A_171 = arith.constant 0 : i32
    %dma_start3A_172 = arith.constant 0 : i32
    %dma_start3A_173 = tpu.memref_slice %arg10[%dma_start3A_171, %dma_start3A_172] : memref<10240x128xf32, #tpu.memory_space<vmem_shared>> -> memref<10240x128xf32, #tpu.memory_space<vmem_shared>>
    tpu.enqueue_indirect_dma source(%arg9 : memref<128x128xf32, #tpu.memory_space<vmem>>) target(%dma_start3A_173 : memref<10240x128xf32, #tpu.memory_space<vmem_shared>>) offsets(%arg8 : memref<128xi32, #tpu.memory_space<vmem>>) semaphore(%arg12 : memref<!tpu.dma_semaphore, #tpu.memory_space<semaphore_mem>>) {add = true}
    %sub3A = arith.constant 3 : i32
    %sub3A_174 = arith.subi %select_n3A, %sub3A : i32
    %jit3A_175 = arith.constant 2 : i32
    %div3A = arith.divsi %sub3A_174, %jit3A_175 : i32
    %sign3A = arith.constant 0 : i32
    %sign3A_176 = arith.cmpi sgt, %sub3A_174, %sign3A : i32
    %sign3A_177 = arith.extui %sign3A_176 : i1 to i32
    %sign3A_178 = arith.constant 0 : i32
    %sign3A_179 = arith.cmpi slt, %sub3A_174, %sign3A_178 : i32
    %sign3A_180 = arith.extui %sign3A_179 : i1 to i32
    %sign3A_181 = arith.subi %sign3A_177, %sign3A_180 : i32
    %sign3A_182 = arith.constant 0 : i32
    %sign3A_183 = arith.cmpi sgt, %jit3A_175, %sign3A_182 : i32
    %sign3A_184 = arith.extui %sign3A_183 : i1 to i32
    %sign3A_185 = arith.constant 0 : i32
    %sign3A_186 = arith.cmpi slt, %jit3A_175, %sign3A_185 : i32
    %sign3A_187 = arith.extui %sign3A_186 : i1 to i32
    %sign3A_188 = arith.subi %sign3A_184, %sign3A_187 : i32
    %ne3A = arith.cmpi ne, %sign3A_181, %sign3A_188 : i32
    %rem3A = arith.remsi %sub3A_174, %jit3A_175 : i32
    %ne3A_189 = arith.constant 0 : i32
    %ne3A_190 = arith.cmpi ne, %rem3A, %ne3A_189 : i32
    %and3A_191 = arith.andi %ne3A, %ne3A_190 : i1
    %sub3A_192 = arith.constant 1 : i32
    %sub3A_193 = arith.subi %div3A, %sub3A_192 : i32
    %select_n3A_194 = arith.select %and3A_191, %sub3A_193, %div3A : i32
    %while3A = arith.constant 0 : i32
    %while3A_195 = arith.constant 0 : i32
    %while3A_196 = arith.subi %select_n3A_194, %while3A_195 : i32
    %while3A_197 = arith.addi %while3A_195, %while3A_196 : i32
    %while3A_198 = arith.constant 1 : i32
    %while3A_199 = arith.divsi %while3A_196, %while3A_198 : i32
    %while3A_200 = arith.muli %while3A_199, %while3A_198 : i32
    %while3A_201 = arith.addi %while3A_195, %while3A_200 : i32
    %while3A_202 = arith.constant 1 : i32
    scf.for %while3A_335 = %while3A_195 to %while3A_201 step %while3A_202  : i32 {
      %mul3A_336 = arith.constant 2 : i32
      %mul3A_337 = arith.muli %mul3A_336, %while3A_335 : i32
      %dma_wait3A_338 = arith.constant 0 : i32
      %dma_wait3A_339 = arith.constant 0 : i32
      %dma_wait3A_340 = tpu.memref_slice %arg10[%dma_wait3A_338, %dma_wait3A_339] : memref<10240x128xf32, #tpu.memory_space<vmem_shared>> -> memref<10240x128xf32, #tpu.memory_space<vmem_shared>>
      tpu.wait_indirect_dma semaphore(%arg11 : memref<!tpu.dma_semaphore, #tpu.memory_space<semaphore_mem>>) src(%arg9 : memref<128x128xf32, #tpu.memory_space<vmem>>) dst(%dma_wait3A_340 : memref<10240x128xf32, #tpu.memory_space<vmem_shared>>)
      %add3A_341 = arith.constant 2 : i32
      %add3A_342 = arith.addi %mul3A_337, %add3A_341 : i32
      %mul3A_343 = arith.constant 128 : i32
      %mul3A_344 = arith.muli %add3A_342, %mul3A_343 : i32
      %add3A_345 = arith.constant 0 : i32
      %add3A_346 = arith.addi %mul3A_344, %add3A_345 : i32
      %get3A_347 = arith.index_cast %add3A_346 : i32 to index
      %get3A_348 = tpu.vector_load %arg6[%get3A_347] {strides = array<i32>} : memref<15744xi32, #tpu.memory_space<vmem>>, vector<16xi32>,
      %get3A_349 = vector.shape_cast %get3A_348 : vector<16xi32> to vector<16xi32>
      %and3A_350 = arith.constant 16383 : i32
      %and3A_351 = vector.broadcast %and3A_350 : i32 to vector<16xi32>
      %and3A_352 = arith.andi %get3A_349, %and3A_351 : vector<16xi32>
      %swap3A_353 = arith.constant 0 : index
      %swap3A_354 = tpu.vector_load %arg7[%swap3A_353] {strides = array<i32>} : memref<128xi32, #tpu.memory_space<vmem>>, vector<16xi32>,
      %swap3A_355 = vector.shape_cast %swap3A_354 : vector<16xi32> to vector<16xi32>
      %swap3A_356 = vector.shape_cast %and3A_352 : vector<16xi32> to vector<16xi32>
      tpu.vector_store %arg7[%swap3A_353], %swap3A_356 {strides = array<i32>} : memref<128xi32, #tpu.memory_space<vmem>>, vector<16xi32>,
      %mul3A_357 = arith.constant 128 : i32
      %mul3A_358 = arith.muli %add3A_342, %mul3A_357 : i32
      %add3A_359 = arith.constant 16 : i32
      %add3A_360 = arith.addi %mul3A_358, %add3A_359 : i32
      %get3A_361 = arith.index_cast %add3A_360 : i32 to index
      %get3A_362 = tpu.vector_load %arg6[%get3A_361] {strides = array<i32>} : memref<15744xi32, #tpu.memory_space<vmem>>, vector<16xi32>,
      %get3A_363 = vector.shape_cast %get3A_362 : vector<16xi32> to vector<16xi32>
      %and3A_364 = arith.constant 16383 : i32
      %and3A_365 = vector.broadcast %and3A_364 : i32 to vector<16xi32>
      %and3A_366 = arith.andi %get3A_363, %and3A_365 : vector<16xi32>
      %swap3A_367 = arith.constant 16 : index
      %swap3A_368 = tpu.vector_load %arg7[%swap3A_367] {strides = array<i32>} : memref<128xi32, #tpu.memory_space<vmem>>, vector<16xi32>,
      %swap3A_369 = vector.shape_cast %swap3A_368 : vector<16xi32> to vector<16xi32>
      %swap3A_370 = vector.shape_cast %and3A_366 : vector<16xi32> to vector<16xi32>
      tpu.vector_store %arg7[%swap3A_367], %swap3A_370 {strides = array<i32>} : memref<128xi32, #tpu.memory_space<vmem>>, vector<16xi32>,
      %mul3A_371 = arith.constant 128 : i32
      %mul3A_372 = arith.muli %add3A_342, %mul3A_371 : i32
      %add3A_373 = arith.constant 32 : i32
      %add3A_374 = arith.addi %mul3A_372, %add3A_373 : i32
      %get3A_375 = arith.index_cast %add3A_374 : i32 to index
      %get3A_376 = tpu.vector_load %arg6[%get3A_375] {strides = array<i32>} : memref<15744xi32, #tpu.memory_space<vmem>>, vector<16xi32>,
      %get3A_377 = vector.shape_cast %get3A_376 : vector<16xi32> to vector<16xi32>
      %and3A_378 = arith.constant 16383 : i32
      %and3A_379 = vector.broadcast %and3A_378 : i32 to vector<16xi32>
      %and3A_380 = arith.andi %get3A_377, %and3A_379 : vector<16xi32>
      %swap3A_381 = arith.constant 32 : index
      %swap3A_382 = tpu.vector_load %arg7[%swap3A_381] {strides = array<i32>} : memref<128xi32, #tpu.memory_space<vmem>>, vector<16xi32>,
      %swap3A_383 = vector.shape_cast %swap3A_382 : vector<16xi32> to vector<16xi32>
      %swap3A_384 = vector.shape_cast %and3A_380 : vector<16xi32> to vector<16xi32>
      tpu.vector_store %arg7[%swap3A_381], %swap3A_384 {strides = array<i32>} : memref<128xi32, #tpu.memory_space<vmem>>, vector<16xi32>,
      %mul3A_385 = arith.constant 128 : i32
      %mul3A_386 = arith.muli %add3A_342, %mul3A_385 : i32
      %add3A_387 = arith.constant 48 : i32
      %add3A_388 = arith.addi %mul3A_386, %add3A_387 : i32
      %get3A_389 = arith.index_cast %add3A_388 : i32 to index
      %get3A_390 = tpu.vector_load %arg6[%get3A_389] {strides = array<i32>} : memref<15744xi32, #tpu.memory_space<vmem>>, vector<16xi32>,
      %get3A_391 = vector.shape_cast %get3A_390 : vector<16xi32> to vector<16xi32>
      %and3A_392 = arith.constant 16383 : i32
      %and3A_393 = vector.broadcast %and3A_392 : i32 to vector<16xi32>
      %and3A_394 = arith.andi %get3A_391, %and3A_393 : vector<16xi32>
      %swap3A_395 = arith.constant 48 : index
      %swap3A_396 = tpu.vector_load %arg7[%swap3A_395] {strides = array<i32>} : memref<128xi32, #tpu.memory_space<vmem>>, vector<16xi32>,
      %swap3A_397 = vector.shape_cast %swap3A_396 : vector<16xi32> to vector<16xi32>
      %swap3A_398 = vector.shape_cast %and3A_394 : vector<16xi32> to vector<16xi32>
      tpu.vector_store %arg7[%swap3A_395], %swap3A_398 {strides = array<i32>} : memref<128xi32, #tpu.memory_space<vmem>>, vector<16xi32>,
      %mul3A_399 = arith.constant 128 : i32
      %mul3A_400 = arith.muli %add3A_342, %mul3A_399 : i32
      %add3A_401 = arith.constant 64 : i32
      %add3A_402 = arith.addi %mul3A_400, %add3A_401 : i32
      %get3A_403 = arith.index_cast %add3A_402 : i32 to index
      %get3A_404 = tpu.vector_load %arg6[%get3A_403] {strides = array<i32>} : memref<15744xi32, #tpu.memory_space<vmem>>, vector<16xi32>,
      %get3A_405 = vector.shape_cast %get3A_404 : vector<16xi32> to vector<16xi32>
      %and3A_406 = arith.constant 16383 : i32
      %and3A_407 = vector.broadcast %and3A_406 : i32 to vector<16xi32>
      %and3A_408 = arith.andi %get3A_405, %and3A_407 : vector<16xi32>
      %swap3A_409 = arith.constant 64 : index
      %swap3A_410 = tpu.vector_load %arg7[%swap3A_409] {strides = array<i32>} : memref<128xi32, #tpu.memory_space<vmem>>, vector<16xi32>,
      %swap3A_411 = vector.shape_cast %swap3A_410 : vector<16xi32> to vector<16xi32>
      %swap3A_412 = vector.shape_cast %and3A_408 : vector<16xi32> to vector<16xi32>
      tpu.vector_store %arg7[%swap3A_409], %swap3A_412 {strides = array<i32>} : memref<128xi32, #tpu.memory_space<vmem>>, vector<16xi32>,
      %mul3A_413 = arith.constant 128 : i32
      %mul3A_414 = arith.muli %add3A_342, %mul3A_413 : i32
      %add3A_415 = arith.constant 80 : i32
      %add3A_416 = arith.addi %mul3A_414, %add3A_415 : i32
      %get3A_417 = arith.index_cast %add3A_416 : i32 to index
      %get3A_418 = tpu.vector_load %arg6[%get3A_417] {strides = array<i32>} : memref<15744xi32, #tpu.memory_space<vmem>>, vector<16xi32>,
      %get3A_419 = vector.shape_cast %get3A_418 : vector<16xi32> to vector<16xi32>
      %and3A_420 = arith.constant 16383 : i32
      %and3A_421 = vector.broadcast %and3A_420 : i32 to vector<16xi32>
      %and3A_422 = arith.andi %get3A_419, %and3A_421 : vector<16xi32>
      %swap3A_423 = arith.constant 80 : index
      %swap3A_424 = tpu.vector_load %arg7[%swap3A_423] {strides = array<i32>} : memref<128xi32, #tpu.memory_space<vmem>>, vector<16xi32>,
      %swap3A_425 = vector.shape_cast %swap3A_424 : vector<16xi32> to vector<16xi32>
      %swap3A_426 = vector.shape_cast %and3A_422 : vector<16xi32> to vector<16xi32>
      tpu.vector_store %arg7[%swap3A_423], %swap3A_426 {strides = array<i32>} : memref<128xi32, #tpu.memory_space<vmem>>, vector<16xi32>,
      %mul3A_427 = arith.constant 128 : i32
      %mul3A_428 = arith.muli %add3A_342, %mul3A_427 : i32
      %add3A_429 = arith.constant 96 : i32
      %add3A_430 = arith.addi %mul3A_428, %add3A_429 : i32
      %get3A_431 = arith.index_cast %add3A_430 : i32 to index
      %get3A_432 = tpu.vector_load %arg6[%get3A_431] {strides = array<i32>} : memref<15744xi32, #tpu.memory_space<vmem>>, vector<16xi32>,
      %get3A_433 = vector.shape_cast %get3A_432 : vector<16xi32> to vector<16xi32>
      %and3A_434 = arith.constant 16383 : i32
      %and3A_435 = vector.broadcast %and3A_434 : i32 to vector<16xi32>
      %and3A_436 = arith.andi %get3A_433, %and3A_435 : vector<16xi32>
      %swap3A_437 = arith.constant 96 : index
      %swap3A_438 = tpu.vector_load %arg7[%swap3A_437] {strides = array<i32>} : memref<128xi32, #tpu.memory_space<vmem>>, vector<16xi32>,
      %swap3A_439 = vector.shape_cast %swap3A_438 : vector<16xi32> to vector<16xi32>
      %swap3A_440 = vector.shape_cast %and3A_436 : vector<16xi32> to vector<16xi32>
      tpu.vector_store %arg7[%swap3A_437], %swap3A_440 {strides = array<i32>} : memref<128xi32, #tpu.memory_space<vmem>>, vector<16xi32>,
      %mul3A_441 = arith.constant 128 : i32
      %mul3A_442 = arith.muli %add3A_342, %mul3A_441 : i32
      %add3A_443 = arith.constant 112 : i32
      %add3A_444 = arith.addi %mul3A_442, %add3A_443 : i32
      %get3A_445 = arith.index_cast %add3A_444 : i32 to index
      %get3A_446 = tpu.vector_load %arg6[%get3A_445] {strides = array<i32>} : memref<15744xi32, #tpu.memory_space<vmem>>, vector<16xi32>,
      %get3A_447 = vector.shape_cast %get3A_446 : vector<16xi32> to vector<16xi32>
      %and3A_448 = arith.constant 16383 : i32
      %and3A_449 = vector.broadcast %and3A_448 : i32 to vector<16xi32>
      %and3A_450 = arith.andi %get3A_447, %and3A_449 : vector<16xi32>
      %swap3A_451 = arith.constant 112 : index
      %swap3A_452 = tpu.vector_load %arg7[%swap3A_451] {strides = array<i32>} : memref<128xi32, #tpu.memory_space<vmem>>, vector<16xi32>,
      %swap3A_453 = vector.shape_cast %swap3A_452 : vector<16xi32> to vector<16xi32>
      %swap3A_454 = vector.shape_cast %and3A_450 : vector<16xi32> to vector<16xi32>
      tpu.vector_store %arg7[%swap3A_451], %swap3A_454 {strides = array<i32>} : memref<128xi32, #tpu.memory_space<vmem>>, vector<16xi32>,
      %dma_start3A_455 = arith.constant 0 : i32
      %dma_start3A_456 = arith.constant 0 : i32
      %dma_start3A_457 = tpu.memref_slice %arg10[%dma_start3A_455, %dma_start3A_456] : memref<10240x128xf32, #tpu.memory_space<vmem_shared>> -> memref<10240x128xf32, #tpu.memory_space<vmem_shared>>
      tpu.enqueue_indirect_dma source(%arg9 : memref<128x128xf32, #tpu.memory_space<vmem>>) target(%dma_start3A_457 : memref<10240x128xf32, #tpu.memory_space<vmem_shared>>) offsets(%arg7 : memref<128xi32, #tpu.memory_space<vmem>>) semaphore(%arg11 : memref<!tpu.dma_semaphore, #tpu.memory_space<semaphore_mem>>) {add = true}
      %dma_wait3A_458 = arith.constant 0 : i32
      %dma_wait3A_459 = arith.constant 0 : i32
      %dma_wait3A_460 = tpu.memref_slice %arg10[%dma_wait3A_458, %dma_wait3A_459] : memref<10240x128xf32, #tpu.memory_space<vmem_shared>> -> memref<10240x128xf32, #tpu.memory_space<vmem_shared>>
      tpu.wait_indirect_dma semaphore(%arg12 : memref<!tpu.dma_semaphore, #tpu.memory_space<semaphore_mem>>) src(%arg9 : memref<128x128xf32, #tpu.memory_space<vmem>>) dst(%dma_wait3A_460 : memref<10240x128xf32, #tpu.memory_space<vmem_shared>>)
      %add3A_461 = arith.constant 3 : i32
      %add3A_462 = arith.addi %mul3A_337, %add3A_461 : i32
      %mul3A_463 = arith.constant 128 : i32
      %mul3A_464 = arith.muli %add3A_462, %mul3A_463 : i32
      %add3A_465 = arith.constant 0 : i32
      %add3A_466 = arith.addi %mul3A_464, %add3A_465 : i32
      %get3A_467 = arith.index_cast %add3A_466 : i32 to index
      %get3A_468 = tpu.vector_load %arg6[%get3A_467] {strides = array<i32>} : memref<15744xi32, #tpu.memory_space<vmem>>, vector<16xi32>,
      %get3A_469 = vector.shape_cast %get3A_468 : vector<16xi32> to vector<16xi32>
      %and3A_470 = arith.constant 16383 : i32
      %and3A_471 = vector.broadcast %and3A_470 : i32 to vector<16xi32>
      %and3A_472 = arith.andi %get3A_469, %and3A_471 : vector<16xi32>
      %swap3A_473 = arith.constant 0 : index
      %swap3A_474 = tpu.vector_load %arg8[%swap3A_473] {strides = array<i32>} : memref<128xi32, #tpu.memory_space<vmem>>, vector<16xi32>,
      %swap3A_475 = vector.shape_cast %swap3A_474 : vector<16xi32> to vector<16xi32>
      %swap3A_476 = vector.shape_cast %and3A_472 : vector<16xi32> to vector<16xi32>
      tpu.vector_store %arg8[%swap3A_473], %swap3A_476 {strides = array<i32>} : memref<128xi32, #tpu.memory_space<vmem>>, vector<16xi32>,
      %mul3A_477 = arith.constant 128 : i32
      %mul3A_478 = arith.muli %add3A_462, %mul3A_477 : i32
      %add3A_479 = arith.constant 16 : i32
      %add3A_480 = arith.addi %mul3A_478, %add3A_479 : i32
      %get3A_481 = arith.index_cast %add3A_480 : i32 to index
      %get3A_482 = tpu.vector_load %arg6[%get3A_481] {strides = array<i32>} : memref<15744xi32, #tpu.memory_space<vmem>>, vector<16xi32>,
      %get3A_483 = vector.shape_cast %get3A_482 : vector<16xi32> to vector<16xi32>
      %and3A_484 = arith.constant 16383 : i32
      %and3A_485 = vector.broadcast %and3A_484 : i32 to vector<16xi32>
      %and3A_486 = arith.andi %get3A_483, %and3A_485 : vector<16xi32>
      %swap3A_487 = arith.constant 16 : index
      %swap3A_488 = tpu.vector_load %arg8[%swap3A_487] {strides = array<i32>} : memref<128xi32, #tpu.memory_space<vmem>>, vector<16xi32>,
      %swap3A_489 = vector.shape_cast %swap3A_488 : vector<16xi32> to vector<16xi32>
      %swap3A_490 = vector.shape_cast %and3A_486 : vector<16xi32> to vector<16xi32>
      tpu.vector_store %arg8[%swap3A_487], %swap3A_490 {strides = array<i32>} : memref<128xi32, #tpu.memory_space<vmem>>, vector<16xi32>,
      %mul3A_491 = arith.constant 128 : i32
      %mul3A_492 = arith.muli %add3A_462, %mul3A_491 : i32
      %add3A_493 = arith.constant 32 : i32
      %add3A_494 = arith.addi %mul3A_492, %add3A_493 : i32
      %get3A_495 = arith.index_cast %add3A_494 : i32 to index
      %get3A_496 = tpu.vector_load %arg6[%get3A_495] {strides = array<i32>} : memref<15744xi32, #tpu.memory_space<vmem>>, vector<16xi32>,
      %get3A_497 = vector.shape_cast %get3A_496 : vector<16xi32> to vector<16xi32>
      %and3A_498 = arith.constant 16383 : i32
      %and3A_499 = vector.broadcast %and3A_498 : i32 to vector<16xi32>
      %and3A_500 = arith.andi %get3A_497, %and3A_499 : vector<16xi32>
      %swap3A_501 = arith.constant 32 : index
      %swap3A_502 = tpu.vector_load %arg8[%swap3A_501] {strides = array<i32>} : memref<128xi32, #tpu.memory_space<vmem>>, vector<16xi32>,
      %swap3A_503 = vector.shape_cast %swap3A_502 : vector<16xi32> to vector<16xi32>
      %swap3A_504 = vector.shape_cast %and3A_500 : vector<16xi32> to vector<16xi32>
      tpu.vector_store %arg8[%swap3A_501], %swap3A_504 {strides = array<i32>} : memref<128xi32, #tpu.memory_space<vmem>>, vector<16xi32>,
      %mul3A_505 = arith.constant 128 : i32
      %mul3A_506 = arith.muli %add3A_462, %mul3A_505 : i32
      %add3A_507 = arith.constant 48 : i32
      %add3A_508 = arith.addi %mul3A_506, %add3A_507 : i32
      %get3A_509 = arith.index_cast %add3A_508 : i32 to index
      %get3A_510 = tpu.vector_load %arg6[%get3A_509] {strides = array<i32>} : memref<15744xi32, #tpu.memory_space<vmem>>, vector<16xi32>,
      %get3A_511 = vector.shape_cast %get3A_510 : vector<16xi32> to vector<16xi32>
      %and3A_512 = arith.constant 16383 : i32
      %and3A_513 = vector.broadcast %and3A_512 : i32 to vector<16xi32>
      %and3A_514 = arith.andi %get3A_511, %and3A_513 : vector<16xi32>
      %swap3A_515 = arith.constant 48 : index
      %swap3A_516 = tpu.vector_load %arg8[%swap3A_515] {strides = array<i32>} : memref<128xi32, #tpu.memory_space<vmem>>, vector<16xi32>,
      %swap3A_517 = vector.shape_cast %swap3A_516 : vector<16xi32> to vector<16xi32>
      %swap3A_518 = vector.shape_cast %and3A_514 : vector<16xi32> to vector<16xi32>
      tpu.vector_store %arg8[%swap3A_515], %swap3A_518 {strides = array<i32>} : memref<128xi32, #tpu.memory_space<vmem>>, vector<16xi32>,
      %mul3A_519 = arith.constant 128 : i32
      %mul3A_520 = arith.muli %add3A_462, %mul3A_519 : i32
      %add3A_521 = arith.constant 64 : i32
      %add3A_522 = arith.addi %mul3A_520, %add3A_521 : i32
      %get3A_523 = arith.index_cast %add3A_522 : i32 to index
      %get3A_524 = tpu.vector_load %arg6[%get3A_523] {strides = array<i32>} : memref<15744xi32, #tpu.memory_space<vmem>>, vector<16xi32>,
      %get3A_525 = vector.shape_cast %get3A_524 : vector<16xi32> to vector<16xi32>
      %and3A_526 = arith.constant 16383 : i32
      %and3A_527 = vector.broadcast %and3A_526 : i32 to vector<16xi32>
      %and3A_528 = arith.andi %get3A_525, %and3A_527 : vector<16xi32>
      %swap3A_529 = arith.constant 64 : index
      %swap3A_530 = tpu.vector_load %arg8[%swap3A_529] {strides = array<i32>} : memref<128xi32, #tpu.memory_space<vmem>>, vector<16xi32>,
      %swap3A_531 = vector.shape_cast %swap3A_530 : vector<16xi32> to vector<16xi32>
      %swap3A_532 = vector.shape_cast %and3A_528 : vector<16xi32> to vector<16xi32>
      tpu.vector_store %arg8[%swap3A_529], %swap3A_532 {strides = array<i32>} : memref<128xi32, #tpu.memory_space<vmem>>, vector<16xi32>,
      %mul3A_533 = arith.constant 128 : i32
      %mul3A_534 = arith.muli %add3A_462, %mul3A_533 : i32
      %add3A_535 = arith.constant 80 : i32
      %add3A_536 = arith.addi %mul3A_534, %add3A_535 : i32
      %get3A_537 = arith.index_cast %add3A_536 : i32 to index
      %get3A_538 = tpu.vector_load %arg6[%get3A_537] {strides = array<i32>} : memref<15744xi32, #tpu.memory_space<vmem>>, vector<16xi32>,
      %get3A_539 = vector.shape_cast %get3A_538 : vector<16xi32> to vector<16xi32>
      %and3A_540 = arith.constant 16383 : i32
      %and3A_541 = vector.broadcast %and3A_540 : i32 to vector<16xi32>
      %and3A_542 = arith.andi %get3A_539, %and3A_541 : vector<16xi32>
      %swap3A_543 = arith.constant 80 : index
      %swap3A_544 = tpu.vector_load %arg8[%swap3A_543] {strides = array<i32>} : memref<128xi32, #tpu.memory_space<vmem>>, vector<16xi32>,
      %swap3A_545 = vector.shape_cast %swap3A_544 : vector<16xi32> to vector<16xi32>
      %swap3A_546 = vector.shape_cast %and3A_542 : vector<16xi32> to vector<16xi32>
      tpu.vector_store %arg8[%swap3A_543], %swap3A_546 {strides = array<i32>} : memref<128xi32, #tpu.memory_space<vmem>>, vector<16xi32>,
      %mul3A_547 = arith.constant 128 : i32
      %mul3A_548 = arith.muli %add3A_462, %mul3A_547 : i32
      %add3A_549 = arith.constant 96 : i32
      %add3A_550 = arith.addi %mul3A_548, %add3A_549 : i32
      %get3A_551 = arith.index_cast %add3A_550 : i32 to index
      %get3A_552 = tpu.vector_load %arg6[%get3A_551] {strides = array<i32>} : memref<15744xi32, #tpu.memory_space<vmem>>, vector<16xi32>,
      %get3A_553 = vector.shape_cast %get3A_552 : vector<16xi32> to vector<16xi32>
      %and3A_554 = arith.constant 16383 : i32
      %and3A_555 = vector.broadcast %and3A_554 : i32 to vector<16xi32>
      %and3A_556 = arith.andi %get3A_553, %and3A_555 : vector<16xi32>
      %swap3A_557 = arith.constant 96 : index
      %swap3A_558 = tpu.vector_load %arg8[%swap3A_557] {strides = array<i32>} : memref<128xi32, #tpu.memory_space<vmem>>, vector<16xi32>,
      %swap3A_559 = vector.shape_cast %swap3A_558 : vector<16xi32> to vector<16xi32>
      %swap3A_560 = vector.shape_cast %and3A_556 : vector<16xi32> to vector<16xi32>
      tpu.vector_store %arg8[%swap3A_557], %swap3A_560 {strides = array<i32>} : memref<128xi32, #tpu.memory_space<vmem>>, vector<16xi32>,
      %mul3A_561 = arith.constant 128 : i32
      %mul3A_562 = arith.muli %add3A_462, %mul3A_561 : i32
      %add3A_563 = arith.constant 112 : i32
      %add3A_564 = arith.addi %mul3A_562, %add3A_563 : i32
      %get3A_565 = arith.index_cast %add3A_564 : i32 to index
      %get3A_566 = tpu.vector_load %arg6[%get3A_565] {strides = array<i32>} : memref<15744xi32, #tpu.memory_space<vmem>>, vector<16xi32>,
      %get3A_567 = vector.shape_cast %get3A_566 : vector<16xi32> to vector<16xi32>
      %and3A_568 = arith.constant 16383 : i32
      %and3A_569 = vector.broadcast %and3A_568 : i32 to vector<16xi32>
      %and3A_570 = arith.andi %get3A_567, %and3A_569 : vector<16xi32>
      %swap3A_571 = arith.constant 112 : index
      %swap3A_572 = tpu.vector_load %arg8[%swap3A_571] {strides = array<i32>} : memref<128xi32, #tpu.memory_space<vmem>>, vector<16xi32>,
      %swap3A_573 = vector.shape_cast %swap3A_572 : vector<16xi32> to vector<16xi32>
      %swap3A_574 = vector.shape_cast %and3A_570 : vector<16xi32> to vector<16xi32>
      tpu.vector_store %arg8[%swap3A_571], %swap3A_574 {strides = array<i32>} : memref<128xi32, #tpu.memory_space<vmem>>, vector<16xi32>,
      %dma_start3A_575 = arith.constant 0 : i32
      %dma_start3A_576 = arith.constant 0 : i32
      %dma_start3A_577 = tpu.memref_slice %arg10[%dma_start3A_575, %dma_start3A_576] : memref<10240x128xf32, #tpu.memory_space<vmem_shared>> -> memref<10240x128xf32, #tpu.memory_space<vmem_shared>>
      tpu.enqueue_indirect_dma source(%arg9 : memref<128x128xf32, #tpu.memory_space<vmem>>) target(%dma_start3A_577 : memref<10240x128xf32, #tpu.memory_space<vmem_shared>>) offsets(%arg8 : memref<128xi32, #tpu.memory_space<vmem>>) semaphore(%arg12 : memref<!tpu.dma_semaphore, #tpu.memory_space<semaphore_mem>>) {add = true}
    }
    %while3A_203 = arith.constant 1 : i32
    scf.for %while3A_335 = %while3A_201 to %while3A_197 step %while3A_203  : i32 {
      %mul3A_336 = arith.constant 2 : i32
      %mul3A_337 = arith.muli %mul3A_336, %while3A_335 : i32
      %dma_wait3A_338 = arith.constant 0 : i32
      %dma_wait3A_339 = arith.constant 0 : i32
      %dma_wait3A_340 = tpu.memref_slice %arg10[%dma_wait3A_338, %dma_wait3A_339] : memref<10240x128xf32, #tpu.memory_space<vmem_shared>> -> memref<10240x128xf32, #tpu.memory_space<vmem_shared>>
      tpu.wait_indirect_dma semaphore(%arg11 : memref<!tpu.dma_semaphore, #tpu.memory_space<semaphore_mem>>) src(%arg9 : memref<128x128xf32, #tpu.memory_space<vmem>>) dst(%dma_wait3A_340 : memref<10240x128xf32, #tpu.memory_space<vmem_shared>>)
      %add3A_341 = arith.constant 2 : i32
      %add3A_342 = arith.addi %mul3A_337, %add3A_341 : i32
      %mul3A_343 = arith.constant 128 : i32
      %mul3A_344 = arith.muli %add3A_342, %mul3A_343 : i32
      %add3A_345 = arith.constant 0 : i32
      %add3A_346 = arith.addi %mul3A_344, %add3A_345 : i32
      %get3A_347 = arith.index_cast %add3A_346 : i32 to index
      %get3A_348 = tpu.vector_load %arg6[%get3A_347] {strides = array<i32>} : memref<15744xi32, #tpu.memory_space<vmem>>, vector<16xi32>,
      %get3A_349 = vector.shape_cast %get3A_348 : vector<16xi32> to vector<16xi32>
      %and3A_350 = arith.constant 16383 : i32
      %and3A_351 = vector.broadcast %and3A_350 : i32 to vector<16xi32>
      %and3A_352 = arith.andi %get3A_349, %and3A_351 : vector<16xi32>
      %swap3A_353 = arith.constant 0 : index
      %swap3A_354 = tpu.vector_load %arg7[%swap3A_353] {strides = array<i32>} : memref<128xi32, #tpu.memory_space<vmem>>, vector<16xi32>,
      %swap3A_355 = vector.shape_cast %swap3A_354 : vector<16xi32> to vector<16xi32>
      %swap3A_356 = vector.shape_cast %and3A_352 : vector<16xi32> to vector<16xi32>
      tpu.vector_store %arg7[%swap3A_353], %swap3A_356 {strides = array<i32>} : memref<128xi32, #tpu.memory_space<vmem>>, vector<16xi32>,
      %mul3A_357 = arith.constant 128 : i32
      %mul3A_358 = arith.muli %add3A_342, %mul3A_357 : i32
      %add3A_359 = arith.constant 16 : i32
      %add3A_360 = arith.addi %mul3A_358, %add3A_359 : i32
      %get3A_361 = arith.index_cast %add3A_360 : i32 to index
      %get3A_362 = tpu.vector_load %arg6[%get3A_361] {strides = array<i32>} : memref<15744xi32, #tpu.memory_space<vmem>>, vector<16xi32>,
      %get3A_363 = vector.shape_cast %get3A_362 : vector<16xi32> to vector<16xi32>
      %and3A_364 = arith.constant 16383 : i32
      %and3A_365 = vector.broadcast %and3A_364 : i32 to vector<16xi32>
      %and3A_366 = arith.andi %get3A_363, %and3A_365 : vector<16xi32>
      %swap3A_367 = arith.constant 16 : index
      %swap3A_368 = tpu.vector_load %arg7[%swap3A_367] {strides = array<i32>} : memref<128xi32, #tpu.memory_space<vmem>>, vector<16xi32>,
      %swap3A_369 = vector.shape_cast %swap3A_368 : vector<16xi32> to vector<16xi32>
      %swap3A_370 = vector.shape_cast %and3A_366 : vector<16xi32> to vector<16xi32>
      tpu.vector_store %arg7[%swap3A_367], %swap3A_370 {strides = array<i32>} : memref<128xi32, #tpu.memory_space<vmem>>, vector<16xi32>,
      %mul3A_371 = arith.constant 128 : i32
      %mul3A_372 = arith.muli %add3A_342, %mul3A_371 : i32
      %add3A_373 = arith.constant 32 : i32
      %add3A_374 = arith.addi %mul3A_372, %add3A_373 : i32
      %get3A_375 = arith.index_cast %add3A_374 : i32 to index
      %get3A_376 = tpu.vector_load %arg6[%get3A_375] {strides = array<i32>} : memref<15744xi32, #tpu.memory_space<vmem>>, vector<16xi32>,
      %get3A_377 = vector.shape_cast %get3A_376 : vector<16xi32> to vector<16xi32>
      %and3A_378 = arith.constant 16383 : i32
      %and3A_379 = vector.broadcast %and3A_378 : i32 to vector<16xi32>
      %and3A_380 = arith.andi %get3A_377, %and3A_379 : vector<16xi32>
      %swap3A_381 = arith.constant 32 : index
      %swap3A_382 = tpu.vector_load %arg7[%swap3A_381] {strides = array<i32>} : memref<128xi32, #tpu.memory_space<vmem>>, vector<16xi32>,
      %swap3A_383 = vector.shape_cast %swap3A_382 : vector<16xi32> to vector<16xi32>
      %swap3A_384 = vector.shape_cast %and3A_380 : vector<16xi32> to vector<16xi32>
      tpu.vector_store %arg7[%swap3A_381], %swap3A_384 {strides = array<i32>} : memref<128xi32, #tpu.memory_space<vmem>>, vector<16xi32>,
      %mul3A_385 = arith.constant 128 : i32
      %mul3A_386 = arith.muli %add3A_342, %mul3A_385 : i32
      %add3A_387 = arith.constant 48 : i32
      %add3A_388 = arith.addi %mul3A_386, %add3A_387 : i32
      %get3A_389 = arith.index_cast %add3A_388 : i32 to index
      %get3A_390 = tpu.vector_load %arg6[%get3A_389] {strides = array<i32>} : memref<15744xi32, #tpu.memory_space<vmem>>, vector<16xi32>,
      %get3A_391 = vector.shape_cast %get3A_390 : vector<16xi32> to vector<16xi32>
      %and3A_392 = arith.constant 16383 : i32
      %and3A_393 = vector.broadcast %and3A_392 : i32 to vector<16xi32>
      %and3A_394 = arith.andi %get3A_391, %and3A_393 : vector<16xi32>
      %swap3A_395 = arith.constant 48 : index
      %swap3A_396 = tpu.vector_load %arg7[%swap3A_395] {strides = array<i32>} : memref<128xi32, #tpu.memory_space<vmem>>, vector<16xi32>,
      %swap3A_397 = vector.shape_cast %swap3A_396 : vector<16xi32> to vector<16xi32>
      %swap3A_398 = vector.shape_cast %and3A_394 : vector<16xi32> to vector<16xi32>
      tpu.vector_store %arg7[%swap3A_395], %swap3A_398 {strides = array<i32>} : memref<128xi32, #tpu.memory_space<vmem>>, vector<16xi32>,
      %mul3A_399 = arith.constant 128 : i32
      %mul3A_400 = arith.muli %add3A_342, %mul3A_399 : i32
      %add3A_401 = arith.constant 64 : i32
      %add3A_402 = arith.addi %mul3A_400, %add3A_401 : i32
      %get3A_403 = arith.index_cast %add3A_402 : i32 to index
      %get3A_404 = tpu.vector_load %arg6[%get3A_403] {strides = array<i32>} : memref<15744xi32, #tpu.memory_space<vmem>>, vector<16xi32>,
      %get3A_405 = vector.shape_cast %get3A_404 : vector<16xi32> to vector<16xi32>
      %and3A_406 = arith.constant 16383 : i32
      %and3A_407 = vector.broadcast %and3A_406 : i32 to vector<16xi32>
      %and3A_408 = arith.andi %get3A_405, %and3A_407 : vector<16xi32>
      %swap3A_409 = arith.constant 64 : index
      %swap3A_410 = tpu.vector_load %arg7[%swap3A_409] {strides = array<i32>} : memref<128xi32, #tpu.memory_space<vmem>>, vector<16xi32>,
      %swap3A_411 = vector.shape_cast %swap3A_410 : vector<16xi32> to vector<16xi32>
      %swap3A_412 = vector.shape_cast %and3A_408 : vector<16xi32> to vector<16xi32>
      tpu.vector_store %arg7[%swap3A_409], %swap3A_412 {strides = array<i32>} : memref<128xi32, #tpu.memory_space<vmem>>, vector<16xi32>,
      %mul3A_413 = arith.constant 128 : i32
      %mul3A_414 = arith.muli %add3A_342, %mul3A_413 : i32
      %add3A_415 = arith.constant 80 : i32
      %add3A_416 = arith.addi %mul3A_414, %add3A_415 : i32
      %get3A_417 = arith.index_cast %add3A_416 : i32 to index
      %get3A_418 = tpu.vector_load %arg6[%get3A_417] {strides = array<i32>} : memref<15744xi32, #tpu.memory_space<vmem>>, vector<16xi32>,
      %get3A_419 = vector.shape_cast %get3A_418 : vector<16xi32> to vector<16xi32>
      %and3A_420 = arith.constant 16383 : i32
      %and3A_421 = vector.broadcast %and3A_420 : i32 to vector<16xi32>
      %and3A_422 = arith.andi %get3A_419, %and3A_421 : vector<16xi32>
      %swap3A_423 = arith.constant 80 : index
      %swap3A_424 = tpu.vector_load %arg7[%swap3A_423] {strides = array<i32>} : memref<128xi32, #tpu.memory_space<vmem>>, vector<16xi32>,
      %swap3A_425 = vector.shape_cast %swap3A_424 : vector<16xi32> to vector<16xi32>
      %swap3A_426 = vector.shape_cast %and3A_422 : vector<16xi32> to vector<16xi32>
      tpu.vector_store %arg7[%swap3A_423], %swap3A_426 {strides = array<i32>} : memref<128xi32, #tpu.memory_space<vmem>>, vector<16xi32>,
      %mul3A_427 = arith.constant 128 : i32
      %mul3A_428 = arith.muli %add3A_342, %mul3A_427 : i32
      %add3A_429 = arith.constant 96 : i32
      %add3A_430 = arith.addi %mul3A_428, %add3A_429 : i32
      %get3A_431 = arith.index_cast %add3A_430 : i32 to index
      %get3A_432 = tpu.vector_load %arg6[%get3A_431] {strides = array<i32>} : memref<15744xi32, #tpu.memory_space<vmem>>, vector<16xi32>,
      %get3A_433 = vector.shape_cast %get3A_432 : vector<16xi32> to vector<16xi32>
      %and3A_434 = arith.constant 16383 : i32
      %and3A_435 = vector.broadcast %and3A_434 : i32 to vector<16xi32>
      %and3A_436 = arith.andi %get3A_433, %and3A_435 : vector<16xi32>
      %swap3A_437 = arith.constant 96 : index
      %swap3A_438 = tpu.vector_load %arg7[%swap3A_437] {strides = array<i32>} : memref<128xi32, #tpu.memory_space<vmem>>, vector<16xi32>,
      %swap3A_439 = vector.shape_cast %swap3A_438 : vector<16xi32> to vector<16xi32>
      %swap3A_440 = vector.shape_cast %and3A_436 : vector<16xi32> to vector<16xi32>
      tpu.vector_store %arg7[%swap3A_437], %swap3A_440 {strides = array<i32>} : memref<128xi32, #tpu.memory_space<vmem>>, vector<16xi32>,
      %mul3A_441 = arith.constant 128 : i32
      %mul3A_442 = arith.muli %add3A_342, %mul3A_441 : i32
      %add3A_443 = arith.constant 112 : i32
      %add3A_444 = arith.addi %mul3A_442, %add3A_443 : i32
      %get3A_445 = arith.index_cast %add3A_444 : i32 to index
      %get3A_446 = tpu.vector_load %arg6[%get3A_445] {strides = array<i32>} : memref<15744xi32, #tpu.memory_space<vmem>>, vector<16xi32>,
      %get3A_447 = vector.shape_cast %get3A_446 : vector<16xi32> to vector<16xi32>
      %and3A_448 = arith.constant 16383 : i32
      %and3A_449 = vector.broadcast %and3A_448 : i32 to vector<16xi32>
      %and3A_450 = arith.andi %get3A_447, %and3A_449 : vector<16xi32>
      %swap3A_451 = arith.constant 112 : index
      %swap3A_452 = tpu.vector_load %arg7[%swap3A_451] {strides = array<i32>} : memref<128xi32, #tpu.memory_space<vmem>>, vector<16xi32>,
      %swap3A_453 = vector.shape_cast %swap3A_452 : vector<16xi32> to vector<16xi32>
      %swap3A_454 = vector.shape_cast %and3A_450 : vector<16xi32> to vector<16xi32>
      tpu.vector_store %arg7[%swap3A_451], %swap3A_454 {strides = array<i32>} : memref<128xi32, #tpu.memory_space<vmem>>, vector<16xi32>,
      %dma_start3A_455 = arith.constant 0 : i32
      %dma_start3A_456 = arith.constant 0 : i32
      %dma_start3A_457 = tpu.memref_slice %arg10[%dma_start3A_455, %dma_start3A_456] : memref<10240x128xf32, #tpu.memory_space<vmem_shared>> -> memref<10240x128xf32, #tpu.memory_space<vmem_shared>>
      tpu.enqueue_indirect_dma source(%arg9 : memref<128x128xf32, #tpu.memory_space<vmem>>) target(%dma_start3A_457 : memref<10240x128xf32, #tpu.memory_space<vmem_shared>>) offsets(%arg7 : memref<128xi32, #tpu.memory_space<vmem>>) semaphore(%arg11 : memref<!tpu.dma_semaphore, #tpu.memory_space<semaphore_mem>>) {add = true}
      %dma_wait3A_458 = arith.constant 0 : i32
      %dma_wait3A_459 = arith.constant 0 : i32
      %dma_wait3A_460 = tpu.memref_slice %arg10[%dma_wait3A_458, %dma_wait3A_459] : memref<10240x128xf32, #tpu.memory_space<vmem_shared>> -> memref<10240x128xf32, #tpu.memory_space<vmem_shared>>
      tpu.wait_indirect_dma semaphore(%arg12 : memref<!tpu.dma_semaphore, #tpu.memory_space<semaphore_mem>>) src(%arg9 : memref<128x128xf32, #tpu.memory_space<vmem>>) dst(%dma_wait3A_460 : memref<10240x128xf32, #tpu.memory_space<vmem_shared>>)
      %add3A_461 = arith.constant 3 : i32
      %add3A_462 = arith.addi %mul3A_337, %add3A_461 : i32
      %mul3A_463 = arith.constant 128 : i32
      %mul3A_464 = arith.muli %add3A_462, %mul3A_463 : i32
      %add3A_465 = arith.constant 0 : i32
      %add3A_466 = arith.addi %mul3A_464, %add3A_465 : i32
      %get3A_467 = arith.index_cast %add3A_466 : i32 to index
      %get3A_468 = tpu.vector_load %arg6[%get3A_467] {strides = array<i32>} : memref<15744xi32, #tpu.memory_space<vmem>>, vector<16xi32>,
      %get3A_469 = vector.shape_cast %get3A_468 : vector<16xi32> to vector<16xi32>
      %and3A_470 = arith.constant 16383 : i32
      %and3A_471 = vector.broadcast %and3A_470 : i32 to vector<16xi32>
      %and3A_472 = arith.andi %get3A_469, %and3A_471 : vector<16xi32>
      %swap3A_473 = arith.constant 0 : index
      %swap3A_474 = tpu.vector_load %arg8[%swap3A_473] {strides = array<i32>} : memref<128xi32, #tpu.memory_space<vmem>>, vector<16xi32>,
      %swap3A_475 = vector.shape_cast %swap3A_474 : vector<16xi32> to vector<16xi32>
      %swap3A_476 = vector.shape_cast %and3A_472 : vector<16xi32> to vector<16xi32>
      tpu.vector_store %arg8[%swap3A_473], %swap3A_476 {strides = array<i32>} : memref<128xi32, #tpu.memory_space<vmem>>, vector<16xi32>,
      %mul3A_477 = arith.constant 128 : i32
      %mul3A_478 = arith.muli %add3A_462, %mul3A_477 : i32
      %add3A_479 = arith.constant 16 : i32
      %add3A_480 = arith.addi %mul3A_478, %add3A_479 : i32
      %get3A_481 = arith.index_cast %add3A_480 : i32 to index
      %get3A_482 = tpu.vector_load %arg6[%get3A_481] {strides = array<i32>} : memref<15744xi32, #tpu.memory_space<vmem>>, vector<16xi32>,
      %get3A_483 = vector.shape_cast %get3A_482 : vector<16xi32> to vector<16xi32>
      %and3A_484 = arith.constant 16383 : i32
      %and3A_485 = vector.broadcast %and3A_484 : i32 to vector<16xi32>
      %and3A_486 = arith.andi %get3A_483, %and3A_485 : vector<16xi32>
      %swap3A_487 = arith.constant 16 : index
      %swap3A_488 = tpu.vector_load %arg8[%swap3A_487] {strides = array<i32>} : memref<128xi32, #tpu.memory_space<vmem>>, vector<16xi32>,
      %swap3A_489 = vector.shape_cast %swap3A_488 : vector<16xi32> to vector<16xi32>
      %swap3A_490 = vector.shape_cast %and3A_486 : vector<16xi32> to vector<16xi32>
      tpu.vector_store %arg8[%swap3A_487], %swap3A_490 {strides = array<i32>} : memref<128xi32, #tpu.memory_space<vmem>>, vector<16xi32>,
      %mul3A_491 = arith.constant 128 : i32
      %mul3A_492 = arith.muli %add3A_462, %mul3A_491 : i32
      %add3A_493 = arith.constant 32 : i32
      %add3A_494 = arith.addi %mul3A_492, %add3A_493 : i32
      %get3A_495 = arith.index_cast %add3A_494 : i32 to index
      %get3A_496 = tpu.vector_load %arg6[%get3A_495] {strides = array<i32>} : memref<15744xi32, #tpu.memory_space<vmem>>, vector<16xi32>,
      %get3A_497 = vector.shape_cast %get3A_496 : vector<16xi32> to vector<16xi32>
      %and3A_498 = arith.constant 16383 : i32
      %and3A_499 = vector.broadcast %and3A_498 : i32 to vector<16xi32>
      %and3A_500 = arith.andi %get3A_497, %and3A_499 : vector<16xi32>
      %swap3A_501 = arith.constant 32 : index
      %swap3A_502 = tpu.vector_load %arg8[%swap3A_501] {strides = array<i32>} : memref<128xi32, #tpu.memory_space<vmem>>, vector<16xi32>,
      %swap3A_503 = vector.shape_cast %swap3A_502 : vector<16xi32> to vector<16xi32>
      %swap3A_504 = vector.shape_cast %and3A_500 : vector<16xi32> to vector<16xi32>
      tpu.vector_store %arg8[%swap3A_501], %swap3A_504 {strides = array<i32>} : memref<128xi32, #tpu.memory_space<vmem>>, vector<16xi32>,
      %mul3A_505 = arith.constant 128 : i32
      %mul3A_506 = arith.muli %add3A_462, %mul3A_505 : i32
      %add3A_507 = arith.constant 48 : i32
      %add3A_508 = arith.addi %mul3A_506, %add3A_507 : i32
      %get3A_509 = arith.index_cast %add3A_508 : i32 to index
      %get3A_510 = tpu.vector_load %arg6[%get3A_509] {strides = array<i32>} : memref<15744xi32, #tpu.memory_space<vmem>>, vector<16xi32>,
      %get3A_511 = vector.shape_cast %get3A_510 : vector<16xi32> to vector<16xi32>
      %and3A_512 = arith.constant 16383 : i32
      %and3A_513 = vector.broadcast %and3A_512 : i32 to vector<16xi32>
      %and3A_514 = arith.andi %get3A_511, %and3A_513 : vector<16xi32>
      %swap3A_515 = arith.constant 48 : index
      %swap3A_516 = tpu.vector_load %arg8[%swap3A_515] {strides = array<i32>} : memref<128xi32, #tpu.memory_space<vmem>>, vector<16xi32>,
      %swap3A_517 = vector.shape_cast %swap3A_516 : vector<16xi32> to vector<16xi32>
      %swap3A_518 = vector.shape_cast %and3A_514 : vector<16xi32> to vector<16xi32>
      tpu.vector_store %arg8[%swap3A_515], %swap3A_518 {strides = array<i32>} : memref<128xi32, #tpu.memory_space<vmem>>, vector<16xi32>,
      %mul3A_519 = arith.constant 128 : i32
      %mul3A_520 = arith.muli %add3A_462, %mul3A_519 : i32
      %add3A_521 = arith.constant 64 : i32
      %add3A_522 = arith.addi %mul3A_520, %add3A_521 : i32
      %get3A_523 = arith.index_cast %add3A_522 : i32 to index
      %get3A_524 = tpu.vector_load %arg6[%get3A_523] {strides = array<i32>} : memref<15744xi32, #tpu.memory_space<vmem>>, vector<16xi32>,
      %get3A_525 = vector.shape_cast %get3A_524 : vector<16xi32> to vector<16xi32>
      %and3A_526 = arith.constant 16383 : i32
      %and3A_527 = vector.broadcast %and3A_526 : i32 to vector<16xi32>
      %and3A_528 = arith.andi %get3A_525, %and3A_527 : vector<16xi32>
      %swap3A_529 = arith.constant 64 : index
      %swap3A_530 = tpu.vector_load %arg8[%swap3A_529] {strides = array<i32>} : memref<128xi32, #tpu.memory_space<vmem>>, vector<16xi32>,
      %swap3A_531 = vector.shape_cast %swap3A_530 : vector<16xi32> to vector<16xi32>
      %swap3A_532 = vector.shape_cast %and3A_528 : vector<16xi32> to vector<16xi32>
      tpu.vector_store %arg8[%swap3A_529], %swap3A_532 {strides = array<i32>} : memref<128xi32, #tpu.memory_space<vmem>>, vector<16xi32>,
      %mul3A_533 = arith.constant 128 : i32
      %mul3A_534 = arith.muli %add3A_462, %mul3A_533 : i32
      %add3A_535 = arith.constant 80 : i32
      %add3A_536 = arith.addi %mul3A_534, %add3A_535 : i32
      %get3A_537 = arith.index_cast %add3A_536 : i32 to index
      %get3A_538 = tpu.vector_load %arg6[%get3A_537] {strides = array<i32>} : memref<15744xi32, #tpu.memory_space<vmem>>, vector<16xi32>,
      %get3A_539 = vector.shape_cast %get3A_538 : vector<16xi32> to vector<16xi32>
      %and3A_540 = arith.constant 16383 : i32
      %and3A_541 = vector.broadcast %and3A_540 : i32 to vector<16xi32>
      %and3A_542 = arith.andi %get3A_539, %and3A_541 : vector<16xi32>
      %swap3A_543 = arith.constant 80 : index
      %swap3A_544 = tpu.vector_load %arg8[%swap3A_543] {strides = array<i32>} : memref<128xi32, #tpu.memory_space<vmem>>, vector<16xi32>,
      %swap3A_545 = vector.shape_cast %swap3A_544 : vector<16xi32> to vector<16xi32>
      %swap3A_546 = vector.shape_cast %and3A_542 : vector<16xi32> to vector<16xi32>
      tpu.vector_store %arg8[%swap3A_543], %swap3A_546 {strides = array<i32>} : memref<128xi32, #tpu.memory_space<vmem>>, vector<16xi32>,
      %mul3A_547 = arith.constant 128 : i32
      %mul3A_548 = arith.muli %add3A_462, %mul3A_547 : i32
      %add3A_549 = arith.constant 96 : i32
      %add3A_550 = arith.addi %mul3A_548, %add3A_549 : i32
      %get3A_551 = arith.index_cast %add3A_550 : i32 to index
      %get3A_552 = tpu.vector_load %arg6[%get3A_551] {strides = array<i32>} : memref<15744xi32, #tpu.memory_space<vmem>>, vector<16xi32>,
      %get3A_553 = vector.shape_cast %get3A_552 : vector<16xi32> to vector<16xi32>
      %and3A_554 = arith.constant 16383 : i32
      %and3A_555 = vector.broadcast %and3A_554 : i32 to vector<16xi32>
      %and3A_556 = arith.andi %get3A_553, %and3A_555 : vector<16xi32>
      %swap3A_557 = arith.constant 96 : index
      %swap3A_558 = tpu.vector_load %arg8[%swap3A_557] {strides = array<i32>} : memref<128xi32, #tpu.memory_space<vmem>>, vector<16xi32>,
      %swap3A_559 = vector.shape_cast %swap3A_558 : vector<16xi32> to vector<16xi32>
      %swap3A_560 = vector.shape_cast %and3A_556 : vector<16xi32> to vector<16xi32>
      tpu.vector_store %arg8[%swap3A_557], %swap3A_560 {strides = array<i32>} : memref<128xi32, #tpu.memory_space<vmem>>, vector<16xi32>,
      %mul3A_561 = arith.constant 128 : i32
      %mul3A_562 = arith.muli %add3A_462, %mul3A_561 : i32
      %add3A_563 = arith.constant 112 : i32
      %add3A_564 = arith.addi %mul3A_562, %add3A_563 : i32
      %get3A_565 = arith.index_cast %add3A_564 : i32 to index
      %get3A_566 = tpu.vector_load %arg6[%get3A_565] {strides = array<i32>} : memref<15744xi32, #tpu.memory_space<vmem>>, vector<16xi32>,
      %get3A_567 = vector.shape_cast %get3A_566 : vector<16xi32> to vector<16xi32>
      %and3A_568 = arith.constant 16383 : i32
      %and3A_569 = vector.broadcast %and3A_568 : i32 to vector<16xi32>
      %and3A_570 = arith.andi %get3A_567, %and3A_569 : vector<16xi32>
      %swap3A_571 = arith.constant 112 : index
      %swap3A_572 = tpu.vector_load %arg8[%swap3A_571] {strides = array<i32>} : memref<128xi32, #tpu.memory_space<vmem>>, vector<16xi32>,
      %swap3A_573 = vector.shape_cast %swap3A_572 : vector<16xi32> to vector<16xi32>
      %swap3A_574 = vector.shape_cast %and3A_570 : vector<16xi32> to vector<16xi32>
      tpu.vector_store %arg8[%swap3A_571], %swap3A_574 {strides = array<i32>} : memref<128xi32, #tpu.memory_space<vmem>>, vector<16xi32>,
      %dma_start3A_575 = arith.constant 0 : i32
      %dma_start3A_576 = arith.constant 0 : i32
      %dma_start3A_577 = tpu.memref_slice %arg10[%dma_start3A_575, %dma_start3A_576] : memref<10240x128xf32, #tpu.memory_space<vmem_shared>> -> memref<10240x128xf32, #tpu.memory_space<vmem_shared>>
      tpu.enqueue_indirect_dma source(%arg9 : memref<128x128xf32, #tpu.memory_space<vmem>>) target(%dma_start3A_577 : memref<10240x128xf32, #tpu.memory_space<vmem_shared>>) offsets(%arg8 : memref<128xi32, #tpu.memory_space<vmem>>) semaphore(%arg12 : memref<!tpu.dma_semaphore, #tpu.memory_space<semaphore_mem>>) {add = true}
    }
    %dma_wait3A = arith.constant 0 : i32
    %dma_wait3A_204 = arith.constant 0 : i32
    %dma_wait3A_205 = tpu.memref_slice %arg10[%dma_wait3A, %dma_wait3A_204] : memref<10240x128xf32, #tpu.memory_space<vmem_shared>> -> memref<10240x128xf32, #tpu.memory_space<vmem_shared>>
    tpu.wait_indirect_dma semaphore(%arg11 : memref<!tpu.dma_semaphore, #tpu.memory_space<semaphore_mem>>) src(%arg9 : memref<128x128xf32, #tpu.memory_space<vmem>>) dst(%dma_wait3A_205 : memref<10240x128xf32, #tpu.memory_space<vmem_shared>>)
    %sub3A_206 = arith.constant 1 : i32
    %sub3A_207 = arith.subi %select_n3A, %sub3A_206 : i32
    %mul3A_208 = arith.constant 128 : i32
    %mul3A_209 = arith.muli %sub3A_207, %mul3A_208 : i32
    %add3A_210 = arith.constant 0 : i32
    %add3A_211 = arith.addi %mul3A_209, %add3A_210 : i32
    %get3A_212 = arith.index_cast %add3A_211 : i32 to index
    %get3A_213 = tpu.vector_load %arg6[%get3A_212] {strides = array<i32>} : memref<15744xi32, #tpu.memory_space<vmem>>, vector<16xi32>,
    %get3A_214 = vector.shape_cast %get3A_213 : vector<16xi32> to vector<16xi32>
    %and3A_215 = arith.constant 16383 : i32
    %and3A_216 = vector.broadcast %and3A_215 : i32 to vector<16xi32>
    %and3A_217 = arith.andi %get3A_214, %and3A_216 : vector<16xi32>
    %swap3A_218 = arith.constant 0 : index
    %swap3A_219 = tpu.vector_load %arg7[%swap3A_218] {strides = array<i32>} : memref<128xi32, #tpu.memory_space<vmem>>, vector<16xi32>,
    %swap3A_220 = vector.shape_cast %swap3A_219 : vector<16xi32> to vector<16xi32>
    %swap3A_221 = vector.shape_cast %and3A_217 : vector<16xi32> to vector<16xi32>
    tpu.vector_store %arg7[%swap3A_218], %swap3A_221 {strides = array<i32>} : memref<128xi32, #tpu.memory_space<vmem>>, vector<16xi32>,
    %mul3A_222 = arith.constant 128 : i32
    %mul3A_223 = arith.muli %sub3A_207, %mul3A_222 : i32
    %add3A_224 = arith.constant 16 : i32
    %add3A_225 = arith.addi %mul3A_223, %add3A_224 : i32
    %get3A_226 = arith.index_cast %add3A_225 : i32 to index
    %get3A_227 = tpu.vector_load %arg6[%get3A_226] {strides = array<i32>} : memref<15744xi32, #tpu.memory_space<vmem>>, vector<16xi32>,
    %get3A_228 = vector.shape_cast %get3A_227 : vector<16xi32> to vector<16xi32>
    %and3A_229 = arith.constant 16383 : i32
    %and3A_230 = vector.broadcast %and3A_229 : i32 to vector<16xi32>
    %and3A_231 = arith.andi %get3A_228, %and3A_230 : vector<16xi32>
    %swap3A_232 = arith.constant 16 : index
    %swap3A_233 = tpu.vector_load %arg7[%swap3A_232] {strides = array<i32>} : memref<128xi32, #tpu.memory_space<vmem>>, vector<16xi32>,
    %swap3A_234 = vector.shape_cast %swap3A_233 : vector<16xi32> to vector<16xi32>
    %swap3A_235 = vector.shape_cast %and3A_231 : vector<16xi32> to vector<16xi32>
    tpu.vector_store %arg7[%swap3A_232], %swap3A_235 {strides = array<i32>} : memref<128xi32, #tpu.memory_space<vmem>>, vector<16xi32>,
    %mul3A_236 = arith.constant 128 : i32
    %mul3A_237 = arith.muli %sub3A_207, %mul3A_236 : i32
    %add3A_238 = arith.constant 32 : i32
    %add3A_239 = arith.addi %mul3A_237, %add3A_238 : i32
    %get3A_240 = arith.index_cast %add3A_239 : i32 to index
    %get3A_241 = tpu.vector_load %arg6[%get3A_240] {strides = array<i32>} : memref<15744xi32, #tpu.memory_space<vmem>>, vector<16xi32>,
    %get3A_242 = vector.shape_cast %get3A_241 : vector<16xi32> to vector<16xi32>
    %and3A_243 = arith.constant 16383 : i32
    %and3A_244 = vector.broadcast %and3A_243 : i32 to vector<16xi32>
    %and3A_245 = arith.andi %get3A_242, %and3A_244 : vector<16xi32>
    %swap3A_246 = arith.constant 32 : index
    %swap3A_247 = tpu.vector_load %arg7[%swap3A_246] {strides = array<i32>} : memref<128xi32, #tpu.memory_space<vmem>>, vector<16xi32>,
    %swap3A_248 = vector.shape_cast %swap3A_247 : vector<16xi32> to vector<16xi32>
    %swap3A_249 = vector.shape_cast %and3A_245 : vector<16xi32> to vector<16xi32>
    tpu.vector_store %arg7[%swap3A_246], %swap3A_249 {strides = array<i32>} : memref<128xi32, #tpu.memory_space<vmem>>, vector<16xi32>,
    %mul3A_250 = arith.constant 128 : i32
    %mul3A_251 = arith.muli %sub3A_207, %mul3A_250 : i32
    %add3A_252 = arith.constant 48 : i32
    %add3A_253 = arith.addi %mul3A_251, %add3A_252 : i32
    %get3A_254 = arith.index_cast %add3A_253 : i32 to index
    %get3A_255 = tpu.vector_load %arg6[%get3A_254] {strides = array<i32>} : memref<15744xi32, #tpu.memory_space<vmem>>, vector<16xi32>,
    %get3A_256 = vector.shape_cast %get3A_255 : vector<16xi32> to vector<16xi32>
    %and3A_257 = arith.constant 16383 : i32
    %and3A_258 = vector.broadcast %and3A_257 : i32 to vector<16xi32>
    %and3A_259 = arith.andi %get3A_256, %and3A_258 : vector<16xi32>
    %swap3A_260 = arith.constant 48 : index
    %swap3A_261 = tpu.vector_load %arg7[%swap3A_260] {strides = array<i32>} : memref<128xi32, #tpu.memory_space<vmem>>, vector<16xi32>,
    %swap3A_262 = vector.shape_cast %swap3A_261 : vector<16xi32> to vector<16xi32>
    %swap3A_263 = vector.shape_cast %and3A_259 : vector<16xi32> to vector<16xi32>
    tpu.vector_store %arg7[%swap3A_260], %swap3A_263 {strides = array<i32>} : memref<128xi32, #tpu.memory_space<vmem>>, vector<16xi32>,
    %mul3A_264 = arith.constant 128 : i32
    %mul3A_265 = arith.muli %sub3A_207, %mul3A_264 : i32
    %add3A_266 = arith.constant 64 : i32
    %add3A_267 = arith.addi %mul3A_265, %add3A_266 : i32
    %get3A_268 = arith.index_cast %add3A_267 : i32 to index
    %get3A_269 = tpu.vector_load %arg6[%get3A_268] {strides = array<i32>} : memref<15744xi32, #tpu.memory_space<vmem>>, vector<16xi32>,
    %get3A_270 = vector.shape_cast %get3A_269 : vector<16xi32> to vector<16xi32>
    %and3A_271 = arith.constant 16383 : i32
    %and3A_272 = vector.broadcast %and3A_271 : i32 to vector<16xi32>
    %and3A_273 = arith.andi %get3A_270, %and3A_272 : vector<16xi32>
    %swap3A_274 = arith.constant 64 : index
    %swap3A_275 = tpu.vector_load %arg7[%swap3A_274] {strides = array<i32>} : memref<128xi32, #tpu.memory_space<vmem>>, vector<16xi32>,
    %swap3A_276 = vector.shape_cast %swap3A_275 : vector<16xi32> to vector<16xi32>
    %swap3A_277 = vector.shape_cast %and3A_273 : vector<16xi32> to vector<16xi32>
    tpu.vector_store %arg7[%swap3A_274], %swap3A_277 {strides = array<i32>} : memref<128xi32, #tpu.memory_space<vmem>>, vector<16xi32>,
    %mul3A_278 = arith.constant 128 : i32
    %mul3A_279 = arith.muli %sub3A_207, %mul3A_278 : i32
    %add3A_280 = arith.constant 80 : i32
    %add3A_281 = arith.addi %mul3A_279, %add3A_280 : i32
    %get3A_282 = arith.index_cast %add3A_281 : i32 to index
    %get3A_283 = tpu.vector_load %arg6[%get3A_282] {strides = array<i32>} : memref<15744xi32, #tpu.memory_space<vmem>>, vector<16xi32>,
    %get3A_284 = vector.shape_cast %get3A_283 : vector<16xi32> to vector<16xi32>
    %and3A_285 = arith.constant 16383 : i32
    %and3A_286 = vector.broadcast %and3A_285 : i32 to vector<16xi32>
    %and3A_287 = arith.andi %get3A_284, %and3A_286 : vector<16xi32>
    %swap3A_288 = arith.constant 80 : index
    %swap3A_289 = tpu.vector_load %arg7[%swap3A_288] {strides = array<i32>} : memref<128xi32, #tpu.memory_space<vmem>>, vector<16xi32>,
    %swap3A_290 = vector.shape_cast %swap3A_289 : vector<16xi32> to vector<16xi32>
    %swap3A_291 = vector.shape_cast %and3A_287 : vector<16xi32> to vector<16xi32>
    tpu.vector_store %arg7[%swap3A_288], %swap3A_291 {strides = array<i32>} : memref<128xi32, #tpu.memory_space<vmem>>, vector<16xi32>,
    %mul3A_292 = arith.constant 128 : i32
    %mul3A_293 = arith.muli %sub3A_207, %mul3A_292 : i32
    %add3A_294 = arith.constant 96 : i32
    %add3A_295 = arith.addi %mul3A_293, %add3A_294 : i32
    %get3A_296 = arith.index_cast %add3A_295 : i32 to index
    %get3A_297 = tpu.vector_load %arg6[%get3A_296] {strides = array<i32>} : memref<15744xi32, #tpu.memory_space<vmem>>, vector<16xi32>,
    %get3A_298 = vector.shape_cast %get3A_297 : vector<16xi32> to vector<16xi32>
    %and3A_299 = arith.constant 16383 : i32
    %and3A_300 = vector.broadcast %and3A_299 : i32 to vector<16xi32>
    %and3A_301 = arith.andi %get3A_298, %and3A_300 : vector<16xi32>
    %swap3A_302 = arith.constant 96 : index
    %swap3A_303 = tpu.vector_load %arg7[%swap3A_302] {strides = array<i32>} : memref<128xi32, #tpu.memory_space<vmem>>, vector<16xi32>,
    %swap3A_304 = vector.shape_cast %swap3A_303 : vector<16xi32> to vector<16xi32>
    %swap3A_305 = vector.shape_cast %and3A_301 : vector<16xi32> to vector<16xi32>
    tpu.vector_store %arg7[%swap3A_302], %swap3A_305 {strides = array<i32>} : memref<128xi32, #tpu.memory_space<vmem>>, vector<16xi32>,
    %mul3A_306 = arith.constant 128 : i32
    %mul3A_307 = arith.muli %sub3A_207, %mul3A_306 : i32
    %add3A_308 = arith.constant 112 : i32
    %add3A_309 = arith.addi %mul3A_307, %add3A_308 : i32
    %get3A_310 = arith.index_cast %add3A_309 : i32 to index
    %get3A_311 = tpu.vector_load %arg6[%get3A_310] {strides = array<i32>} : memref<15744xi32, #tpu.memory_space<vmem>>, vector<16xi32>,
    %get3A_312 = vector.shape_cast %get3A_311 : vector<16xi32> to vector<16xi32>
    %and3A_313 = arith.constant 16383 : i32
    %and3A_314 = vector.broadcast %and3A_313 : i32 to vector<16xi32>
    %and3A_315 = arith.andi %get3A_312, %and3A_314 : vector<16xi32>
    %swap3A_316 = arith.constant 112 : index
    %swap3A_317 = tpu.vector_load %arg7[%swap3A_316] {strides = array<i32>} : memref<128xi32, #tpu.memory_space<vmem>>, vector<16xi32>,
    %swap3A_318 = vector.shape_cast %swap3A_317 : vector<16xi32> to vector<16xi32>
    %swap3A_319 = vector.shape_cast %and3A_315 : vector<16xi32> to vector<16xi32>
    tpu.vector_store %arg7[%swap3A_316], %swap3A_319 {strides = array<i32>} : memref<128xi32, #tpu.memory_space<vmem>>, vector<16xi32>,
    %dma_start3A_320 = arith.constant 0 : i32
    %dma_start3A_321 = arith.constant 0 : i32
    %dma_start3A_322 = tpu.memref_slice %arg10[%dma_start3A_320, %dma_start3A_321] : memref<10240x128xf32, #tpu.memory_space<vmem_shared>> -> memref<10240x128xf32, #tpu.memory_space<vmem_shared>>
    tpu.enqueue_indirect_dma source(%arg9 : memref<128x128xf32, #tpu.memory_space<vmem>>) target(%dma_start3A_322 : memref<10240x128xf32, #tpu.memory_space<vmem_shared>>) offsets(%arg7 : memref<128xi32, #tpu.memory_space<vmem>>) semaphore(%arg11 : memref<!tpu.dma_semaphore, #tpu.memory_space<semaphore_mem>>) {add = true}
    %dma_wait3A_323 = arith.constant 0 : i32
    %dma_wait3A_324 = arith.constant 0 : i32
    %dma_wait3A_325 = tpu.memref_slice %arg10[%dma_wait3A_323, %dma_wait3A_324] : memref<10240x128xf32, #tpu.memory_space<vmem_shared>> -> memref<10240x128xf32, #tpu.memory_space<vmem_shared>>
    tpu.wait_indirect_dma semaphore(%arg11 : memref<!tpu.dma_semaphore, #tpu.memory_space<semaphore_mem>>) src(%arg9 : memref<128x128xf32, #tpu.memory_space<vmem>>) dst(%dma_wait3A_325 : memref<10240x128xf32, #tpu.memory_space<vmem_shared>>)
    %dma_wait3A_326 = arith.constant 0 : i32
    %dma_wait3A_327 = arith.constant 0 : i32
    %dma_wait3A_328 = tpu.memref_slice %arg10[%dma_wait3A_326, %dma_wait3A_327] : memref<10240x128xf32, #tpu.memory_space<vmem_shared>> -> memref<10240x128xf32, #tpu.memory_space<vmem_shared>>
    tpu.wait_indirect_dma semaphore(%arg12 : memref<!tpu.dma_semaphore, #tpu.memory_space<semaphore_mem>>) src(%arg9 : memref<128x128xf32, #tpu.memory_space<vmem>>) dst(%dma_wait3A_328 : memref<10240x128xf32, #tpu.memory_space<vmem_shared>>)
    %barrier3A_329 = arith.constant 0 : index
    tpu.barrier barrier_id(%barrier3A_329)
    %eq3A_330 = arith.constant 0 : i32
    %eq3A_331 = arith.cmpi eq, %arg1, %eq3A_330 : i32
    %convert_element_type3A_332 = arith.extui %eq3A_331 : i1 to i32
    %cond3A_333 = arith.constant 0 : i32
    %cond3A_334 = arith.cmpi ne, %convert_element_type3A_332, %cond3A_333 : i32
    scf.if %cond3A_334 {
      "tpu.region"() ({
        %run_scoped3A = tpu.sem_alloc : memref<!tpu.dma_semaphore, #tpu.memory_space<semaphore_mem>>
        %dma_start3A_335 = arith.constant 0 : i32
        %dma_start3A_336 = arith.constant 0 : i32
        %dma_start3A_337 = tpu.memref_slice %arg5[%arg0, %dma_start3A_335, %dma_start3A_336] : memref<2x10240x128xf32, #tpu.memory_space<hbm>> -> memref<1x10240x128xf32, #tpu.memory_space<hbm>>
        %dma_start3A_338 = tpu.memref_squeeze %dma_start3A_337 : memref<1x10240x128xf32, #tpu.memory_space<hbm>> -> memref<10240x128xf32, #tpu.memory_space<hbm>>
        tpu.enqueue_dma source(%arg10 : memref<10240x128xf32, #tpu.memory_space<vmem_shared>>) target(%dma_start3A_338 : memref<10240x128xf32, #tpu.memory_space<hbm>>) target_semaphore(%run_scoped3A : memref<!tpu.dma_semaphore, #tpu.memory_space<semaphore_mem>>)
        %dma_wait3A_339 = arith.constant 0 : i32
        %dma_wait3A_340 = arith.constant 0 : i32
        %dma_wait3A_341 = tpu.memref_slice %arg5[%arg0, %dma_wait3A_339, %dma_wait3A_340] : memref<2x10240x128xf32, #tpu.memory_space<hbm>> -> memref<1x10240x128xf32, #tpu.memory_space<hbm>>
        %dma_wait3A_342 = tpu.memref_squeeze %dma_wait3A_341 : memref<1x10240x128xf32, #tpu.memory_space<hbm>> -> memref<10240x128xf32, #tpu.memory_space<hbm>>
        tpu.wait_dma2 semaphore(%run_scoped3A : memref<!tpu.dma_semaphore, #tpu.memory_space<semaphore_mem>>) src(%arg10 : memref<10240x128xf32, #tpu.memory_space<vmem_shared>>) dst(%dma_wait3A_342 : memref<10240x128xf32, #tpu.memory_space<hbm>>)
        tpu.yield
      }) : () -> ()
    } else {
    }
    return
  }
}

module attributes {stable_mosaic.version = 14 : i64} {
  func.func @_stats_body(%arg0: i32, %arg1: memref<2048x128xf32, #tpu.memory_space<vmem>>, %arg2: memref<1x128xf32, #tpu.memory_space<vmem>>, %arg3: memref<1x128xf32, #tpu.memory_space<vmem>>) attributes {dimension_semantics = [#tpu.dimension_semantics<arbitrary>], iteration_bounds = array<i64: 5>, scalar_prefetch = 0 : i64, scratch_operands = 0 : i64, tpu.core_type = #tpu.core_type<tc>, window_params = [{transform_indices = @transform_0, window_bounds = array<i64: 2048, 128>}, {pipeline_mode = #tpu.pipeline_mode<synchronous>, transform_indices = @transform_1, window_bounds = array<i64: 1, 128>}, {pipeline_mode = #tpu.pipeline_mode<synchronous>, transform_indices = @transform_2, window_bounds = array<i64: 1, 128>}]} {
    %get3A = arith.constant 0 : index
    %get3A_0 = arith.constant 0 : index
    %get3A_1 = vector.load %arg1[%get3A, %get3A_0] : memref<2048x128xf32, #tpu.memory_space<vmem>>, vector<2048x128xf32>
    %reduce_sum3A = arith.constant dense<0.000000e+00> : vector<128xf32>
    %reduce_sum3A_2 = vector.multi_reduction <add>, %get3A_1, %reduce_sum3A [0] : vector<2048x128xf32> to vector<128xf32>
    %broadcast_in_dim3A = vector.shape_cast %reduce_sum3A_2 : vector<128xf32> to vector<1x128xf32>
    %mul3A = arith.mulf %get3A_1, %get3A_1 : vector<2048x128xf32>
    %reduce_sum3A_3 = arith.constant dense<0.000000e+00> : vector<128xf32>
    %reduce_sum3A_4 = vector.multi_reduction <add>, %mul3A, %reduce_sum3A_3 [0] : vector<2048x128xf32> to vector<128xf32>
    %broadcast_in_dim3A_5 = vector.shape_cast %reduce_sum3A_4 : vector<128xf32> to vector<1x128xf32>
    %eq3A = arith.constant 0 : i32
    %eq3A_6 = arith.cmpi eq, %arg0, %eq3A : i32
    %convert_element_type3A = arith.extui %eq3A_6 : i1 to i32
    %cond3A = arith.constant 0 : i32
    %cond3A_7 = arith.cmpi ne, %convert_element_type3A, %cond3A : i32
    scf.if %cond3A_7 {
      %swap3A = arith.constant 0 : index
      %swap3A_12 = arith.constant 0 : index
      %swap3A_13 = vector.load %arg2[%swap3A, %swap3A_12] : memref<1x128xf32, #tpu.memory_space<vmem>>, vector<1x128xf32>
      tpu.vector_store %arg2[%swap3A, %swap3A_12], %broadcast_in_dim3A {strides = array<i32>} : memref<1x128xf32, #tpu.memory_space<vmem>>, vector<1x128xf32>,
      %swap3A_14 = arith.constant 0 : index
      %swap3A_15 = arith.constant 0 : index
      %swap3A_16 = vector.load %arg3[%swap3A_14, %swap3A_15] : memref<1x128xf32, #tpu.memory_space<vmem>>, vector<1x128xf32>
      tpu.vector_store %arg3[%swap3A_14, %swap3A_15], %broadcast_in_dim3A_5 {strides = array<i32>} : memref<1x128xf32, #tpu.memory_space<vmem>>, vector<1x128xf32>,
    } else {
    }
    %ne3A = arith.constant 0 : i32
    %ne3A_8 = arith.cmpi ne, %arg0, %ne3A : i32
    %convert_element_type3A_9 = arith.extui %ne3A_8 : i1 to i32
    %cond3A_10 = arith.constant 0 : i32
    %cond3A_11 = arith.cmpi ne, %convert_element_type3A_9, %cond3A_10 : i32
    scf.if %cond3A_11 {
      %get3A_12 = arith.constant 0 : index
      %get3A_13 = arith.constant 0 : index
      %get3A_14 = vector.load %arg2[%get3A_12, %get3A_13] : memref<1x128xf32, #tpu.memory_space<vmem>>, vector<1x128xf32>
      %add3A = arith.addf %get3A_14, %broadcast_in_dim3A : vector<1x128xf32>
      %swap3A = arith.constant 0 : index
      %swap3A_15 = arith.constant 0 : index
      %swap3A_16 = vector.load %arg2[%swap3A, %swap3A_15] : memref<1x128xf32, #tpu.memory_space<vmem>>, vector<1x128xf32>
      tpu.vector_store %arg2[%swap3A, %swap3A_15], %add3A {strides = array<i32>} : memref<1x128xf32, #tpu.memory_space<vmem>>, vector<1x128xf32>,
      %get3A_17 = arith.constant 0 : index
      %get3A_18 = arith.constant 0 : index
      %get3A_19 = vector.load %arg3[%get3A_17, %get3A_18] : memref<1x128xf32, #tpu.memory_space<vmem>>, vector<1x128xf32>
      %add3A_20 = arith.addf %get3A_19, %broadcast_in_dim3A_5 : vector<1x128xf32>
      %swap3A_21 = arith.constant 0 : index
      %swap3A_22 = arith.constant 0 : index
      %swap3A_23 = vector.load %arg3[%swap3A_21, %swap3A_22] : memref<1x128xf32, #tpu.memory_space<vmem>>, vector<1x128xf32>
      tpu.vector_store %arg3[%swap3A_21, %swap3A_22], %add3A_20 {strides = array<i32>} : memref<1x128xf32, #tpu.memory_space<vmem>>, vector<1x128xf32>,
    } else {
    }
    return
  }
  func.func @transform_0(%arg0: i32) -> (i32, i32) {
    %c0_i32 = arith.constant 0 : i32
    %c0_i32_0 = arith.constant 0 : i32
    return %arg0, %c0_i32 : i32, i32
  }
  func.func @transform_1(%arg0: i32) -> (i32, i32) {
    %c0_i32 = arith.constant 0 : i32
    %c0_i32_0 = arith.constant 0 : i32
    %c0_i32_1 = arith.constant 0 : i32
    return %c0_i32, %c0_i32_0 : i32, i32
  }
  func.func @transform_2(%arg0: i32) -> (i32, i32) {
    %c0_i32 = arith.constant 0 : i32
    %c0_i32_0 = arith.constant 0 : i32
    %c0_i32_1 = arith.constant 0 : i32
    return %c0_i32, %c0_i32_0 : i32, i32
  }
}

module attributes {stable_mosaic.version = 14 : i64} {
  func.func @_pre_body(%arg0: i32, %arg1: memref<2048x128xf32, #tpu.memory_space<vmem>>, %arg2: memref<2048x128xf32, #tpu.memory_space<vmem>>, %arg3: memref<2x2048x128xf32, #tpu.memory_space<vmem>>, %arg4: memref<1x128xf32, #tpu.memory_space<vmem>>, %arg5: memref<1x128xf32, #tpu.memory_space<vmem>>, %arg6: memref<1x128xf32, #tpu.memory_space<vmem>>, %arg7: memref<1x128xf32, #tpu.memory_space<vmem>>, %arg8: memref<128x128xf32, #tpu.memory_space<vmem>>, %arg9: memref<2048x128xf32, #tpu.memory_space<vmem>>, %arg10: memref<2048x128xf32, #tpu.memory_space<vmem>>, %arg11: memref<2048x128xf32, #tpu.memory_space<vmem>>, %arg12: memref<2048x128xf32, #tpu.memory_space<vmem>>) attributes {dimension_semantics = [#tpu.dimension_semantics<arbitrary>], iteration_bounds = array<i64: 5>, scalar_prefetch = 0 : i64, scratch_operands = 0 : i64, tpu.core_type = #tpu.core_type<tc>, window_params = [{transform_indices = @transform_0, window_bounds = array<i64: 2048, 128>}, {transform_indices = @transform_1, window_bounds = array<i64: 2048, 128>}, {transform_indices = @transform_2, window_bounds = array<i64: 2, 2048, 128>}, {pipeline_mode = #tpu.pipeline_mode<synchronous>, transform_indices = @transform_3, window_bounds = array<i64: 1, 128>}, {pipeline_mode = #tpu.pipeline_mode<synchronous>, transform_indices = @transform_4, window_bounds = array<i64: 1, 128>}, {pipeline_mode = #tpu.pipeline_mode<synchronous>, transform_indices = @transform_5, window_bounds = array<i64: 1, 128>}, {pipeline_mode = #tpu.pipeline_mode<synchronous>, transform_indices = @transform_6, window_bounds = array<i64: 1, 128>}, {pipeline_mode = #tpu.pipeline_mode<synchronous>, transform_indices = @transform_7, window_bounds = array<i64: 128, 128>}, {transform_indices = @transform_8, window_bounds = array<i64: 2048, 128>}, {transform_indices = @transform_9, window_bounds = array<i64: 2048, 128>}, {transform_indices = @transform_10, window_bounds = array<i64: 2048, 128>}, {transform_indices = @transform_11, window_bounds = array<i64: 2048, 128>}]} {
    %iota3A = tpu.iota {dimensions = array<i32: 0>} : vector<128x128xi32>
    %jit3A = arith.constant 4 : i32
    %div3A = vector.broadcast %jit3A : i32 to vector<128x128xi32>
    %div3A_0 = arith.divsi %iota3A, %div3A : vector<128x128xi32>
    %sign3A = arith.constant 0 : i32
    %sign3A_1 = vector.broadcast %sign3A : i32 to vector<128x128xi32>
    %sign3A_2 = arith.cmpi sgt, %iota3A, %sign3A_1 : vector<128x128xi32>
    %sign3A_3 = arith.extui %sign3A_2 : vector<128x128xi1> to vector<128x128xi32>
    %sign3A_4 = arith.constant 0 : i32
    %sign3A_5 = vector.broadcast %sign3A_4 : i32 to vector<128x128xi32>
    %sign3A_6 = arith.cmpi slt, %iota3A, %sign3A_5 : vector<128x128xi32>
    %sign3A_7 = arith.extui %sign3A_6 : vector<128x128xi1> to vector<128x128xi32>
    %sign3A_8 = arith.subi %sign3A_3, %sign3A_7 : vector<128x128xi32>
    %sign3A_9 = arith.constant 0 : i32
    %sign3A_10 = arith.cmpi sgt, %jit3A, %sign3A_9 : i32
    %sign3A_11 = arith.extui %sign3A_10 : i1 to i32
    %sign3A_12 = arith.constant 0 : i32
    %sign3A_13 = arith.cmpi slt, %jit3A, %sign3A_12 : i32
    %sign3A_14 = arith.extui %sign3A_13 : i1 to i32
    %sign3A_15 = arith.subi %sign3A_11, %sign3A_14 : i32
    %ne3A = vector.broadcast %sign3A_15 : i32 to vector<128x128xi32>
    %ne3A_16 = arith.cmpi ne, %sign3A_8, %ne3A : vector<128x128xi32>
    %rem3A = vector.broadcast %jit3A : i32 to vector<128x128xi32>
    %rem3A_17 = arith.remsi %iota3A, %rem3A : vector<128x128xi32>
    %ne3A_18 = arith.constant 0 : i32
    %ne3A_19 = vector.broadcast %ne3A_18 : i32 to vector<128x128xi32>
    %ne3A_20 = arith.cmpi ne, %rem3A_17, %ne3A_19 : vector<128x128xi32>
    %and3A = arith.andi %ne3A_16, %ne3A_20 : vector<128x128xi1>
    %sub3A = arith.constant 1 : i32
    %sub3A_21 = vector.broadcast %sub3A : i32 to vector<128x128xi32>
    %sub3A_22 = arith.subi %div3A_0, %sub3A_21 : vector<128x128xi32>
    %select_n3A = arith.select %and3A, %sub3A_22, %div3A_0 : vector<128x128xi1>, vector<128x128xi32>
    %iota3A_23 = tpu.iota {dimensions = array<i32: 1>} : vector<128x128xi32>
    %jit3A_24 = arith.constant 4 : i32
    %div3A_25 = vector.broadcast %jit3A_24 : i32 to vector<128x128xi32>
    %div3A_26 = arith.divsi %iota3A_23, %div3A_25 : vector<128x128xi32>
    %sign3A_27 = arith.constant 0 : i32
    %sign3A_28 = vector.broadcast %sign3A_27 : i32 to vector<128x128xi32>
    %sign3A_29 = arith.cmpi sgt, %iota3A_23, %sign3A_28 : vector<128x128xi32>
    %sign3A_30 = arith.extui %sign3A_29 : vector<128x128xi1> to vector<128x128xi32>
    %sign3A_31 = arith.constant 0 : i32
    %sign3A_32 = vector.broadcast %sign3A_31 : i32 to vector<128x128xi32>
    %sign3A_33 = arith.cmpi slt, %iota3A_23, %sign3A_32 : vector<128x128xi32>
    %sign3A_34 = arith.extui %sign3A_33 : vector<128x128xi1> to vector<128x128xi32>
    %sign3A_35 = arith.subi %sign3A_30, %sign3A_34 : vector<128x128xi32>
    %sign3A_36 = arith.constant 0 : i32
    %sign3A_37 = arith.cmpi sgt, %jit3A_24, %sign3A_36 : i32
    %sign3A_38 = arith.extui %sign3A_37 : i1 to i32
    %sign3A_39 = arith.constant 0 : i32
    %sign3A_40 = arith.cmpi slt, %jit3A_24, %sign3A_39 : i32
    %sign3A_41 = arith.extui %sign3A_40 : i1 to i32
    %sign3A_42 = arith.subi %sign3A_38, %sign3A_41 : i32
    %ne3A_43 = vector.broadcast %sign3A_42 : i32 to vector<128x128xi32>
    %ne3A_44 = arith.cmpi ne, %sign3A_35, %ne3A_43 : vector<128x128xi32>
    %rem3A_45 = vector.broadcast %jit3A_24 : i32 to vector<128x128xi32>
    %rem3A_46 = arith.remsi %iota3A_23, %rem3A_45 : vector<128x128xi32>
    %ne3A_47 = arith.constant 0 : i32
    %ne3A_48 = vector.broadcast %ne3A_47 : i32 to vector<128x128xi32>
    %ne3A_49 = arith.cmpi ne, %rem3A_46, %ne3A_48 : vector<128x128xi32>
    %and3A_50 = arith.andi %ne3A_44, %ne3A_49 : vector<128x128xi1>
    %sub3A_51 = arith.constant 1 : i32
    %sub3A_52 = vector.broadcast %sub3A_51 : i32 to vector<128x128xi32>
    %sub3A_53 = arith.subi %div3A_26, %sub3A_52 : vector<128x128xi32>
    %select_n3A_54 = arith.select %and3A_50, %sub3A_53, %div3A_26 : vector<128x128xi1>, vector<128x128xi32>
    %eq3A = arith.cmpi eq, %select_n3A, %select_n3A_54 : vector<128x128xi32>
    %convert_element_type3A = arith.extui %eq3A : vector<128x128xi1> to vector<128x128xi32>
    %convert_element_type3A_55 = arith.sitofp %convert_element_type3A : vector<128x128xi32> to vector<128x128xf32>
    %get3A = arith.constant 0 : index
    %get3A_56 = arith.constant 0 : index
    %get3A_57 = vector.load %arg4[%get3A, %get3A_56] : memref<1x128xf32, #tpu.memory_space<vmem>>, vector<1x128xf32>
    %dot_general3A = arith.constant dense<0.000000e+00> : vector<1x128xf32>
    %dot_general3A_58 = tpu.matmul %get3A_57, %convert_element_type3A_55, %dot_general3A {dimension_numbers = #tpu.dot_dimension_numbers<[1], [0], [0], [1], [0, 0, 1, 1], [], []>, precision = #tpu.contract_precision<fp32>, transpose_lhs_hint = false} : vector<1x128xf32>, vector<128x128xf32>, vector<1x128xf32> -> vector<1x128xf32>
    %div3A_59 = arith.constant 4.000000e+04 : f32
    %div3A_60 = vector.broadcast %div3A_59 : f32 to vector<1x128xf32>
    %div3A_61 = arith.divf %dot_general3A_58, %div3A_60 : vector<1x128xf32>
    %get3A_62 = arith.constant 0 : index
    %get3A_63 = arith.constant 0 : index
    %get3A_64 = vector.load %arg5[%get3A_62, %get3A_63] : memref<1x128xf32, #tpu.memory_space<vmem>>, vector<1x128xf32>
    %dot_general3A_65 = arith.constant dense<0.000000e+00> : vector<1x128xf32>
    %dot_general3A_66 = tpu.matmul %get3A_64, %convert_element_type3A_55, %dot_general3A_65 {dimension_numbers = #tpu.dot_dimension_numbers<[1], [0], [0], [1], [0, 0, 1, 1], [], []>, precision = #tpu.contract_precision<fp32>, transpose_lhs_hint = false} : vector<1x128xf32>, vector<128x128xf32>, vector<1x128xf32> -> vector<1x128xf32>
    %div3A_67 = arith.constant 4.000000e+04 : f32
    %div3A_68 = vector.broadcast %div3A_67 : f32 to vector<1x128xf32>
    %div3A_69 = arith.divf %dot_general3A_66, %div3A_68 : vector<1x128xf32>
    %mul3A = arith.mulf %div3A_61, %div3A_61 : vector<1x128xf32>
    %sub3A_70 = arith.subf %div3A_69, %mul3A : vector<1x128xf32>
    %get3A_71 = arith.constant 0 : index
    %get3A_72 = arith.constant 0 : index
    %get3A_73 = vector.load %arg1[%get3A_71, %get3A_72] : memref<2048x128xf32, #tpu.memory_space<vmem>>, vector<2048x128xf32>
    %sub3A_74 = vector.broadcast %div3A_61 : vector<1x128xf32> to vector<2048x128xf32>
    %sub3A_75 = arith.subf %get3A_73, %sub3A_74 : vector<2048x128xf32>
    %add3A = arith.constant 9.99999974E-6 : f32
    %add3A_76 = vector.broadcast %add3A : f32 to vector<1x128xf32>
    %add3A_77 = arith.addf %sub3A_70, %add3A_76 : vector<1x128xf32>
    %rsqrt3A = math.rsqrt %add3A_77 : vector<1x128xf32>
    %mul3A_78 = vector.broadcast %rsqrt3A : vector<1x128xf32> to vector<2048x128xf32>
    %mul3A_79 = arith.mulf %sub3A_75, %mul3A_78 : vector<2048x128xf32>
    %get3A_80 = arith.constant 0 : index
    %get3A_81 = arith.constant 0 : index
    %get3A_82 = vector.load %arg6[%get3A_80, %get3A_81] : memref<1x128xf32, #tpu.memory_space<vmem>>, vector<1x128xf32>
    %mul3A_83 = vector.broadcast %get3A_82 : vector<1x128xf32> to vector<2048x128xf32>
    %mul3A_84 = arith.mulf %mul3A_79, %mul3A_83 : vector<2048x128xf32>
    %get3A_85 = arith.constant 0 : index
    %get3A_86 = arith.constant 0 : index
    %get3A_87 = vector.load %arg7[%get3A_85, %get3A_86] : memref<1x128xf32, #tpu.memory_space<vmem>>, vector<1x128xf32>
    %add3A_88 = vector.broadcast %get3A_87 : vector<1x128xf32> to vector<2048x128xf32>
    %add3A_89 = arith.addf %mul3A_84, %add3A_88 : vector<2048x128xf32>
    %mul3A_90 = arith.mulf %add3A_89, %add3A_89 : vector<2048x128xf32>
    %dot_general3A_91 = arith.constant dense<0.000000e+00> : vector<2048x128xf32>
    %dot_general3A_92 = tpu.matmul %mul3A_90, %convert_element_type3A_55, %dot_general3A_91 {dimension_numbers = #tpu.dot_dimension_numbers<[1], [0], [0], [1], [0, 0, 1, 1], [], []>, precision = #tpu.contract_precision<fp32>, transpose_lhs_hint = false} : vector<2048x128xf32>, vector<128x128xf32>, vector<2048x128xf32> -> vector<2048x128xf32>
    %jit3A_93 = arith.constant 9.99999997E-7 : f32
    %max3A = vector.broadcast %jit3A_93 : f32 to vector<2048x128xf32>
    %max3A_94 = arith.maximumf %max3A, %dot_general3A_92 : vector<2048x128xf32>
    %rsqrt3A_95 = math.rsqrt %max3A_94 : vector<2048x128xf32>
    %mul3A_96 = arith.mulf %add3A_89, %rsqrt3A_95 : vector<2048x128xf32>
    %swap3A = arith.constant 0 : index
    %swap3A_97 = arith.constant 0 : index
    %swap3A_98 = vector.load %arg9[%swap3A, %swap3A_97] : memref<2048x128xf32, #tpu.memory_space<vmem>>, vector<2048x128xf32>
    tpu.vector_store %arg9[%swap3A, %swap3A_97], %mul3A_96 {strides = array<i32>} : memref<2048x128xf32, #tpu.memory_space<vmem>>, vector<2048x128xf32>,
    %get3A_99 = arith.constant 0 : index
    %get3A_100 = arith.constant 0 : index
    %get3A_101 = vector.load %arg2[%get3A_99, %get3A_100] : memref<2048x128xf32, #tpu.memory_space<vmem>>, vector<2048x128xf32>
    %mul3A_102 = arith.mulf %get3A_101, %get3A_101 : vector<2048x128xf32>
    %dot_general3A_103 = arith.constant dense<0.000000e+00> : vector<2048x128xf32>
    %dot_general3A_104 = tpu.matmul %mul3A_102, %convert_element_type3A_55, %dot_general3A_103 {dimension_numbers = #tpu.dot_dimension_numbers<[1], [0], [0], [1], [0, 0, 1, 1], [], []>, precision = #tpu.contract_precision<fp32>, transpose_lhs_hint = false} : vector<2048x128xf32>, vector<128x128xf32>, vector<2048x128xf32> -> vector<2048x128xf32>
    %jit3A_105 = arith.constant 9.99999997E-7 : f32
    %max3A_106 = vector.broadcast %jit3A_105 : f32 to vector<2048x128xf32>
    %max3A_107 = arith.maximumf %max3A_106, %dot_general3A_104 : vector<2048x128xf32>
    %rsqrt3A_108 = math.rsqrt %max3A_107 : vector<2048x128xf32>
    %mul3A_109 = arith.mulf %get3A_101, %rsqrt3A_108 : vector<2048x128xf32>
    %swap3A_110 = arith.constant 0 : index
    %swap3A_111 = arith.constant 0 : index
    %swap3A_112 = vector.load %arg10[%swap3A_110, %swap3A_111] : memref<2048x128xf32, #tpu.memory_space<vmem>>, vector<2048x128xf32>
    tpu.vector_store %arg10[%swap3A_110, %swap3A_111], %mul3A_109 {strides = array<i32>} : memref<2048x128xf32, #tpu.memory_space<vmem>>, vector<2048x128xf32>,
    %get3A_113 = arith.constant 0 : index
    %get3A_114 = arith.constant 0 : index
    %get3A_115 = arith.constant 0 : index
    %get3A_116 = vector.load %arg3[%get3A_113, %get3A_114, %get3A_115] : memref<2x2048x128xf32, #tpu.memory_space<vmem>>, vector<1x2048x128xf32>
    %get3A_117 = vector.shape_cast %get3A_116 : vector<1x2048x128xf32> to vector<2048x128xf32>
    %slice3A = vector.extract_strided_slice %get3A_117 {offsets = [0, 0], sizes = [2048, 1], strides = [1, 1]} : vector<2048x128xf32> to vector<2048x1xf32>
    %get3A_118 = arith.constant 1 : index
    %get3A_119 = arith.constant 0 : index
    %get3A_120 = arith.constant 0 : index
    %get3A_121 = vector.load %arg3[%get3A_118, %get3A_119, %get3A_120] : memref<2x2048x128xf32, #tpu.memory_space<vmem>>, vector<1x2048x128xf32>
    %get3A_122 = vector.shape_cast %get3A_121 : vector<1x2048x128xf32> to vector<2048x128xf32>
    %slice3A_123 = vector.extract_strided_slice %get3A_122 {offsets = [0, 0], sizes = [2048, 1], strides = [1, 1]} : vector<2048x128xf32> to vector<2048x1xf32>
    %add3A_124 = arith.addf %slice3A, %slice3A_123 : vector<2048x1xf32>
    %add3A_125 = arith.constant 1.000000e+00 : f32
    %add3A_126 = vector.broadcast %add3A_125 : f32 to vector<2048x1xf32>
    %add3A_127 = arith.addf %add3A_124, %add3A_126 : vector<2048x1xf32>
    %rsqrt3A_128 = math.rsqrt %add3A_127 : vector<2048x1xf32>
    %broadcast_in_dim3A = vector.shape_cast %rsqrt3A_128 : vector<2048x1xf32> to vector<2048x1xf32>
    %broadcast_in_dim3A_129 = vector.broadcast %broadcast_in_dim3A : vector<2048x1xf32> to vector<2048x128xf32>
    %swap3A_130 = arith.constant 0 : index
    %swap3A_131 = arith.constant 0 : index
    %swap3A_132 = vector.load %arg12[%swap3A_130, %swap3A_131] : memref<2048x128xf32, #tpu.memory_space<vmem>>, vector<2048x128xf32>
    tpu.vector_store %arg12[%swap3A_130, %swap3A_131], %broadcast_in_dim3A_129 {strides = array<i32>} : memref<2048x128xf32, #tpu.memory_space<vmem>>, vector<2048x128xf32>,
    %get3A_133 = arith.constant 0 : index
    %get3A_134 = arith.constant 0 : index
    %get3A_135 = vector.load %arg8[%get3A_133, %get3A_134] : memref<128x128xf32, #tpu.memory_space<vmem>>, vector<128x128xf32>
    %dot_general3A_136 = arith.constant dense<0.000000e+00> : vector<2048x128xf32>
    %dot_general3A_137 = tpu.matmul %mul3A_109, %get3A_135, %dot_general3A_136 {dimension_numbers = #tpu.dot_dimension_numbers<[1], [0], [0], [1], [0, 0, 1, 1], [], []>, transpose_lhs_hint = false} : vector<2048x128xf32>, vector<128x128xf32>, vector<2048x128xf32> -> vector<2048x128xf32>
    %mul3A_138 = arith.mulf %dot_general3A_137, %broadcast_in_dim3A_129 : vector<2048x128xf32>
    %swap3A_139 = arith.constant 0 : index
    %swap3A_140 = arith.constant 0 : index
    %swap3A_141 = vector.load %arg11[%swap3A_139, %swap3A_140] : memref<2048x128xf32, #tpu.memory_space<vmem>>, vector<2048x128xf32>
    tpu.vector_store %arg11[%swap3A_139, %swap3A_140], %mul3A_138 {strides = array<i32>} : memref<2048x128xf32, #tpu.memory_space<vmem>>, vector<2048x128xf32>,
    return
  }
  func.func @transform_0(%arg0: i32) -> (i32, i32) {
    %c0_i32 = arith.constant 0 : i32
    %c0_i32_0 = arith.constant 0 : i32
    return %arg0, %c0_i32 : i32, i32
  }
  func.func @transform_1(%arg0: i32) -> (i32, i32) {
    %c0_i32 = arith.constant 0 : i32
    %c0_i32_0 = arith.constant 0 : i32
    return %arg0, %c0_i32 : i32, i32
  }
  func.func @transform_2(%arg0: i32) -> (i32, i32, i32) {
    %c0_i32 = arith.constant 0 : i32
    %c0_i32_0 = arith.constant 0 : i32
    %c0_i32_1 = arith.constant 0 : i32
    return %c0_i32, %arg0, %c0_i32_0 : i32, i32, i32
  }
  func.func @transform_3(%arg0: i32) -> (i32, i32) {
    %c0_i32 = arith.constant 0 : i32
    %c0_i32_0 = arith.constant 0 : i32
    %c0_i32_1 = arith.constant 0 : i32
    return %c0_i32, %c0_i32_0 : i32, i32
  }
  func.func @transform_4(%arg0: i32) -> (i32, i32) {
    %c0_i32 = arith.constant 0 : i32
    %c0_i32_0 = arith.constant 0 : i32
    %c0_i32_1 = arith.constant 0 : i32
    return %c0_i32, %c0_i32_0 : i32, i32
  }
  func.func @transform_5(%arg0: i32) -> (i32, i32) {
    %c0_i32 = arith.constant 0 : i32
    %c0_i32_0 = arith.constant 0 : i32
    %c0_i32_1 = arith.constant 0 : i32
    return %c0_i32, %c0_i32_0 : i32, i32
  }
  func.func @transform_6(%arg0: i32) -> (i32, i32) {
    %c0_i32 = arith.constant 0 : i32
    %c0_i32_0 = arith.constant 0 : i32
    %c0_i32_1 = arith.constant 0 : i32
    return %c0_i32, %c0_i32_0 : i32, i32
  }
  func.func @transform_7(%arg0: i32) -> (i32, i32) {
    %c0_i32 = arith.constant 0 : i32
    %c0_i32_0 = arith.constant 0 : i32
    %c0_i32_1 = arith.constant 0 : i32
    return %c0_i32, %c0_i32_0 : i32, i32
  }
  func.func @transform_8(%arg0: i32) -> (i32, i32) {
    %c0_i32 = arith.constant 0 : i32
    %c0_i32_0 = arith.constant 0 : i32
    return %arg0, %c0_i32 : i32, i32
  }
  func.func @transform_9(%arg0: i32) -> (i32, i32) {
    %c0_i32 = arith.constant 0 : i32
    %c0_i32_0 = arith.constant 0 : i32
    return %arg0, %c0_i32 : i32, i32
  }
  func.func @transform_10(%arg0: i32) -> (i32, i32) {
    %c0_i32 = arith.constant 0 : i32
    %c0_i32_0 = arith.constant 0 : i32
    return %arg0, %c0_i32 : i32, i32
  }
  func.func @transform_11(%arg0: i32) -> (i32, i32) {
    %c0_i32 = arith.constant 0 : i32
    %c0_i32_0 = arith.constant 0 : i32
    return %arg0, %c0_i32 : i32, i32
  }
}

module attributes {stable_mosaic.version = 14 : i64} {
  func.func @_step_body(%arg0: i32, %arg1: memref<2048x128xf32, #tpu.memory_space<vmem>>, %arg2: memref<2x2048x128xf32, #tpu.memory_space<vmem>>, %arg3: memref<2048x128xf32, #tpu.memory_space<vmem>>, %arg4: memref<2048x128xf32, #tpu.memory_space<vmem>>, %arg5: memref<2048x128xf32, #tpu.memory_space<vmem>>, %arg6: memref<128x128xf32, #tpu.memory_space<vmem>>, %arg7: memref<1x128xf32, #tpu.memory_space<vmem>>, %arg8: memref<1x1xf32, #tpu.memory_space<vmem>>, %arg9: memref<2048x128xf32, #tpu.memory_space<vmem>>, %arg10: memref<2048x128xf32, #tpu.memory_space<vmem>>) attributes {dimension_semantics = [#tpu.dimension_semantics<arbitrary>], iteration_bounds = array<i64: 5>, scalar_prefetch = 0 : i64, scratch_operands = 0 : i64, tpu.core_type = #tpu.core_type<tc>, window_params = [{transform_indices = @transform_0, window_bounds = array<i64: 2048, 128>}, {transform_indices = @transform_1, window_bounds = array<i64: 2, 2048, 128>}, {transform_indices = @transform_2, window_bounds = array<i64: 2048, 128>}, {transform_indices = @transform_3, window_bounds = array<i64: 2048, 128>}, {transform_indices = @transform_4, window_bounds = array<i64: 2048, 128>}, {pipeline_mode = #tpu.pipeline_mode<synchronous>, transform_indices = @transform_5, window_bounds = array<i64: 128, 128>}, {pipeline_mode = #tpu.pipeline_mode<synchronous>, transform_indices = @transform_6, window_bounds = array<i64: 1, 128>}, {pipeline_mode = #tpu.pipeline_mode<synchronous>, transform_indices = @transform_7, window_bounds = array<i64: 1, 1>}, {transform_indices = @transform_8, window_bounds = array<i64: 2048, 128>}, {transform_indices = @transform_9, window_bounds = array<i64: 2048, 128>}]} {
    %iota3A = tpu.iota {dimensions = array<i32: 0>} : vector<128x128xi32>
    %jit3A = arith.constant 4 : i32
    %div3A = vector.broadcast %jit3A : i32 to vector<128x128xi32>
    %div3A_0 = arith.divsi %iota3A, %div3A : vector<128x128xi32>
    %sign3A = arith.constant 0 : i32
    %sign3A_1 = vector.broadcast %sign3A : i32 to vector<128x128xi32>
    %sign3A_2 = arith.cmpi sgt, %iota3A, %sign3A_1 : vector<128x128xi32>
    %sign3A_3 = arith.extui %sign3A_2 : vector<128x128xi1> to vector<128x128xi32>
    %sign3A_4 = arith.constant 0 : i32
    %sign3A_5 = vector.broadcast %sign3A_4 : i32 to vector<128x128xi32>
    %sign3A_6 = arith.cmpi slt, %iota3A, %sign3A_5 : vector<128x128xi32>
    %sign3A_7 = arith.extui %sign3A_6 : vector<128x128xi1> to vector<128x128xi32>
    %sign3A_8 = arith.subi %sign3A_3, %sign3A_7 : vector<128x128xi32>
    %sign3A_9 = arith.constant 0 : i32
    %sign3A_10 = arith.cmpi sgt, %jit3A, %sign3A_9 : i32
    %sign3A_11 = arith.extui %sign3A_10 : i1 to i32
    %sign3A_12 = arith.constant 0 : i32
    %sign3A_13 = arith.cmpi slt, %jit3A, %sign3A_12 : i32
    %sign3A_14 = arith.extui %sign3A_13 : i1 to i32
    %sign3A_15 = arith.subi %sign3A_11, %sign3A_14 : i32
    %ne3A = vector.broadcast %sign3A_15 : i32 to vector<128x128xi32>
    %ne3A_16 = arith.cmpi ne, %sign3A_8, %ne3A : vector<128x128xi32>
    %rem3A = vector.broadcast %jit3A : i32 to vector<128x128xi32>
    %rem3A_17 = arith.remsi %iota3A, %rem3A : vector<128x128xi32>
    %ne3A_18 = arith.constant 0 : i32
    %ne3A_19 = vector.broadcast %ne3A_18 : i32 to vector<128x128xi32>
    %ne3A_20 = arith.cmpi ne, %rem3A_17, %ne3A_19 : vector<128x128xi32>
    %and3A = arith.andi %ne3A_16, %ne3A_20 : vector<128x128xi1>
    %sub3A = arith.constant 1 : i32
    %sub3A_21 = vector.broadcast %sub3A : i32 to vector<128x128xi32>
    %sub3A_22 = arith.subi %div3A_0, %sub3A_21 : vector<128x128xi32>
    %select_n3A = arith.select %and3A, %sub3A_22, %div3A_0 : vector<128x128xi1>, vector<128x128xi32>
    %iota3A_23 = tpu.iota {dimensions = array<i32: 1>} : vector<128x128xi32>
    %jit3A_24 = arith.constant 4 : i32
    %div3A_25 = vector.broadcast %jit3A_24 : i32 to vector<128x128xi32>
    %div3A_26 = arith.divsi %iota3A_23, %div3A_25 : vector<128x128xi32>
    %sign3A_27 = arith.constant 0 : i32
    %sign3A_28 = vector.broadcast %sign3A_27 : i32 to vector<128x128xi32>
    %sign3A_29 = arith.cmpi sgt, %iota3A_23, %sign3A_28 : vector<128x128xi32>
    %sign3A_30 = arith.extui %sign3A_29 : vector<128x128xi1> to vector<128x128xi32>
    %sign3A_31 = arith.constant 0 : i32
    %sign3A_32 = vector.broadcast %sign3A_31 : i32 to vector<128x128xi32>
    %sign3A_33 = arith.cmpi slt, %iota3A_23, %sign3A_32 : vector<128x128xi32>
    %sign3A_34 = arith.extui %sign3A_33 : vector<128x128xi1> to vector<128x128xi32>
    %sign3A_35 = arith.subi %sign3A_30, %sign3A_34 : vector<128x128xi32>
    %sign3A_36 = arith.constant 0 : i32
    %sign3A_37 = arith.cmpi sgt, %jit3A_24, %sign3A_36 : i32
    %sign3A_38 = arith.extui %sign3A_37 : i1 to i32
    %sign3A_39 = arith.constant 0 : i32
    %sign3A_40 = arith.cmpi slt, %jit3A_24, %sign3A_39 : i32
    %sign3A_41 = arith.extui %sign3A_40 : i1 to i32
    %sign3A_42 = arith.subi %sign3A_38, %sign3A_41 : i32
    %ne3A_43 = vector.broadcast %sign3A_42 : i32 to vector<128x128xi32>
    %ne3A_44 = arith.cmpi ne, %sign3A_35, %ne3A_43 : vector<128x128xi32>
    %rem3A_45 = vector.broadcast %jit3A_24 : i32 to vector<128x128xi32>
    %rem3A_46 = arith.remsi %iota3A_23, %rem3A_45 : vector<128x128xi32>
    %ne3A_47 = arith.constant 0 : i32
    %ne3A_48 = vector.broadcast %ne3A_47 : i32 to vector<128x128xi32>
    %ne3A_49 = arith.cmpi ne, %rem3A_46, %ne3A_48 : vector<128x128xi32>
    %and3A_50 = arith.andi %ne3A_44, %ne3A_49 : vector<128x128xi1>
    %sub3A_51 = arith.constant 1 : i32
    %sub3A_52 = vector.broadcast %sub3A_51 : i32 to vector<128x128xi32>
    %sub3A_53 = arith.subi %div3A_26, %sub3A_52 : vector<128x128xi32>
    %select_n3A_54 = arith.select %and3A_50, %sub3A_53, %div3A_26 : vector<128x128xi1>, vector<128x128xi32>
    %eq3A = arith.cmpi eq, %select_n3A, %select_n3A_54 : vector<128x128xi32>
    %convert_element_type3A = arith.extui %eq3A : vector<128x128xi1> to vector<128x128xi32>
    %convert_element_type3A_55 = arith.sitofp %convert_element_type3A : vector<128x128xi32> to vector<128x128xf32>
    %get3A = arith.constant 0 : index
    %get3A_56 = arith.constant 0 : index
    %get3A_57 = vector.load %arg1[%get3A, %get3A_56] : memref<2048x128xf32, #tpu.memory_space<vmem>>, vector<2048x128xf32>
    %get3A_58 = arith.constant 0 : index
    %get3A_59 = arith.constant 0 : index
    %get3A_60 = vector.load %arg4[%get3A_58, %get3A_59] : memref<2048x128xf32, #tpu.memory_space<vmem>>, vector<2048x128xf32>
    %get3A_61 = arith.constant 0 : index
    %get3A_62 = arith.constant 0 : index
    %get3A_63 = arith.constant 0 : index
    %get3A_64 = vector.load %arg2[%get3A_61, %get3A_62, %get3A_63] : memref<2x2048x128xf32, #tpu.memory_space<vmem>>, vector<1x2048x128xf32>
    %get3A_65 = vector.shape_cast %get3A_64 : vector<1x2048x128xf32> to vector<2048x128xf32>
    %get3A_66 = arith.constant 1 : index
    %get3A_67 = arith.constant 0 : index
    %get3A_68 = arith.constant 0 : index
    %get3A_69 = vector.load %arg2[%get3A_66, %get3A_67, %get3A_68] : memref<2x2048x128xf32, #tpu.memory_space<vmem>>, vector<1x2048x128xf32>
    %get3A_70 = vector.shape_cast %get3A_69 : vector<1x2048x128xf32> to vector<2048x128xf32>
    %add3A = arith.addf %get3A_65, %get3A_70 : vector<2048x128xf32>
    %get3A_71 = arith.constant 0 : index
    %get3A_72 = arith.constant 0 : index
    %get3A_73 = vector.load %arg3[%get3A_71, %get3A_72] : memref<2048x128xf32, #tpu.memory_space<vmem>>, vector<2048x128xf32>
    %add3A_74 = arith.addf %add3A, %get3A_73 : vector<2048x128xf32>
    %mul3A = arith.mulf %get3A_60, %add3A_74 : vector<2048x128xf32>
    %get3A_75 = arith.constant 0 : index
    %get3A_76 = arith.constant 0 : index
    %get3A_77 = vector.load %arg7[%get3A_75, %get3A_76] : memref<1x128xf32, #tpu.memory_space<vmem>>, vector<1x128xf32>
    %add3A_78 = vector.broadcast %get3A_77 : vector<1x128xf32> to vector<2048x128xf32>
    %add3A_79 = arith.addf %mul3A, %add3A_78 : vector<2048x128xf32>
    %get3A_80 = arith.constant 0 : index
    %get3A_81 = arith.constant 0 : index
    %get3A_82 = vector.load %arg5[%get3A_80, %get3A_81] : memref<2048x128xf32, #tpu.memory_space<vmem>>, vector<2048x128xf32>
    %add3A_83 = arith.addf %add3A_79, %get3A_82 : vector<2048x128xf32>
    %mul3A_84 = arith.mulf %get3A_57, %add3A_83 : vector<2048x128xf32>
    %dot_general3A = arith.constant dense<0.000000e+00> : vector<2048x128xf32>
    %dot_general3A_85 = tpu.matmul %mul3A_84, %convert_element_type3A_55, %dot_general3A {dimension_numbers = #tpu.dot_dimension_numbers<[1], [0], [0], [1], [0, 0, 1, 1], [], []>, precision = #tpu.contract_precision<fp32>, transpose_lhs_hint = false} : vector<2048x128xf32>, vector<128x128xf32>, vector<2048x128xf32> -> vector<2048x128xf32>
    %mul3A_86 = arith.mulf %dot_general3A_85, %get3A_57 : vector<2048x128xf32>
    %sub3A_87 = arith.subf %add3A_83, %mul3A_86 : vector<2048x128xf32>
    %get3A_88 = arith.constant 0 : index
    %get3A_89 = arith.constant 0 : index
    %get3A_90 = vector.load %arg8[%get3A_88, %get3A_89] : memref<1x1xf32, #tpu.memory_space<vmem>>, vector<1x1xf32>
    %mul3A_91 = vector.broadcast %get3A_90 : vector<1x1xf32> to vector<2048x128xf32>
    %mul3A_92 = arith.mulf %mul3A_91, %sub3A_87 : vector<2048x128xf32>
    %add3A_93 = arith.addf %get3A_57, %mul3A_92 : vector<2048x128xf32>
    %mul3A_94 = arith.mulf %add3A_93, %add3A_93 : vector<2048x128xf32>
    %dot_general3A_95 = arith.constant dense<0.000000e+00> : vector<2048x128xf32>
    %dot_general3A_96 = tpu.matmul %mul3A_94, %convert_element_type3A_55, %dot_general3A_95 {dimension_numbers = #tpu.dot_dimension_numbers<[1], [0], [0], [1], [0, 0, 1, 1], [], []>, precision = #tpu.contract_precision<fp32>, transpose_lhs_hint = false} : vector<2048x128xf32>, vector<128x128xf32>, vector<2048x128xf32> -> vector<2048x128xf32>
    %jit3A_97 = arith.constant 9.99999997E-7 : f32
    %max3A = vector.broadcast %jit3A_97 : f32 to vector<2048x128xf32>
    %max3A_98 = arith.maximumf %max3A, %dot_general3A_96 : vector<2048x128xf32>
    %rsqrt3A = math.rsqrt %max3A_98 : vector<2048x128xf32>
    %mul3A_99 = arith.mulf %add3A_93, %rsqrt3A : vector<2048x128xf32>
    %swap3A = arith.constant 0 : index
    %swap3A_100 = arith.constant 0 : index
    %swap3A_101 = vector.load %arg9[%swap3A, %swap3A_100] : memref<2048x128xf32, #tpu.memory_space<vmem>>, vector<2048x128xf32>
    tpu.vector_store %arg9[%swap3A, %swap3A_100], %mul3A_99 {strides = array<i32>} : memref<2048x128xf32, #tpu.memory_space<vmem>>, vector<2048x128xf32>,
    %get3A_102 = arith.constant 0 : index
    %get3A_103 = arith.constant 0 : index
    %get3A_104 = vector.load %arg6[%get3A_102, %get3A_103] : memref<128x128xf32, #tpu.memory_space<vmem>>, vector<128x128xf32>
    %dot_general3A_105 = arith.constant dense<0.000000e+00> : vector<2048x128xf32>
    %dot_general3A_106 = tpu.matmul %mul3A_99, %get3A_104, %dot_general3A_105 {dimension_numbers = #tpu.dot_dimension_numbers<[1], [0], [0], [1], [0, 0, 1, 1], [], []>, transpose_lhs_hint = false} : vector<2048x128xf32>, vector<128x128xf32>, vector<2048x128xf32> -> vector<2048x128xf32>
    %mul3A_107 = arith.mulf %dot_general3A_106, %get3A_60 : vector<2048x128xf32>
    %swap3A_108 = arith.constant 0 : index
    %swap3A_109 = arith.constant 0 : index
    %swap3A_110 = vector.load %arg10[%swap3A_108, %swap3A_109] : memref<2048x128xf32, #tpu.memory_space<vmem>>, vector<2048x128xf32>
    tpu.vector_store %arg10[%swap3A_108, %swap3A_109], %mul3A_107 {strides = array<i32>} : memref<2048x128xf32, #tpu.memory_space<vmem>>, vector<2048x128xf32>,
    return
  }
  func.func @transform_0(%arg0: i32) -> (i32, i32) {
    %c0_i32 = arith.constant 0 : i32
    %c0_i32_0 = arith.constant 0 : i32
    return %arg0, %c0_i32 : i32, i32
  }
  func.func @transform_1(%arg0: i32) -> (i32, i32, i32) {
    %c0_i32 = arith.constant 0 : i32
    %c0_i32_0 = arith.constant 0 : i32
    %c0_i32_1 = arith.constant 0 : i32
    return %c0_i32, %arg0, %c0_i32_0 : i32, i32, i32
  }
  func.func @transform_2(%arg0: i32) -> (i32, i32) {
    %c0_i32 = arith.constant 0 : i32
    %c0_i32_0 = arith.constant 0 : i32
    return %arg0, %c0_i32 : i32, i32
  }
  func.func @transform_3(%arg0: i32) -> (i32, i32) {
    %c0_i32 = arith.constant 0 : i32
    %c0_i32_0 = arith.constant 0 : i32
    return %arg0, %c0_i32 : i32, i32
  }
  func.func @transform_4(%arg0: i32) -> (i32, i32) {
    %c0_i32 = arith.constant 0 : i32
    %c0_i32_0 = arith.constant 0 : i32
    return %arg0, %c0_i32 : i32, i32
  }
  func.func @transform_5(%arg0: i32) -> (i32, i32) {
    %c0_i32 = arith.constant 0 : i32
    %c0_i32_0 = arith.constant 0 : i32
    %c0_i32_1 = arith.constant 0 : i32
    return %c0_i32, %c0_i32_0 : i32, i32
  }
  func.func @transform_6(%arg0: i32) -> (i32, i32) {
    %c0_i32 = arith.constant 0 : i32
    %c0_i32_0 = arith.constant 0 : i32
    %c0_i32_1 = arith.constant 0 : i32
    return %c0_i32, %c0_i32_0 : i32, i32
  }
  func.func @transform_7(%arg0: i32) -> (i32, i32) {
    %c0_i32 = arith.constant 0 : i32
    %c0_i32_0 = arith.constant 0 : i32
    %c0_i32_1 = arith.constant 0 : i32
    return %c0_i32, %c0_i32_0 : i32, i32
  }
  func.func @transform_8(%arg0: i32) -> (i32, i32) {
    %c0_i32 = arith.constant 0 : i32
    %c0_i32_0 = arith.constant 0 : i32
    return %arg0, %c0_i32 : i32, i32
  }
  func.func @transform_9(%arg0: i32) -> (i32, i32) {
    %c0_i32 = arith.constant 0 : i32
    %c0_i32_0 = arith.constant 0 : i32
    return %arg0, %c0_i32 : i32, i32
  }
}

</mosaic_0001>

<sc_bundles>
// kernel: body.8.cloned.1.call-start
scs
__scs_entry_jumppad:
0x0: {  	(pc) =	sbr.rel $0x88, $3  }
0x1: {  	(tag) =	ssettag $0x0;
	lr =	simm.s32 $0x1  }
0x2: {  	[smem:$0x3F98] =	sst lr;
	_ =	strace $0xD0000000  }
0x3: {  	_ = 	snop  }
0x4: {  	_ = 	snop  }
0x5: {  	_ = 	snop  }
0x6: {  	_ = 	snop  }
0x7: {  	_ = 	snop  }
__scs_overlays_trampoline_lowered:
0x8: {  	[smem:$0x3FA7] =	sst s0  }
0x9: {  	[smem:$0x3FA8] =	sst s1  }
0xa: {  	[smem:$0x3FA9] =	sst s2  }
0xb: {  	[smem:$0x3FAA] =	sst s3  }
0xc: {  	[smem:$0x3FAB] =	sst s4  }
0xd: {  	[smem:$0x3FAC] =	sst s5  }
0xe: {  	[smem:$0x3FAD] =	sst s6  }
0xf: {  	[smem:$0x3FAE] =	sst s7  }
0x10: {  	[smem:$0x3FAF] =	sst s8  }
0x11: {  	[smem:$0x3FB0] =	sst s9;
	s0 =	simm.s32 @!p0 $0x0  }
0x12: {  	s1 =	sld [smem:$0x3F96];
	s0 =	simm.s32 @p0 $0x1  }
0x13: {  	[smem:$0x3FB1] =	sst s0;
	s0 =	simm.s32 @!p1 $0x0  }
0x14: {  	s2 =	sld [smem:$0x3F95];
	s0 =	simm.s32 @p1 $0x1  }
0x15: {  	[smem:$0x3FB2] =	sst s0;
	s0 =	simm.s32 @!p2 $0x0  }
0x16: {  	s3 =	sld [smem:$0x3FDB];
	s0 =	simm.s32 @p2 $0x1  }
0x17: {  	s4 =	simm.s32 $0x1BF5;
	[smem:$0x3FB4] =	sst s0  }
0x18: {  	s0 =	sld [smem:$0x3F97];
	_ =	swait.ge [sflag:s4], $0x0  }
0x19: {  	s7 =	sld [smem:$0x3F98]  }
0x1a: {  	s8 =	sadd.s32 $0xFFFFE003, lr  }
0x1b: {  	s9 =	sadd.s32 $0xFFFFFEF7, lr;
	s5 =	simm.s32 $0xFFFFFFFF;
	p2 =	slt.u32 s8, $0xFFFFF086  }
0x1c: {  	p1 =	slt.u32 s9, $0xF7A;
	s5 =	simm.s32 @!p2 $0x0  }
0x1d: {  	s5 =	simm.s32 @p1 $0x1;
	p0 =	seq.s32 s7, s2  }
0x1e: {  	s7 =	smul.u32 @!p0 $0xF7A, s2;
	p2 =	seq.s32 @!p0 s5, $0x0  }
0x1f: {  	s9 =	smul.u32 $0xF7A, s1;
	s8 =	simm.s32 @!p0 $0x1BF5;
	p2 =	por !p2, p0  }
0x20: {  	[sflag:s8] =	ssyncset.s32 @!p0 $0xFFFFF086;
	s6 =	sadd.s32 @!p0 s3, s7;
	s7 =	simm.s32 @!p0 $0x108  }
0x21: {  	s3 =	sadd.s32 s3, s9;
	s6 =	sadd.s32 @!p0 $0x88, s6;
	s7 =	simm.s32 @p2 $0x1082  }
0x22: {  	[simem:s7], [sflag:s8] =	dma.local @!p0 [hbm:s6], $0xF7A  }
0x23: {  	s9 =	sor.u32 $0xD0000000, s2;
	s6 =	simm.s32 $0x108;
	_ =	swait.ge @!p0 [sflag:s8], $0x0  }
0x24: {  	s3 =	sadd.s32 $0x88, s3;
	s6 =	simm.s32 @!p1 $0x1082;
	[sflag:s4] =	ssyncset.s32 $0xFFFFF086  }
0x25: {  	[simem:s6], [sflag:s4] =	dma.local [hbm:s3], $0xF7A  }
0x26: {  	[smem:$0x3F98] =	sst s1;
	(tag) =	ssettag s2;
	_ =	strace s9  }
0x27: {  	s1 =	sld [smem:$0x3FA8]  }
0x28: {  	s2 =	sld [smem:$0x3FA9]  }
0x29: {  	s4 =	sld [smem:$0x3FAB]  }
0x2a: {  	p0 =	seq.s32 s5, $0x0;
	s5 =	sld [smem:$0x3FAC]  }
0x2b: {  	s6 =	sld [smem:$0x3FAD]  }
0x2c: {  	s7 =	sld [smem:$0x3FAE]  }
0x2d: {  	s3 =	simm.s32 $0x108;
	s8 =	sld [smem:$0x3FAF]  }
0x2e: {  	s3 =	simm.s32 @!p0 $0x1082;
	s9 =	sld [smem:$0x3FB0]  }
0x2f: {  	lr =	sadd.s32 s0, s3;
	s0 =	sld [smem:$0x3FA7]  }
0x30: {  	s3 =	sld [smem:$0x3FAA]  }
0x31: {  	[smem:$0x3FB3] =	sst s10  }
0x32: {  	s10 =	sld [smem:$0x3FB1];
	_ =	sdelay $0x3  }
0x33: {  	p0 =	seq.s32 s10, $0x1;
	s10 =	sld [smem:$0x3FB3];
	_ =	sdelay $0x3  }
0x34: {  	[smem:$0x3FB3] =	sst s10  }
0x35: {  	s10 =	sld [smem:$0x3FB2];
	_ =	sdelay $0x3  }
0x36: {  	p1 =	seq.s32 s10, $0x1;
	s10 =	sld [smem:$0x3FB3];
	_ =	sdelay $0x3  }
0x37: {  	[smem:$0x3FB3] =	sst s10  }
0x38: {  	s10 =	sld [smem:$0x3FB4]  }
0x39: {  	_ = 	snop;
	(pc) =	sbr.ind lr, $3  }
0x3a: {  	_ = 	snop  }
0x3b: {  	_ = 	snop  }
0x3c: {  	p2 =	seq.s32 s10, $0x1;
	s10 =	sld [smem:$0x3FB3]  }
0x3d: {  	_ =	shalt  }
0x3e: {  	_ =	shalt  }
0x3f: {  	_ =	shalt  }
0x40: {  	_ =	shalt  }
0x41: {  	_ =	shalt  }
0x42: {  	_ =	shalt  }
0x43: {  	_ =	shalt  }
0x44: {  	_ =	shalt  }
0x45: {  	_ =	shalt  }
0x46: {  	_ =	shalt  }
0x47: {  	_ =	shalt  }
0x48: {  	_ =	shalt  }
0x49: {  	_ =	shalt  }
0x4a: {  	_ =	shalt  }
0x4b: {  	_ =	shalt  }
0x4c: {  	_ =	shalt  }
0x4d: {  	_ =	shalt  }
0x4e: {  	_ =	shalt  }
0x4f: {  	_ =	shalt  }
0x50: {  	_ =	shalt  }
0x51: {  	_ =	shalt  }
0x52: {  	_ =	shalt  }
0x53: {  	_ =	shalt  }
0x54: {  	_ =	shalt  }
0x55: {  	_ =	shalt  }
0x56: {  	_ =	shalt  }
0x57: {  	_ =	shalt  }
0x58: {  	_ =	shalt  }
0x59: {  	_ =	shalt  }
0x5a: {  	_ =	shalt  }
0x5b: {  	_ =	shalt  }
0x5c: {  	_ =	shalt  }
0x5d: {  	_ =	shalt  }
0x5e: {  	_ =	shalt  }
0x5f: {  	_ =	shalt  }
0x60: {  	_ =	shalt  }
0x61: {  	_ =	shalt  }
0x62: {  	_ =	shalt  }
0x63: {  	_ =	shalt  }
0x64: {  	_ =	shalt  }
0x65: {  	_ =	shalt  }
0x66: {  	_ =	shalt  }
0x67: {  	_ =	shalt  }
0x68: {  	_ =	shalt  }
0x69: {  	_ =	shalt  }
0x6a: {  	_ =	shalt  }
0x6b: {  	_ =	shalt  }
0x6c: {  	_ =	shalt  }
0x6d: {  	_ =	shalt  }
0x6e: {  	_ =	shalt  }
0x6f: {  	_ =	shalt  }
0x70: {  	_ =	shalt  }
0x71: {  	_ =	shalt  }
0x72: {  	_ =	shalt  }
0x73: {  	_ =	shalt  }
0x74: {  	_ =	shalt  }
0x75: {  	_ =	shalt  }
0x76: {  	_ =	shalt  }
0x77: {  	_ =	shalt  }
0x78: {  	_ =	shalt  }
0x79: {  	_ =	shalt  }
0x7a: {  	_ =	shalt  }
0x7b: {  	_ =	shalt  }
0x7c: {  	_ =	shalt  }
0x7d: {  	_ =	shalt  }
0x7e: {  	_ =	shalt  }
0x7f: {  	_ =	shalt  }
0x80: {  	_ =	shalt  }
0x81: {  	_ =	shalt  }
0x82: {  	_ =	shalt  }
0x83: {  	_ =	shalt  }
0x84: {  	_ =	shalt  }
0x85: {  	_ =	shalt  }
0x86: {  	_ =	shalt  }
0x87: {  	_ =	shalt  }
.Lfunc_end0:
.L_simem_size_0:
called_computation_lowered:
.L_overlay_start_0:
0x88: {  	s2 =	sld [smem:$0x3FD9]  }
0x89: {  	s3 =	sld [smem:$0x3FFE];
	_ =	sdelay $0x1  }
0x8a: {  	s1 =	srdreg.scid  }
0x8b: {  	s0 =	sand.u32 $0x1, s1  }
0x8c: {  	s17 =	sshll.u32 s0, $0xA;
	s2 =	sadd.s32 s3, s2  }
0x8d: {  	s2 =	sadd.s32 s2, s17  }
0x8e: {  	[smem:$0x3FBF] =	sst s2  }
0x8f: {  	_ = 	snop  }
0x90: {  	s2 =	sld [smem:$0x3FD0];
	(tm) =	ssettm $0x1  }
0x91: {  	s18 =	sld [smem:$0x3FFB];
	_ =	sdelay $0x3  }
0x92: {  	_ =	strace s18  }
0x93: {  	s3 =	sld [smem:$0x3FFC];
	_ =	sdelay $0x3  }
0x94: {  	_ =	strace s3  }
0x95: {  	s3 =	sld [smem:$0x3FFD];
	_ =	sdelay $0x3  }
0x96: {  	_ =	strace s3  }
0x97: {  	_ =	strace $0x8FFFFFFF  }
0x98: {  	s19 =	sld [smem:$0x3FDB];
	_ =	sdelay $0x1  }
0x99: {  	s4 =	simm.s32 $_scs_section_size  }
0x9a: {  	s5 =	simm.s32 $_size__tile_overlayer_lowered;
	s6 =	simm.s32 $_tile_overlayer_lowered  }
0x9b: {  	s22 =	simm.s32 $0x1BFF;
	s21 =	sshll.u32 s6, $0x1;
	s3 =	sadd.s32 s4, s19  }
0x9c: {  	s7 =	simm.s32 $0x0;
	s20 =	sshll.u32 s5, $0x1;
	s5 =	sadd.s32 s21, s3  }
0x9d: {  	[timem:s7], [sflag:s22] =	dma.local [hbm:s5], s20  }
0x9e: {  	_ =	swait.ge [sflag:s22], s20  }
0x9f: {  	s4 =	ssub.s32 $0x0, s20;
	[sflag:s22] =	ssyncset.done $0x0  }
0xa0: {  	[sflag:s22] =	ssyncadd.s32 s4;
	_ =	sdelay $0x1  }
0xa1: {  	s23 =	simm.s32 $0x1B8B  }
0xa2: {  	_ =	swait.ge [sflag:s23], $0x1  }
0xa3: {  	[sflag:s23] =	ssyncset.done $0x0  }
0xa4: {  	s25 =	simm.s32 $0x1B8E;
	s24 =	sld [smem:$0x3FFE];
	[sflag:s23] =	ssyncadd.s32 $0xFFFFFFFF  }
0xa5: {  	s26 =	simm.s32 $execute0_lowered;
	[smem:$0x3FD2] =	sst s25  }
0xa6: {  	s5 =	sshll.u32 s26, $0x1;
	_ =	strace $0x80000049;
	[dreg:$0x1] =	wrdreg $0xFFFFFFFF  }
0xa7: {  	s28 =	simm.s32 $_size_execute0_lowered;
	s3 =	sadd.s32 s3, s5;
	[dreg:$0x0] =	wrdreg $0x0  }
0xa8: {  	s5 =	sshll.u32 s28, $0x1;
	[dreg:$0x2] =	wrdreg s3  }
0xa9: {  	[dreg:$0x3] =	wrdreg s5  }
0xaa: {  	[dreg:$0x4] =	wrdreg $0xC0  }
0xab: {  	_ =	task [dreg:s7], $0x5FFFF  }
0xac: {  	[dreg:$0x1] =	wrdreg $0xFFFFFFFF  }
0xad: {  	[dreg:$0x0] =	wrdreg $0x60  }
0xae: {  	[dreg:$0x2] =	wrdreg s24  }
0xaf: {  	[dreg:$0x3] =	wrdreg s2  }
0xb0: {  	[dreg:$0x4] =	wrdreg $0xBF800  }
0xb1: {  	[dreg:$0x5] =	wrdreg $0x9  }
0xb2: {  	_ =	task.clear_ibuf [dreg:s7], $0x6FFFF;
	_ =	strace $0x90000049  }
0xb3: {  	s29 =	simm.s32 $0x9;
	_ =	strace $0x8000004B  }
0xb4: {  	_ =	swait.ge [sflag:s29], $0x1  }
0xb5: {  	[sflag:s29] =	ssyncadd.s32 $0xFFFFFFFF  }
0xb6: {  	_ =	strace $0x9000004B  }
0xb7: {  	_ =	sfence  }
0xb8: {  	s30 =	sld [smem:$0x0];
	_ =	sdelay $0x2  }
0xb9: {  	s31 =	sshll.u32 s1, $0xD;
	s1 =	sshrl.u32 s1, $0x2  }
0xba: {  	s3 =	sand.u32 $0x4000, s31;
	s1 =	sadd.s32 s1, s30  }
0xbb: {  	s0 =	sor.u32 s3, s0;
	s1 =	sshll.u32 s1, $0x11  }
0xbc: {  	s0 =	sor.u32 s1, s0  }
0xbd: {  	s0 =	sadd.s32 $0x8F2B, s0  }
0xbe: {  	[sflag:s0] =	ssyncadd.remote.s32 $0x1  }
0xbf: {  	_ =	sfence.sel $0xFFFF  }
0xc0: {  	[dreg:$0x0] =	wrdreg $0xFFFFFFFF;
	(pc) =	sbr.abs _section_cstart, $3  }
0xc1: {  	[dreg:$0x1] =	wrdreg $0xFFFFFFFF  }
0xc2: {  	_ =	task.clear_ibuf [dreg:s7], $0x2FFFF;
	_ =	strace $0x9FFFFFFF  }
0xc3: {  	(tm) =	ssettm $0x7FFFFFFF  }
tec
execute0_lowered:
.L_overlay_start_1:
0x0: {  	(tag) =	ssettag $0x1  }
0x1: {  	s5 =	rddreg [dreg:$0x0]  }
0x2: {  	s6 =	rddreg [dreg:$0x1]  }
0x3: {  	s1 =	rddreg [dreg:$0x2]  }
0x4: {  	s2 =	srdreg.scid;
	s0 =	rddreg [dreg:$0x3]  }
0x5: {  	s8 =	stileid.u32;
	s3 =	simm.s32 $0x3C80;
	s12 =	simm.s32 $0x3D80  }
0x6: {  	s13 =	simm.s32 $0x3F80;
	s14 =	simm.s32 $0x3E00;
	s15 =	simm.s32 $0x7F80  }
0x7: {  	s16 =	simm.s32 $0x1;
	s17 =	simm.s32 $0x3E80;
	s18 =	simm.s32 $0x2  }
0x8: {  	s19 =	simm.s32 $0x3F00;
	s20 =	simm.s32 $0x3;
	s7 =	sand.u32 $0x1, s2  }
0x9: {  	s21 =	simm.s32 $0x4;
	s22 =	simm.s32 $0x0;
	p0 =	seq.s32 s7, $0x0  }
0xa: {  	s2 =	simm.s32 $0x0;
	s9 =	smul.u32 $0x3C800, s7;
	s3 =	simm.s32 @!p0 $0x1280  }
0xb: {  	s4 =	sadd.s32 $0x7BA00, s5;
	[smem:$0x7FF] =	sst s2;
	s10 =	smul.u32 s8, s3  }
0xc: {  	s11 =	smul.u32 $0x28000, s7;
	s7 =	ssub.s32 $0x2, s7;
	_ =	strace $0x8000004A  }
0xd: {  	s30 =	sshrl.u32 s7, $0x1;
	s3 =	sadd.s32 $0x53000, s5;
	s9 =	sadd.s32 s9, s10  }
0xe: {  	s29 =	sadd.s32 s11, s5;
	s31 =	ssub.s32 s7, s30;
	s9 =	sshrl.u32 s9, $0x3  }
0xf: {  	s11 =	simm.s32 $0x80;
	s5 =	sadd.s32 s6, s9;
	s6 =	simm.s32 $0x3C  }
0x10: {  	s7 =	sadd.s32 $0xA3A00, s29;
	s6 =	simm.s32 @!p0 $0x12;
	p0 =	sne.s32 s8, $0x0  }
0x11: {  	s10 =	simm.s32 $0x5;
	s8 =	smax.u32 s31, $0x1;
	s9 =	sshrl.u32 @!p0 s1, $0x3  }
.LBB2_1:
0x12: {  	s24 =	simm.s32 @!p0 $0x1C05;
	s23 =	simm.s32 @!p0 $0x5  }
0x13: {  	[spmem:s9], [sflag:s24] =	dma.local @!p0 [hbm:s4], $0x28000  }
0x14: {  	_ =	swait.ge @!p0 [sflag:s23], $0x28000  }
0x15: {  	[sflag:s23] =	ssyncset.done @!p0 $0x0  }
0x16: {  	[sflag:s23] =	ssyncadd.s32 @!p0 $0xFFFD8000  }
0x17: {  	[tilespmem:s2], [sflag:$0x5] =	stream.linear.gather [hbm4b:s5+s2], $0x3D80, $0x38;
	[tilespmem:$0x1FF80] =	vst v63  }
0x18: {  	_ =	swait.ge [sflag:s10], $0x3D80  }
0x19: {  	[sflag:s10] =	ssyncset.done $0x0  }
0x1a: {  	[sflag:s10] =	ssyncadd.s32 $0xFFFFC280  }
0x1b: {  	[bflag:$0x0] =	sbarrier.arrive $0xFFFF  }
0x1c: {  	v0 =	vld [tilespmem:$0x0];
	_ =	sdelay $0x1  }
0x1d: {  	v1 =	vld [tilespmem:$0x10];
	_ =	sdelay $0x1  }
0x1e: {  	v2 =	vld [tilespmem:$0x20]  }
0x1f: {  	v3 =	vshrl.u32 v0, $0xE  }
0x20: {  	v6 =	vld [tilespmem:$0x30];
	v0 =	vand.u32 $0x3FFF, v0;
	[tilespmem:$0x3D80] =	vst v3  }
0x21: {  	v7 =	vshrl.u32 v1, $0xE;
	[tilespmem:$0x3E80] =	vst v0  }
0x22: {  	v9 =	vld [tilespmem:$0x40];
	v8 =	vand.u32 $0x3FFF, v1;
	[tilespmem:$0x3D90] =	vst v7  }
0x23: {  	v10 =	vshrl.u32 v2, $0xE;
	[tilespmem:$0x3E90] =	vst v8  }
0x24: {  	v12 =	vld [tilespmem:$0x50];
	v11 =	vand.u32 $0x3FFF, v2;
	[tilespmem:$0x3DA0] =	vst v10  }
0x25: {  	v13 =	vshrl.u32 v6, $0xE;
	[tilespmem:$0x3EA0] =	vst v11  }
0x26: {  	v15 =	vld [tilespmem:$0x60];
	v14 =	vand.u32 $0x3FFF, v6;
	[tilespmem:$0x3DB0] =	vst v13  }
0x27: {  	v16 =	vshrl.u32 v9, $0xE;
	[tilespmem:$0x3EB0] =	vst v14  }
0x28: {  	v18 =	vld [tilespmem:$0x70];
	v17 =	vand.u32 $0x3FFF, v9;
	[tilespmem:$0x3DC0] =	vst v16  }
0x29: {  	v19 =	vshrl.u32 v12, $0xE;
	[tilespmem:$0x3EC0] =	vst v17  }
0x2a: {  	v20 =	vand.u32 $0x3FFF, v12;
	[tilespmem:$0x3DD0] =	vst v19  }
0x2b: {  	v21 =	vshrl.u32 v15, $0xE;
	[tilespmem:$0x3ED0] =	vst v20  }
0x2c: {  	v22 =	vand.u32 $0x3FFF, v15;
	[tilespmem:$0x3DE0] =	vst v21  }
0x2d: {  	v23 =	vshrl.u32 v18, $0xE;
	[tilespmem:$0x3EE0] =	vst v22  }
0x2e: {  	v24 =	vand.u32 $0x3FFF, v18;
	[tilespmem:$0x3DF0] =	vst v23  }
0x2f: {  	[tilespmem:$0x3EF0] =	vst v24  }
0x30: {  	[tilespmem:s13], [sflag:$0x1] =	stream.indirect.gather [hbm4b:s3+s11], $0x80, s12, s11, $0xb8;
	[tilespmem:$0x1FF80] =	vst v63  }
0x31: {  	v25 =	vld [tilespmem:$0x80];
	_ =	sdelay $0x1  }
0x32: {  	v26 =	vld [tilespmem:$0x90];
	_ =	sdelay $0x1  }
0x33: {  	v27 =	vld [tilespmem:$0xA0]  }
0x34: {  	v28 =	vshrl.u32 v25, $0xE  }
0x35: {  	v29 =	vld [tilespmem:$0xB0];
	v0 =	vand.u32 $0x3FFF, v25;
	[tilespmem:$0x3E00] =	vst v28  }
0x36: {  	v30 =	vshrl.u32 v26, $0xE;
	[tilespmem:$0x3F00] =	vst v0  }
0x37: {  	v32 =	vld [tilespmem:$0xC0];
	v31 =	vand.u32 $0x3FFF, v26;
	[tilespmem:$0x3E10] =	vst v30  }
0x38: {  	v33 =	vshrl.u32 v27, $0xE;
	[tilespmem:$0x3F10] =	vst v31  }
0x39: {  	v35 =	vld [tilespmem:$0xD0];
	v34 =	vand.u32 $0x3FFF, v27;
	[tilespmem:$0x3E20] =	vst v33  }
0x3a: {  	v36 =	vshrl.u32 v29, $0xE;
	[tilespmem:$0x3F20] =	vst v34  }
0x3b: {  	v38 =	vld [tilespmem:$0xE0];
	v37 =	vand.u32 $0x3FFF, v29;
	[tilespmem:$0x3E30] =	vst v36  }
0x3c: {  	v39 =	vshrl.u32 v32, $0xE;
	[tilespmem:$0x3F30] =	vst v37  }
0x3d: {  	v41 =	vld [tilespmem:$0xF0];
	v40 =	vand.u32 $0x3FFF, v32;
	[tilespmem:$0x3E40] =	vst v39  }
0x3e: {  	v42 =	vshrl.u32 v35, $0xE;
	[tilespmem:$0x3F40] =	vst v40  }
0x3f: {  	v43 =	vand.u32 $0x3FFF, v35;
	[tilespmem:$0x3E50] =	vst v42  }
0x40: {  	v44 =	vshrl.u32 v38, $0xE;
	[tilespmem:$0x3F50] =	vst v43  }
0x41: {  	v45 =	vand.u32 $0x3FFF, v38;
	[tilespmem:$0x3E60] =	vst v44  }
0x42: {  	v46 =	vshrl.u32 v41, $0xE;
	[tilespmem:$0x3F60] =	vst v45  }
0x43: {  	v47 =	vand.u32 $0x3FFF, v41;
	[tilespmem:$0x3E70] =	vst v46  }
0x44: {  	[tilespmem:$0x3F70] =	vst v47  }
0x45: {  	[tilespmem:s15], [sflag:$0x2] =	stream.indirect.gather [hbm4b:s3+s11], $0x80, s14, s11, $0xb8;
	[tilespmem:$0x1FF80] =	vst v63  }
0x46: {  	_ =	swait.ge [sflag:s16], $0x4000  }
0x47: {  	[sflag:s16] =	ssyncset.done $0x0  }
0x48: {  	[sflag:s16] =	ssyncadd.s32 $0xFFFFC000  }
0x49: {  	[spmem:s1] =	stream.indirect.scatter.add.f32 [tilespmem:s13], [sflag:$0x3], $0x80, s17, s11, $0xb8;
	[tilespmem:$0x1FF80] =	vst v63  }
0x4a: {  	_ =	swait.ge [sflag:s18], $0x4000  }
0x4b: {  	[sflag:s18] =	ssyncset.done $0x0  }
0x4c: {  	[sflag:s18] =	ssyncadd.s32 $0xFFFFC000  }
0x4d: {  	[spmem:s1] =	stream.indirect.scatter.add.f32 [tilespmem:s15], [sflag:$0x4], $0x80, s19, s11, $0xb8;
	[tilespmem:$0x1FF80] =	vst v63  }
0x4e: {  	_ =	swait.ge [sflag:s20], $0x4000  }
0x4f: {  	[sflag:s20] =	ssyncset.done $0x0  }
0x50: {  	s25 =	simm.s32 $0x1F0;
	[sflag:s20] =	ssyncadd.s32 $0xFFFFC000  }
0x51: {  	v48 =	vld [tilespmem:s25+$0xFFFFFF10];
	_ =	sdelay $0x4  }
0x52: {  	v49 =	vshrl.u32 v48, $0xE  }
0x53: {  	v0 =	vand.u32 $0x3FFF, v48;
	[tilespmem:$0x3D80] =	vst v49  }
0x54: {  	[tilespmem:$0x3E80] =	vst v0  }
0x55: {  	v0 =	vld [tilespmem:s25+$0xFFFFFF20];
	_ =	sdelay $0x4  }
0x56: {  	v50 =	vshrl.u32 v0, $0xE  }
0x57: {  	v0 =	vand.u32 $0x3FFF, v0;
	[tilespmem:$0x3D90] =	vst v50  }
0x58: {  	[tilespmem:$0x3E90] =	vst v0  }
0x59: {  	v0 =	vld [tilespmem:s25+$0xFFFFFF30];
	_ =	sdelay $0x4  }
0x5a: {  	v51 =	vshrl.u32 v0, $0xE  }
0x5b: {  	v0 =	vand.u32 $0x3FFF, v0;
	[tilespmem:$0x3DA0] =	vst v51  }
0x5c: {  	[tilespmem:$0x3EA0] =	vst v0  }
0x5d: {  	v0 =	vld [tilespmem:s25+$0xFFFFFF40];
	_ =	sdelay $0x4  }
0x5e: {  	v52 =	vshrl.u32 v0, $0xE  }
0x5f: {  	v0 =	vand.u32 $0x3FFF, v0;
	[tilespmem:$0x3DB0] =	vst v52  }
0x60: {  	[tilespmem:$0x3EB0] =	vst v0  }
0x61: {  	v0 =	vld [tilespmem:s25+$0xFFFFFF50];
	_ =	sdelay $0x4  }
0x62: {  	v53 =	vshrl.u32 v0, $0xE  }
0x63: {  	v0 =	vand.u32 $0x3FFF, v0;
	[tilespmem:$0x3DC0] =	vst v53  }
0x64: {  	[tilespmem:$0x3EC0] =	vst v0  }
0x65: {  	v0 =	vld [tilespmem:s25+$0xFFFFFF60];
	_ =	sdelay $0x4  }
0x66: {  	v54 =	vshrl.u32 v0, $0xE  }
0x67: {  	v0 =	vand.u32 $0x3FFF, v0;
	[tilespmem:$0x3DD0] =	vst v54  }
0x68: {  	[tilespmem:$0x3ED0] =	vst v0  }
0x69: {  	v0 =	vld [tilespmem:s25+$0xFFFFFF70];
	_ =	sdelay $0x4  }
0x6a: {  	v55 =	vshrl.u32 v0, $0xE  }
0x6b: {  	v0 =	vand.u32 $0x3FFF, v0;
	[tilespmem:$0x3DE0] =	vst v55  }
0x6c: {  	[tilespmem:$0x3EE0] =	vst v0  }
0x6d: {  	v0 =	vld [tilespmem:s25+$0xFFFFFF80];
	_ =	sdelay $0x4  }
0x6e: {  	v56 =	vshrl.u32 v0, $0xE  }
0x6f: {  	v0 =	vand.u32 $0x3FFF, v0;
	[tilespmem:$0x3DF0] =	vst v56  }
0x70: {  	[tilespmem:$0x3EF0] =	vst v0  }
0x71: {  	[tilespmem:s13], [sflag:$0x1] =	stream.indirect.gather [hbm4b:s3+s11], $0x80, s12, s11, $0xb8;
	[tilespmem:$0x1FF80] =	vst v63  }
0x72: {  	_ =	swait.ge [sflag:s16], $0x4000  }
0x73: {  	[sflag:s16] =	ssyncset.done $0x0  }
0x74: {  	[sflag:s16] =	ssyncadd.s32 $0xFFFFC000  }
0x75: {  	[spmem:s1] =	stream.indirect.scatter.add.f32 [tilespmem:s13], [sflag:$0x3], $0x80, s17, s11, $0xb8;
	[tilespmem:$0x1FF80] =	vst v63  }
0x76: {  	_ =	swait.ge [sflag:s21], $0x4000  }
0x77: {  	[sflag:s21] =	ssyncset.done $0x0  }
0x78: {  	[sflag:s21] =	ssyncadd.s32 $0xFFFFC000  }
0x79: {  	v57 =	vld [tilespmem:s25+$0xFFFFFF90];
	_ =	sdelay $0x4  }
0x7a: {  	v58 =	vshrl.u32 v57, $0xE  }
0x7b: {  	v0 =	vand.u32 $0x3FFF, v57;
	[tilespmem:$0x3E00] =	vst v58  }
0x7c: {  	[tilespmem:$0x3F00] =	vst v0  }
0x7d: {  	v0 =	vld [tilespmem:s25+$0xFFFFFFA0];
	_ =	sdelay $0x4  }
0x7e: {  	v59 =	vshrl.u32 v0, $0xE  }
0x7f: {  	v0 =	vand.u32 $0x3FFF, v0;
	[tilespmem:$0x3E10] =	vst v59  }
0x80: {  	[tilespmem:$0x3F10] =	vst v0  }
0x81: {  	v0 =	vld [tilespmem:s25+$0xFFFFFFB0];
	_ =	sdelay $0x4  }
0x82: {  	v60 =	vshrl.u32 v0, $0xE  }
0x83: {  	v0 =	vand.u32 $0x3FFF, v0;
	[tilespmem:$0x3E20] =	vst v60  }
0x84: {  	[tilespmem:$0x3F20] =	vst v0  }
0x85: {  	v0 =	vld [tilespmem:s25+$0xFFFFFFC0];
	_ =	sdelay $0x4  }
0x86: {  	v61 =	vshrl.u32 v0, $0xE  }
0x87: {  	v0 =	vand.u32 $0x3FFF, v0;
	[tilespmem:$0x3E30] =	vst v61  }
0x88: {  	[tilespmem:$0x3F30] =	vst v0  }
0x89: {  	v0 =	vld [tilespmem:s25+$0xFFFFFFD0];
	_ =	sdelay $0x4  }
0x8a: {  	v62 =	vshrl.u32 v0, $0xE  }
0x8b: {  	v0 =	vand.u32 $0x3FFF, v0;
	[tilespmem:$0x3E40] =	vst v62  }
0x8c: {  	[tilespmem:$0x3F40] =	vst v0  }
0x8d: {  	v0 =	vld [tilespmem:s25+$0xFFFFFFE0];
	_ =	sdelay $0x1  }
0x8e: {  	p1 =	sne.s32 s6, $0x1  }
.Ltmp0:
0x8f: {  	_ = 	snop;
	(pc) =	sbr.rel @!p1 .LBB2_3-.Ltmp0, $4  }
0x90: {  	_ = 	snop  }
0x91: {  	v63 =	vshrl.u32 v0, $0xE  }
0x92: {  	v0 =	vand.u32 $0x3FFF, v0;
	[tilespmem:$0x3E50] =	vst v63  }
0x93: {  	s26 =	sadd.s32 $0xFFFFFFFF, s6;
	s28 =	simm.s32 $0x1F0;
	[tilespmem:$0x3F50] =	vst v0  }
.LBB2_2:
0x94: {  	p1 =	sne.s32 s26, $0x1;
	s26 =	sadd.s32 $0xFFFFFFFF, s26;
	v0 =	vld [tilespmem:s25+$0xFFFFFFF0];
	s28 =	sadd.s32 $0x100, s28  }
0x95: {  	_ =	sdelay $0x3  }
0x96: {  	v1 =	vshrl.u32 v0, $0xE;
	v0 =	vand.u32 $0x3FFF, v0  }
0x97: {  	[tilespmem:$0x3E60] =	vst v1  }
0x98: {  	[tilespmem:$0x3F60] =	vst v0  }
0x99: {  	v0 =	vld [tilespmem:s25+$0x0];
	s25 =	smov.u32 s28;
	_ =	sdelay $0x4  }
0x9a: {  	v1 =	vshrl.u32 v0, $0xE;
	v0 =	vand.u32 $0x3FFF, v0  }
0x9b: {  	[tilespmem:$0x3E70] =	vst v1  }
0x9c: {  	[tilespmem:$0x3F70] =	vst v0  }
0x9d: {  	[tilespmem:s15], [sflag:$0x2] =	stream.indirect.gather [hbm4b:s3+s11], $0x80, s14, s11, $0xb8;
	[tilespmem:$0x1FF80] =	vst v63  }
0x9e: {  	_ =	swait.ge [sflag:s18], $0x4000  }
0x9f: {  	[sflag:s18] =	ssyncset.done $0x0  }
0xa0: {  	[sflag:s18] =	ssyncadd.s32 $0xFFFFC000  }
0xa1: {  	[spmem:s1] =	stream.indirect.scatter.add.f32 [tilespmem:s15], [sflag:$0x4], $0x80, s19, s11, $0xb8;
	[tilespmem:$0x1FF80] =	vst v63  }
0xa2: {  	_ =	swait.ge [sflag:s20], $0x4000  }
0xa3: {  	[sflag:s20] =	ssyncset.done $0x0  }
0xa4: {  	[sflag:s20] =	ssyncadd.s32 $0xFFFFC000  }
0xa5: {  	v0 =	vld [tilespmem:s28+$0xFFFFFF10];
	_ =	sdelay $0x4  }
0xa6: {  	v1 =	vshrl.u32 v0, $0xE;
	v0 =	vand.u32 $0x3FFF, v0  }
0xa7: {  	[tilespmem:$0x3D80] =	vst v1  }
0xa8: {  	[tilespmem:$0x3E80] =	vst v0  }
0xa9: {  	v0 =	vld [tilespmem:s28+$0xFFFFFF20];
	_ =	sdelay $0x4  }
0xaa: {  	v1 =	vshrl.u32 v0, $0xE;
	v0 =	vand.u32 $0x3FFF, v0  }
0xab: {  	[tilespmem:$0x3D90] =	vst v1  }
0xac: {  	[tilespmem:$0x3E90] =	vst v0  }
0xad: {  	v0 =	vld [tilespmem:s28+$0xFFFFFF30];
	_ =	sdelay $0x4  }
0xae: {  	v1 =	vshrl.u32 v0, $0xE;
	v0 =	vand.u32 $0x3FFF, v0  }
0xaf: {  	[tilespmem:$0x3DA0] =	vst v1  }
0xb0: {  	[tilespmem:$0x3EA0] =	vst v0  }
0xb1: {  	v0 =	vld [tilespmem:s28+$0xFFFFFF40];
	_ =	sdelay $0x4  }
0xb2: {  	v1 =	vshrl.u32 v0, $0xE;
	v0 =	vand.u32 $0x3FFF, v0  }
0xb3: {  	[tilespmem:$0x3DB0] =	vst v1  }
0xb4: {  	[tilespmem:$0x3EB0] =	vst v0  }
0xb5: {  	v0 =	vld [tilespmem:s28+$0xFFFFFF50];
	_ =	sdelay $0x4  }
0xb6: {  	v1 =	vshrl.u32 v0, $0xE;
	v0 =	vand.u32 $0x3FFF, v0  }
0xb7: {  	[tilespmem:$0x3DC0] =	vst v1  }
0xb8: {  	[tilespmem:$0x3EC0] =	vst v0  }
0xb9: {  	v0 =	vld [tilespmem:s28+$0xFFFFFF60];
	_ =	sdelay $0x4  }
0xba: {  	v1 =	vshrl.u32 v0, $0xE;
	v0 =	vand.u32 $0x3FFF, v0  }
0xbb: {  	[tilespmem:$0x3DD0] =	vst v1  }
0xbc: {  	[tilespmem:$0x3ED0] =	vst v0  }
0xbd: {  	v0 =	vld [tilespmem:s28+$0xFFFFFF70];
	_ =	sdelay $0x4  }
0xbe: {  	v1 =	vshrl.u32 v0, $0xE;
	v0 =	vand.u32 $0x3FFF, v0  }
0xbf: {  	[tilespmem:$0x3DE0] =	vst v1  }
0xc0: {  	[tilespmem:$0x3EE0] =	vst v0  }
0xc1: {  	v0 =	vld [tilespmem:s28+$0xFFFFFF80];
	_ =	sdelay $0x4  }
0xc2: {  	v1 =	vshrl.u32 v0, $0xE;
	v0 =	vand.u32 $0x3FFF, v0  }
0xc3: {  	[tilespmem:$0x3DF0] =	vst v1  }
0xc4: {  	[tilespmem:$0x3EF0] =	vst v0  }
0xc5: {  	[tilespmem:s13], [sflag:$0x1] =	stream.indirect.gather [hbm4b:s3+s11], $0x80, s12, s11, $0xb8;
	[tilespmem:$0x1FF80] =	vst v63  }
0xc6: {  	_ =	swait.ge [sflag:s16], $0x4000  }
0xc7: {  	[sflag:s16] =	ssyncset.done $0x0  }
0xc8: {  	[sflag:s16] =	ssyncadd.s32 $0xFFFFC000  }
0xc9: {  	[spmem:s1] =	stream.indirect.scatter.add.f32 [tilespmem:s13], [sflag:$0x3], $0x80, s17, s11, $0xb8;
	[tilespmem:$0x1FF80] =	vst v63  }
0xca: {  	_ =	swait.ge [sflag:s21], $0x4000  }
0xcb: {  	[sflag:s21] =	ssyncset.done $0x0  }
0xcc: {  	[sflag:s21] =	ssyncadd.s32 $0xFFFFC000  }
0xcd: {  	v0 =	vld [tilespmem:s28+$0xFFFFFF90];
	_ =	sdelay $0x4  }
0xce: {  	v1 =	vshrl.u32 v0, $0xE;
	v0 =	vand.u32 $0x3FFF, v0  }
0xcf: {  	[tilespmem:$0x3E00] =	vst v1  }
0xd0: {  	[tilespmem:$0x3F00] =	vst v0  }
0xd1: {  	v0 =	vld [tilespmem:s28+$0xFFFFFFA0];
	_ =	sdelay $0x4  }
0xd2: {  	v1 =	vshrl.u32 v0, $0xE;
	v0 =	vand.u32 $0x3FFF, v0  }
0xd3: {  	[tilespmem:$0x3E10] =	vst v1  }
0xd4: {  	[tilespmem:$0x3F10] =	vst v0  }
0xd5: {  	v0 =	vld [tilespmem:s28+$0xFFFFFFB0];
	_ =	sdelay $0x4  }
0xd6: {  	v1 =	vshrl.u32 v0, $0xE;
	v0 =	vand.u32 $0x3FFF, v0  }
0xd7: {  	[tilespmem:$0x3E20] =	vst v1  }
0xd8: {  	[tilespmem:$0x3F20] =	vst v0  }
0xd9: {  	v0 =	vld [tilespmem:s28+$0xFFFFFFC0];
	_ =	sdelay $0x4  }
0xda: {  	v1 =	vshrl.u32 v0, $0xE;
	v0 =	vand.u32 $0x3FFF, v0  }
0xdb: {  	[tilespmem:$0x3E30] =	vst v1  }
0xdc: {  	[tilespmem:$0x3F30] =	vst v0  }
0xdd: {  	v0 =	vld [tilespmem:s28+$0xFFFFFFD0];
	_ =	sdelay $0x4  }
0xde: {  	v1 =	vshrl.u32 v0, $0xE;
	v0 =	vand.u32 $0x3FFF, v0  }
0xdf: {  	[tilespmem:$0x3E40] =	vst v1  }
0xe0: {  	[tilespmem:$0x3F40] =	vst v0  }
0xe1: {  	v0 =	vld [tilespmem:s28+$0xFFFFFFE0];
	_ =	sdelay $0x2  }
.Ltmp1:
0xe2: {  	(pc) =	sbr.rel @p1 .LBB2_2-.Ltmp1, $4  }
0xe3: {  	_ = 	snop  }
0xe4: {  	v1 =	vshrl.u32 v0, $0xE;
	v0 =	vand.u32 $0x3FFF, v0  }
0xe5: {  	[tilespmem:$0x3E50] =	vst v1  }
0xe6: {  	[tilespmem:$0x3F50] =	vst v0  }
.LBB2_3:
0xe7: {  	v0 =	vld [tilespmem:s25+$0xFFFFFFF0];
	_ =	sdelay $0x4  }
0xe8: {  	v1 =	vshrl.u32 v0, $0xE  }
0xe9: {  	v0 =	vand.u32 $0x3FFF, v0;
	[tilespmem:$0x3E60] =	vst v1  }
0xea: {  	[tilespmem:$0x3F60] =	vst v0  }
0xeb: {  	v0 =	vld [tilespmem:s25+$0x0];
	_ =	sdelay $0x4  }
0xec: {  	v63 =	vshrl.u32 v0, $0xE  }
0xed: {  	v0 =	vand.u32 $0x3FFF, v0;
	[tilespmem:$0x3E70] =	vst v63  }
0xee: {  	[tilespmem:$0x3F70] =	vst v0  }
0xef: {  	[tilespmem:s15], [sflag:$0x2] =	stream.indirect.gather [hbm4b:s3+s11], $0x80, s14, s11, $0xb8;
	[tilespmem:$0x1FF80] =	vst v63  }
0xf0: {  	_ =	swait.ge [sflag:s18], $0x4000  }
0xf1: {  	[sflag:s18] =	ssyncset.done $0x0  }
0xf2: {  	[sflag:s18] =	ssyncadd.s32 $0xFFFFC000  }
0xf3: {  	_ =	swait.ge [sflag:s20], $0x4000  }
0xf4: {  	s22 =	sadd.s32 $0x1, s22;
	[sflag:s20] =	ssyncset.done $0x0  }
0xf5: {  	p1 =	sne.s32 s22, s8;
	[sflag:s20] =	ssyncadd.s32 $0xFFFFC000  }
.Ltmp2:
0xf6: {  	[bflag:$0x0] =	sbarrier.arrive $0xFFFF;
	(pc) =	sbr.rel @p1 .LBB2_1-.Ltmp2, $4  }
0xf7: {  	[hbm:s7], [sflag:s24] =	dma.local @!p0 [spmem:s9], $0x28000  }
0xf8: {  	_ =	swait.ge @!p0 [sflag:s23], $0x28000  }
0xf9: {  	[sflag:s23] =	ssyncset.done @!p0 $0x0  }
0xfa: {  	[sflag:s23] =	ssyncadd.s32 @!p0 $0xFFFD8000  }
0xfb: {  	_ =	sfence.sel $0x180000  }
0xfc: {  	[bflag:$0x0] =	sbarrier.arrive $0xFFFF  }
0xfd: {  	_ =	strace $0x9000004A  }
0xfe: {  	s0 =	sadd.s32 @!p0 $0x100000, s0;
	[bflag:$0x2] =	sbarrier.arrive $0xFFFF  }
0xff: {  	[sflag:s0] =	ssyncadd.tile.s32 @!p0 $0x1;
	_ =	shalt  }
.Lfunc_end2:
_tile_overlayer_lowered:
.L_overlay_start_2:
0x100: {  	(tag) =	ssettag $0x2  }
0x101: {  	s0 =	rddreg [dreg:$0x0];
	s2 =	stileid.u32  }
0x102: {  	s1 =	rddreg [dreg:$0x1];
	p0 =	sne.s32 s2, $0x0  }
0x103: {  	s3 =	rddreg [dreg:$0x2];
	[bflag:$0x3] =	sbarrier.arrive $0xFFFF;
	s2 =	simm.s32 @!p0 $0x1C05  }
0x104: {  	[timem:s3], [sflag:s2] =	dma.local @!p0 [hbm:s0], s1  }
0x105: {  	s0 =	simm.s32 @!p0 $0x5  }
0x106: {  	_ =	swait.ge @!p0 [sflag:s0], s1  }
0x107: {  	s1 =	ssub.s32 @!p0 $0x0, s1;
	[sflag:s0] =	ssyncset.done @!p0 $0x0  }
0x108: {  	[sflag:s0] =	ssyncadd.s32 @!p0 s1  }
0x109: {  	[bflag:$0x3] =	sbarrier.arrive $0xFFFF  }
0x10a: {  	_ =	shalt  }

// kernel: kernel.5.cloned.1.call-start
scs
__scs_entry_jumppad:
0x0: {  	(pc) =	sbr.rel $0x88, $3  }
0x1: {  	(tag) =	ssettag $0x0;
	lr =	simm.s32 $0x1  }
0x2: {  	[smem:$0x3F98] =	sst lr;
	_ =	strace $0xD0000000  }
0x3: {  	_ = 	snop  }
0x4: {  	_ = 	snop  }
0x5: {  	_ = 	snop  }
0x6: {  	_ = 	snop  }
0x7: {  	_ = 	snop  }
__scs_overlays_trampoline_lowered:
0x8: {  	[smem:$0x3FA7] =	sst s0  }
0x9: {  	[smem:$0x3FA8] =	sst s1  }
0xa: {  	[smem:$0x3FA9] =	sst s2  }
0xb: {  	[smem:$0x3FAA] =	sst s3  }
0xc: {  	[smem:$0x3FAB] =	sst s4  }
0xd: {  	[smem:$0x3FAC] =	sst s5  }
0xe: {  	[smem:$0x3FAD] =	sst s6  }
0xf: {  	[smem:$0x3FAE] =	sst s7  }
0x10: {  	[smem:$0x3FAF] =	sst s8  }
0x11: {  	[smem:$0x3FB0] =	sst s9;
	s0 =	simm.s32 @!p0 $0x0  }
0x12: {  	s1 =	sld [smem:$0x3F96];
	s0 =	simm.s32 @p0 $0x1  }
0x13: {  	[smem:$0x3FB1] =	sst s0;
	s0 =	simm.s32 @!p1 $0x0  }
0x14: {  	s2 =	sld [smem:$0x3F95];
	s0 =	simm.s32 @p1 $0x1  }
0x15: {  	[smem:$0x3FB2] =	sst s0;
	s0 =	simm.s32 @!p2 $0x0  }
0x16: {  	s3 =	sld [smem:$0x3FDB];
	s0 =	simm.s32 @p2 $0x1  }
0x17: {  	s4 =	simm.s32 $0x1BF5;
	[smem:$0x3FB4] =	sst s0  }
0x18: {  	s0 =	sld [smem:$0x3F97];
	_ =	swait.ge [sflag:s4], $0x0  }
0x19: {  	s7 =	sld [smem:$0x3F98]  }
0x1a: {  	s8 =	sadd.s32 $0xFFFFE003, lr  }
0x1b: {  	s9 =	sadd.s32 $0xFFFFFEF7, lr;
	s5 =	simm.s32 $0xFFFFFFFF;
	p2 =	slt.u32 s8, $0xFFFFF086  }
0x1c: {  	p1 =	slt.u32 s9, $0xF7A;
	s5 =	simm.s32 @!p2 $0x0  }
0x1d: {  	s5 =	simm.s32 @p1 $0x1;
	p0 =	seq.s32 s7, s2  }
0x1e: {  	s7 =	smul.u32 @!p0 $0xF7A, s2;
	p2 =	seq.s32 @!p0 s5, $0x0  }
0x1f: {  	s9 =	smul.u32 $0xF7A, s1;
	s8 =	simm.s32 @!p0 $0x1BF5;
	p2 =	por !p2, p0  }
0x20: {  	[sflag:s8] =	ssyncset.s32 @!p0 $0xFFFFF086;
	s6 =	sadd.s32 @!p0 s3, s7;
	s7 =	simm.s32 @!p0 $0x108  }
0x21: {  	s3 =	sadd.s32 s3, s9;
	s6 =	sadd.s32 @!p0 $0x88, s6;
	s7 =	simm.s32 @p2 $0x1082  }
0x22: {  	[simem:s7], [sflag:s8] =	dma.local @!p0 [hbm:s6], $0xF7A  }
0x23: {  	s9 =	sor.u32 $0xD0000000, s2;
	s6 =	simm.s32 $0x108;
	_ =	swait.ge @!p0 [sflag:s8], $0x0  }
0x24: {  	s3 =	sadd.s32 $0x88, s3;
	s6 =	simm.s32 @!p1 $0x1082;
	[sflag:s4] =	ssyncset.s32 $0xFFFFF086  }
0x25: {  	[simem:s6], [sflag:s4] =	dma.local [hbm:s3], $0xF7A  }
0x26: {  	[smem:$0x3F98] =	sst s1;
	(tag) =	ssettag s2;
	_ =	strace s9  }
0x27: {  	s1 =	sld [smem:$0x3FA8]  }
0x28: {  	s2 =	sld [smem:$0x3FA9]  }
0x29: {  	s4 =	sld [smem:$0x3FAB]  }
0x2a: {  	p0 =	seq.s32 s5, $0x0;
	s5 =	sld [smem:$0x3FAC]  }
0x2b: {  	s6 =	sld [smem:$0x3FAD]  }
0x2c: {  	s7 =	sld [smem:$0x3FAE]  }
0x2d: {  	s3 =	simm.s32 $0x108;
	s8 =	sld [smem:$0x3FAF]  }
0x2e: {  	s3 =	simm.s32 @!p0 $0x1082;
	s9 =	sld [smem:$0x3FB0]  }
0x2f: {  	lr =	sadd.s32 s0, s3;
	s0 =	sld [smem:$0x3FA7]  }
0x30: {  	s3 =	sld [smem:$0x3FAA]  }
0x31: {  	[smem:$0x3FB3] =	sst s10  }
0x32: {  	s10 =	sld [smem:$0x3FB1];
	_ =	sdelay $0x3  }
0x33: {  	p0 =	seq.s32 s10, $0x1;
	s10 =	sld [smem:$0x3FB3];
	_ =	sdelay $0x3  }
0x34: {  	[smem:$0x3FB3] =	sst s10  }
0x35: {  	s10 =	sld [smem:$0x3FB2];
	_ =	sdelay $0x3  }
0x36: {  	p1 =	seq.s32 s10, $0x1;
	s10 =	sld [smem:$0x3FB3];
	_ =	sdelay $0x3  }
0x37: {  	[smem:$0x3FB3] =	sst s10  }
0x38: {  	s10 =	sld [smem:$0x3FB4]  }
0x39: {  	_ = 	snop;
	(pc) =	sbr.ind lr, $3  }
0x3a: {  	_ = 	snop  }
0x3b: {  	_ = 	snop  }
0x3c: {  	p2 =	seq.s32 s10, $0x1;
	s10 =	sld [smem:$0x3FB3]  }
0x3d: {  	_ =	shalt  }
0x3e: {  	_ =	shalt  }
0x3f: {  	_ =	shalt  }
0x40: {  	_ =	shalt  }
0x41: {  	_ =	shalt  }
0x42: {  	_ =	shalt  }
0x43: {  	_ =	shalt  }
0x44: {  	_ =	shalt  }
0x45: {  	_ =	shalt  }
0x46: {  	_ =	shalt  }
0x47: {  	_ =	shalt  }
0x48: {  	_ =	shalt  }
0x49: {  	_ =	shalt  }
0x4a: {  	_ =	shalt  }
0x4b: {  	_ =	shalt  }
0x4c: {  	_ =	shalt  }
0x4d: {  	_ =	shalt  }
0x4e: {  	_ =	shalt  }
0x4f: {  	_ =	shalt  }
0x50: {  	_ =	shalt  }
0x51: {  	_ =	shalt  }
0x52: {  	_ =	shalt  }
0x53: {  	_ =	shalt  }
0x54: {  	_ =	shalt  }
0x55: {  	_ =	shalt  }
0x56: {  	_ =	shalt  }
0x57: {  	_ =	shalt  }
0x58: {  	_ =	shalt  }
0x59: {  	_ =	shalt  }
0x5a: {  	_ =	shalt  }
0x5b: {  	_ =	shalt  }
0x5c: {  	_ =	shalt  }
0x5d: {  	_ =	shalt  }
0x5e: {  	_ =	shalt  }
0x5f: {  	_ =	shalt  }
0x60: {  	_ =	shalt  }
0x61: {  	_ =	shalt  }
0x62: {  	_ =	shalt  }
0x63: {  	_ =	shalt  }
0x64: {  	_ =	shalt  }
0x65: {  	_ =	shalt  }
0x66: {  	_ =	shalt  }
0x67: {  	_ =	shalt  }
0x68: {  	_ =	shalt  }
0x69: {  	_ =	shalt  }
0x6a: {  	_ =	shalt  }
0x6b: {  	_ =	shalt  }
0x6c: {  	_ =	shalt  }
0x6d: {  	_ =	shalt  }
0x6e: {  	_ =	shalt  }
0x6f: {  	_ =	shalt  }
0x70: {  	_ =	shalt  }
0x71: {  	_ =	shalt  }
0x72: {  	_ =	shalt  }
0x73: {  	_ =	shalt  }
0x74: {  	_ =	shalt  }
0x75: {  	_ =	shalt  }
0x76: {  	_ =	shalt  }
0x77: {  	_ =	shalt  }
0x78: {  	_ =	shalt  }
0x79: {  	_ =	shalt  }
0x7a: {  	_ =	shalt  }
0x7b: {  	_ =	shalt  }
0x7c: {  	_ =	shalt  }
0x7d: {  	_ =	shalt  }
0x7e: {  	_ =	shalt  }
0x7f: {  	_ =	shalt  }
0x80: {  	_ =	shalt  }
0x81: {  	_ =	shalt  }
0x82: {  	_ =	shalt  }
0x83: {  	_ =	shalt  }
0x84: {  	_ =	shalt  }
0x85: {  	_ =	shalt  }
0x86: {  	_ =	shalt  }
0x87: {  	_ =	shalt  }
.Lfunc_end0:
.L_simem_size_0:
called_computation.1_lowered:
.L_overlay_start_0:
0x88: {  	s2 =	sld [smem:$0x3FD9]  }
0x89: {  	s3 =	sld [smem:$0x3FFE];
	_ =	sdelay $0x1  }
0x8a: {  	s1 =	srdreg.scid  }
0x8b: {  	s0 =	sand.u32 $0x1, s1  }
0x8c: {  	s17 =	sshll.u32 s0, $0xA;
	s2 =	sadd.s32 s3, s2  }
0x8d: {  	s2 =	sadd.s32 s2, s17  }
0x8e: {  	[smem:$0x3FBF] =	sst s2  }
0x8f: {  	_ = 	snop  }
0x90: {  	s2 =	sld [smem:$0x3FD0];
	(tm) =	ssettm $0x1  }
0x91: {  	s18 =	sld [smem:$0x3FFB];
	_ =	sdelay $0x3  }
0x92: {  	_ =	strace s18  }
0x93: {  	s3 =	sld [smem:$0x3FFC];
	_ =	sdelay $0x3  }
0x94: {  	_ =	strace s3  }
0x95: {  	s3 =	sld [smem:$0x3FFD];
	_ =	sdelay $0x3  }
0x96: {  	_ =	strace s3  }
0x97: {  	_ =	strace $0x8FFFFFFF  }
0x98: {  	s19 =	sld [smem:$0x3FDB];
	_ =	sdelay $0x1  }
0x99: {  	s4 =	simm.s32 $_scs_section_size  }
0x9a: {  	s5 =	simm.s32 $_size__tile_overlayer_lowered;
	s6 =	simm.s32 $_tile_overlayer_lowered  }
0x9b: {  	s22 =	simm.s32 $0x1BFF;
	s21 =	sshll.u32 s6, $0x1;
	s3 =	sadd.s32 s4, s19  }
0x9c: {  	s7 =	simm.s32 $0x0;
	s20 =	sshll.u32 s5, $0x1;
	s5 =	sadd.s32 s21, s3  }
0x9d: {  	[timem:s7], [sflag:s22] =	dma.local [hbm:s5], s20  }
0x9e: {  	_ =	swait.ge [sflag:s22], s20  }
0x9f: {  	s4 =	ssub.s32 $0x0, s20;
	[sflag:s22] =	ssyncset.done $0x0  }
0xa0: {  	[sflag:s22] =	ssyncadd.s32 s4;
	_ =	sdelay $0x1  }
0xa1: {  	s23 =	simm.s32 $0x1B8B  }
0xa2: {  	_ =	swait.ge [sflag:s23], $0x1  }
0xa3: {  	[sflag:s23] =	ssyncset.done $0x0  }
0xa4: {  	s25 =	simm.s32 $0x1B8E;
	s24 =	sld [smem:$0x3FFE];
	[sflag:s23] =	ssyncadd.s32 $0xFFFFFFFF  }
0xa5: {  	s26 =	simm.s32 $execute0_lowered;
	[smem:$0x3FD2] =	sst s25  }
0xa6: {  	s5 =	sshll.u32 s26, $0x1;
	_ =	strace $0x80000046;
	[dreg:$0x1] =	wrdreg $0xFFFFFFFF  }
0xa7: {  	s28 =	simm.s32 $_size_execute0_lowered;
	s3 =	sadd.s32 s3, s5;
	[dreg:$0x0] =	wrdreg $0x0  }
0xa8: {  	s5 =	sshll.u32 s28, $0x1;
	[dreg:$0x2] =	wrdreg s3  }
0xa9: {  	[dreg:$0x3] =	wrdreg s5  }
0xaa: {  	[dreg:$0x4] =	wrdreg $0xC0  }
0xab: {  	_ =	task [dreg:s7], $0x5FFFF  }
0xac: {  	[dreg:$0x1] =	wrdreg $0xFFFFFFFF  }
0xad: {  	[dreg:$0x0] =	wrdreg $0x60  }
0xae: {  	[dreg:$0x2] =	wrdreg s24  }
0xaf: {  	[dreg:$0x3] =	wrdreg s2  }
0xb0: {  	[dreg:$0x4] =	wrdreg $0x7E800  }
0xb1: {  	[dreg:$0x5] =	wrdreg $0x9  }
0xb2: {  	_ =	task.clear_ibuf [dreg:s7], $0x6FFFF;
	_ =	strace $0x90000046  }
0xb3: {  	s29 =	simm.s32 $0x9;
	_ =	strace $0x80000048  }
0xb4: {  	_ =	swait.ge [sflag:s29], $0x1  }
0xb5: {  	[sflag:s29] =	ssyncadd.s32 $0xFFFFFFFF  }
0xb6: {  	_ =	strace $0x90000048  }
0xb7: {  	_ =	sfence  }
0xb8: {  	s30 =	sld [smem:$0x0];
	_ =	sdelay $0x2  }
0xb9: {  	s31 =	sshll.u32 s1, $0xD;
	s1 =	sshrl.u32 s1, $0x2  }
0xba: {  	s3 =	sand.u32 $0x4000, s31;
	s1 =	sadd.s32 s1, s30  }
0xbb: {  	s0 =	sor.u32 s3, s0;
	s1 =	sshll.u32 s1, $0x11  }
0xbc: {  	s0 =	sor.u32 s1, s0  }
0xbd: {  	s0 =	sadd.s32 $0x8F2B, s0  }
0xbe: {  	[sflag:s0] =	ssyncadd.remote.s32 $0x1  }
0xbf: {  	_ =	sfence.sel $0xFFFF  }
0xc0: {  	[dreg:$0x0] =	wrdreg $0xFFFFFFFF;
	(pc) =	sbr.abs _section_cstart, $3  }
0xc1: {  	[dreg:$0x1] =	wrdreg $0xFFFFFFFF  }
0xc2: {  	_ =	task.clear_ibuf [dreg:s7], $0x2FFFF;
	_ =	strace $0x9FFFFFFF  }
0xc3: {  	(tm) =	ssettm $0x7FFFFFFF  }
tec
execute0_lowered:
.L_overlay_start_1:
0x0: {  	(tag) =	ssettag $0x1  }
0x1: {  	s5 =	rddreg [dreg:$0x0]  }
0x2: {  	s6 =	rddreg [dreg:$0x1]  }
0x3: {  	s1 =	rddreg [dreg:$0x2]  }
0x4: {  	s3 =	srdreg.scid;
	s0 =	rddreg [dreg:$0x3];
	s2 =	simm.s32 $0x0  }
0x5: {  	s10 =	stileid.u32;
	s9 =	simm.s32 $0x3C80;
	s13 =	simm.s32 $0x80  }
0x6: {  	s14 =	simm.s32 $0x3D80;
	s15 =	simm.s32 $0x3E00;
	s16 =	simm.s32 $0x1  }
0x7: {  	s17 =	simm.s32 $0x2;
	s18 =	simm.s32 $0x0;
	s7 =	sand.u32 $0x1, s3  }
0x8: {  	[smem:$0x7FF] =	sst s2;
	s3 =	sadd.s32 $0x2B000, s5;
	s4 =	sadd.s32 $0x3000, s5  }
0x9: {  	s8 =	smul.u32 $0x28000, s7;
	p0 =	seq.s32 s7, $0x0;
	_ =	strace $0x80000047  }
0xa: {  	s11 =	smul.u32 $0x3C800, s7;
	s28 =	ssub.s32 $0x2, s7;
	s7 =	simm.s32 $0x79  }
0xb: {  	s9 =	simm.s32 @!p0 $0x1280;
	s12 =	sshrl.u32 s28, $0x1;
	s7 =	simm.s32 @!p0 $0x25  }
0xc: {  	p0 =	sne.s32 s10, $0x0;
	s9 =	smul.u32 s10, s9;
	s8 =	sadd.s32 s8, s5  }
0xd: {  	s29 =	ssub.s32 s28, s12;
	s31 =	sadd.s32 $0xFFFFFFFD, s7;
	s7 =	sshll.u32 s7, $0x7  }
0xe: {  	s10 =	sshrl.u32 @!p0 s1, $0x3;
	s12 =	simm.s32 $0x3E80;
	s9 =	sadd.s32 s11, s9  }
0xf: {  	s8 =	sadd.s32 $0x2B800, s8;
	s11 =	simm.s32 $0x3;
	s30 =	sshrl.u32 s9, $0x3  }
0x10: {  	s9 =	smax.u32 s29, $0x1;
	s5 =	sadd.s32 s6, s30;
	s6 =	sshrl.u32 s31, $0x1  }
.LBB2_1:
0x11: {  	s20 =	simm.s32 @!p0 $0x1C03;
	s19 =	simm.s32 @!p0 $0x3  }
0x12: {  	[spmem:s10], [sflag:s20] =	dma.local @!p0 [hbm:s4], $0x28000  }
0x13: {  	_ =	swait.ge @!p0 [sflag:s19], $0x28000  }
0x14: {  	[sflag:s19] =	ssyncset.done @!p0 $0x0  }
0x15: {  	[sflag:s19] =	ssyncadd.s32 @!p0 $0xFFFD8000  }
0x16: {  	[tilespmem:s2], [sflag:$0x3] =	stream.linear.gather [hbm4b:s5+s2], $0x3D80, $0x38;
	[tilespmem:$0x1BE80] =	vst v63  }
0x17: {  	_ =	swait.ge [sflag:s11], $0x3D80  }
0x18: {  	[sflag:s11] =	ssyncset.done $0x0  }
0x19: {  	[sflag:s11] =	ssyncadd.s32 $0xFFFFC280  }
0x1a: {  	[tilespmem:s12], [sflag:$0x3] =	stream.linear.gather [hbm4b:s3+s2], $0x4000, $0x38;
	[tilespmem:$0x1BE80] =	vst v63  }
0x1b: {  	_ =	swait.ge [sflag:s11], $0x4000  }
0x1c: {  	[sflag:s11] =	ssyncset.done $0x0  }
0x1d: {  	[sflag:s11] =	ssyncadd.s32 $0xFFFFC000  }
0x1e: {  	[bflag:$0x0] =	sbarrier.arrive $0xFFFF  }
0x1f: {  	v0 =	vld [tilespmem:$0x0]  }
0x20: {  	v1 =	vld [tilespmem:$0x10]  }
0x21: {  	v2 =	vld [tilespmem:$0x20]  }
0x22: {  	v3 =	vld [tilespmem:$0x30]  }
0x23: {  	v4 =	vld [tilespmem:$0x40]  }
0x24: {  	v5 =	vld [tilespmem:$0x50];
	v0 =	vand.u32 $0x3FFF, v0  }
0x25: {  	v39 =	vld [tilespmem:$0x60];
	v38 =	vand.u32 $0x3FFF, v1;
	[tilespmem:$0x3D80] =	vst v0  }
0x26: {  	v41 =	vld [tilespmem:$0x70];
	v40 =	vand.u32 $0x3FFF, v2;
	[tilespmem:$0x3D90] =	vst v38  }
0x27: {  	v42 =	vand.u32 $0x3FFF, v3;
	[tilespmem:$0x3DA0] =	vst v40  }
0x28: {  	v43 =	vand.u32 $0x3FFF, v4;
	[tilespmem:$0x3DB0] =	vst v42  }
0x29: {  	v44 =	vand.u32 $0x3FFF, v5;
	[tilespmem:$0x3DC0] =	vst v43  }
0x2a: {  	v45 =	vand.u32 $0x3FFF, v39;
	[tilespmem:$0x3DD0] =	vst v44  }
0x2b: {  	v46 =	vand.u32 $0x3FFF, v41;
	[tilespmem:$0x3DE0] =	vst v45  }
0x2c: {  	[tilespmem:$0x3DF0] =	vst v46  }
0x2d: {  	[spmem:s1] =	stream.indirect.scatter.add.f32 [tilespmem:s12], [sflag:$0x1], $0x80, s14, s13, $0xb8;
	[tilespmem:$0x1BE80] =	vst v63  }
0x2e: {  	v47 =	vld [tilespmem:$0x80]  }
0x2f: {  	v48 =	vld [tilespmem:$0x90]  }
0x30: {  	v49 =	vld [tilespmem:$0xA0]  }
0x31: {  	v50 =	vld [tilespmem:$0xB0]  }
0x32: {  	v51 =	vld [tilespmem:$0xC0]  }
0x33: {  	v52 =	vld [tilespmem:$0xD0];
	v0 =	vand.u32 $0x3FFF, v47  }
0x34: {  	v54 =	vld [tilespmem:$0xE0];
	v53 =	vand.u32 $0x3FFF, v48;
	[tilespmem:$0x3E00] =	vst v0  }
0x35: {  	v56 =	vld [tilespmem:$0xF0];
	v55 =	vand.u32 $0x3FFF, v49;
	[tilespmem:$0x3E10] =	vst v53  }
0x36: {  	v57 =	vand.u32 $0x3FFF, v50;
	[tilespmem:$0x3E20] =	vst v55  }
0x37: {  	v58 =	vand.u32 $0x3FFF, v51;
	[tilespmem:$0x3E30] =	vst v57  }
0x38: {  	v59 =	vand.u32 $0x3FFF, v52;
	[tilespmem:$0x3E40] =	vst v58  }
0x39: {  	v60 =	vand.u32 $0x3FFF, v54;
	[tilespmem:$0x3E50] =	vst v59  }
0x3a: {  	v61 =	vand.u32 $0x3FFF, v56;
	[tilespmem:$0x3E60] =	vst v60  }
0x3b: {  	[tilespmem:$0x3E70] =	vst v61  }
0x3c: {  	[spmem:s1] =	stream.indirect.scatter.add.f32 [tilespmem:s12], [sflag:$0x2], $0x80, s15, s13, $0xb8;
	[tilespmem:$0x1BE80] =	vst v63  }
0x3d: {  	_ =	swait.ge [sflag:s16], $0x4000  }
0x3e: {  	[sflag:s16] =	ssyncset.done $0x0  }
0x3f: {  	s21 =	simm.s32 $0x1F0;
	[sflag:s16] =	ssyncadd.s32 $0xFFFFC000  }
0x40: {  	v62 =	vld [tilespmem:s21+$0xFFFFFF10];
	_ =	sdelay $0x4  }
0x41: {  	v0 =	vand.u32 $0x3FFF, v62  }
0x42: {  	[tilespmem:$0x3D80] =	vst v0  }
0x43: {  	v0 =	vld [tilespmem:s21+$0xFFFFFF20];
	_ =	sdelay $0x4  }
0x44: {  	v0 =	vand.u32 $0x3FFF, v0  }
0x45: {  	[tilespmem:$0x3D90] =	vst v0  }
0x46: {  	v0 =	vld [tilespmem:s21+$0xFFFFFF30];
	_ =	sdelay $0x4  }
0x47: {  	v0 =	vand.u32 $0x3FFF, v0  }
0x48: {  	[tilespmem:$0x3DA0] =	vst v0  }
0x49: {  	v0 =	vld [tilespmem:s21+$0xFFFFFF40];
	_ =	sdelay $0x4  }
0x4a: {  	v0 =	vand.u32 $0x3FFF, v0  }
0x4b: {  	[tilespmem:$0x3DB0] =	vst v0  }
0x4c: {  	v0 =	vld [tilespmem:s21+$0xFFFFFF50];
	_ =	sdelay $0x4  }
0x4d: {  	v0 =	vand.u32 $0x3FFF, v0  }
0x4e: {  	[tilespmem:$0x3DC0] =	vst v0  }
0x4f: {  	v0 =	vld [tilespmem:s21+$0xFFFFFF60];
	_ =	sdelay $0x4  }
0x50: {  	v0 =	vand.u32 $0x3FFF, v0  }
0x51: {  	[tilespmem:$0x3DD0] =	vst v0  }
0x52: {  	v0 =	vld [tilespmem:s21+$0xFFFFFF70];
	_ =	sdelay $0x4  }
0x53: {  	v0 =	vand.u32 $0x3FFF, v0  }
0x54: {  	[tilespmem:$0x3DE0] =	vst v0  }
0x55: {  	v0 =	vld [tilespmem:s21+$0xFFFFFF80];
	_ =	sdelay $0x4  }
0x56: {  	v0 =	vand.u32 $0x3FFF, v0  }
0x57: {  	[tilespmem:$0x3DF0] =	vst v0  }
0x58: {  	[spmem:s1] =	stream.indirect.scatter.add.f32 [tilespmem:s12], [sflag:$0x1], $0x80, s14, s13, $0xb8;
	[tilespmem:$0x1BE80] =	vst v63  }
0x59: {  	_ =	swait.ge [sflag:s17], $0x4000  }
0x5a: {  	[sflag:s17] =	ssyncset.done $0x0  }
0x5b: {  	[sflag:s17] =	ssyncadd.s32 $0xFFFFC000  }
0x5c: {  	v63 =	vld [tilespmem:s21+$0xFFFFFF90];
	_ =	sdelay $0x4  }
0x5d: {  	v0 =	vand.u32 $0x3FFF, v63  }
0x5e: {  	[tilespmem:$0x3E00] =	vst v0  }
0x5f: {  	v0 =	vld [tilespmem:s21+$0xFFFFFFA0];
	_ =	sdelay $0x4  }
0x60: {  	v0 =	vand.u32 $0x3FFF, v0  }
0x61: {  	[tilespmem:$0x3E10] =	vst v0  }
0x62: {  	v0 =	vld [tilespmem:s21+$0xFFFFFFB0];
	_ =	sdelay $0x4  }
0x63: {  	v0 =	vand.u32 $0x3FFF, v0  }
0x64: {  	[tilespmem:$0x3E20] =	vst v0  }
0x65: {  	v0 =	vld [tilespmem:s21+$0xFFFFFFC0];
	_ =	sdelay $0x4  }
0x66: {  	v0 =	vand.u32 $0x3FFF, v0  }
0x67: {  	[tilespmem:$0x3E30] =	vst v0  }
0x68: {  	v0 =	vld [tilespmem:s21+$0xFFFFFFD0];
	_ =	sdelay $0x4  }
0x69: {  	v0 =	vand.u32 $0x3FFF, v0  }
0x6a: {  	[tilespmem:$0x3E40] =	vst v0  }
0x6b: {  	v0 =	vld [tilespmem:s21+$0xFFFFFFE0];
	_ =	sdelay $0x4  }
0x6c: {  	v0 =	vand.u32 $0x3FFF, v0  }
0x6d: {  	[tilespmem:$0x3E50] =	vst v0  }
0x6e: {  	v0 =	vld [tilespmem:s21+$0xFFFFFFF0];
	_ =	sdelay $0x4  }
0x6f: {  	v0 =	vand.u32 $0x3FFF, v0  }
0x70: {  	[tilespmem:$0x3E60] =	vst v0  }
0x71: {  	v0 =	vld [tilespmem:s21+$0x0]  }
0x72: {  	p1 =	sne.s32 s6, $0x1  }
.Ltmp0:
0x73: {  	_ = 	snop;
	(pc) =	sbr.rel @!p1 .LBB2_3-.Ltmp0, $3  }
0x74: {  	_ =	sdelay $0x1  }
0x75: {  	v0 =	vand.u32 $0x3FFF, v0  }
0x76: {  	s22 =	simm.s32 $0x2F0;
	s21 =	sadd.s32 $0xFFFFFFFF, s6;
	[tilespmem:$0x3E70] =	vst v0  }
.LBB2_2:
0x77: {  	[spmem:s1] =	stream.indirect.scatter.add.f32 [tilespmem:s12], [sflag:$0x2], $0x80, s15, s13, $0xb8;
	[tilespmem:$0x1BE80] =	vst v63  }
0x78: {  	p1 =	sne.s32 s21, $0x1;
	s21 =	sadd.s32 $0xFFFFFFFF, s21;
	_ =	swait.ge [sflag:s16], $0x4000  }
0x79: {  	[sflag:s16] =	ssyncset.done $0x0  }
0x7a: {  	[sflag:s16] =	ssyncadd.s32 $0xFFFFC000  }
0x7b: {  	v0 =	vld [tilespmem:s22+$0xFFFFFF10];
	_ =	sdelay $0x4  }
0x7c: {  	v0 =	vand.u32 $0x3FFF, v0  }
0x7d: {  	[tilespmem:$0x3D80] =	vst v0  }
0x7e: {  	v0 =	vld [tilespmem:s22+$0xFFFFFF20];
	_ =	sdelay $0x4  }
0x7f: {  	v0 =	vand.u32 $0x3FFF, v0  }
0x80: {  	[tilespmem:$0x3D90] =	vst v0  }
0x81: {  	v0 =	vld [tilespmem:s22+$0xFFFFFF30];
	_ =	sdelay $0x4  }
0x82: {  	v0 =	vand.u32 $0x3FFF, v0  }
0x83: {  	[tilespmem:$0x3DA0] =	vst v0  }
0x84: {  	v0 =	vld [tilespmem:s22+$0xFFFFFF40];
	_ =	sdelay $0x4  }
0x85: {  	v0 =	vand.u32 $0x3FFF, v0  }
0x86: {  	[tilespmem:$0x3DB0] =	vst v0  }
0x87: {  	v0 =	vld [tilespmem:s22+$0xFFFFFF50];
	_ =	sdelay $0x4  }
0x88: {  	v0 =	vand.u32 $0x3FFF, v0  }
0x89: {  	[tilespmem:$0x3DC0] =	vst v0  }
0x8a: {  	v0 =	vld [tilespmem:s22+$0xFFFFFF60];
	_ =	sdelay $0x4  }
0x8b: {  	v0 =	vand.u32 $0x3FFF, v0  }
0x8c: {  	[tilespmem:$0x3DD0] =	vst v0  }
0x8d: {  	v0 =	vld [tilespmem:s22+$0xFFFFFF70];
	_ =	sdelay $0x4  }
0x8e: {  	v0 =	vand.u32 $0x3FFF, v0  }
0x8f: {  	[tilespmem:$0x3DE0] =	vst v0  }
0x90: {  	v0 =	vld [tilespmem:s22+$0xFFFFFF80];
	_ =	sdelay $0x4  }
0x91: {  	v0 =	vand.u32 $0x3FFF, v0  }
0x92: {  	[tilespmem:$0x3DF0] =	vst v0  }
0x93: {  	[spmem:s1] =	stream.indirect.scatter.add.f32 [tilespmem:s12], [sflag:$0x1], $0x80, s14, s13, $0xb8;
	[tilespmem:$0x1BE80] =	vst v63  }
0x94: {  	_ =	swait.ge [sflag:s17], $0x4000  }
0x95: {  	[sflag:s17] =	ssyncset.done $0x0  }
0x96: {  	[sflag:s17] =	ssyncadd.s32 $0xFFFFC000  }
0x97: {  	v0 =	vld [tilespmem:s22+$0xFFFFFF90];
	_ =	sdelay $0x4  }
0x98: {  	v0 =	vand.u32 $0x3FFF, v0  }
0x99: {  	[tilespmem:$0x3E00] =	vst v0  }
0x9a: {  	v0 =	vld [tilespmem:s22+$0xFFFFFFA0];
	_ =	sdelay $0x4  }
0x9b: {  	v0 =	vand.u32 $0x3FFF, v0  }
0x9c: {  	[tilespmem:$0x3E10] =	vst v0  }
0x9d: {  	v0 =	vld [tilespmem:s22+$0xFFFFFFB0];
	_ =	sdelay $0x4  }
0x9e: {  	v0 =	vand.u32 $0x3FFF, v0  }
0x9f: {  	[tilespmem:$0x3E20] =	vst v0  }
0xa0: {  	v0 =	vld [tilespmem:s22+$0xFFFFFFC0];
	_ =	sdelay $0x4  }
0xa1: {  	v0 =	vand.u32 $0x3FFF, v0  }
0xa2: {  	[tilespmem:$0x3E30] =	vst v0  }
0xa3: {  	v0 =	vld [tilespmem:s22+$0xFFFFFFD0];
	_ =	sdelay $0x4  }
0xa4: {  	v0 =	vand.u32 $0x3FFF, v0  }
0xa5: {  	[tilespmem:$0x3E40] =	vst v0  }
0xa6: {  	v0 =	vld [tilespmem:s22+$0xFFFFFFE0];
	_ =	sdelay $0x4  }
0xa7: {  	v0 =	vand.u32 $0x3FFF, v0  }
0xa8: {  	[tilespmem:$0x3E50] =	vst v0  }
0xa9: {  	v0 =	vld [tilespmem:s22+$0xFFFFFFF0];
	_ =	sdelay $0x4  }
0xaa: {  	v0 =	vand.u32 $0x3FFF, v0  }
0xab: {  	[tilespmem:$0x3E60] =	vst v0  }
0xac: {  	v0 =	vld [tilespmem:s22+$0x0];
	_ =	sdelay $0x1  }
.Ltmp1:
0xad: {  	(pc) =	sbr.rel @p1 .LBB2_2-.Ltmp1, $3  }
0xae: {  	_ =	sdelay $0x1  }
0xaf: {  	v0 =	vand.u32 $0x3FFF, v0  }
0xb0: {  	s22 =	sadd.s32 $0x100, s22;
	[tilespmem:$0x3E70] =	vst v0  }
.LBB2_3:
0xb1: {  	[spmem:s1] =	stream.indirect.scatter.add.f32 [tilespmem:s12], [sflag:$0x2], $0x80, s15, s13, $0xb8;
	[tilespmem:$0x1BE80] =	vst v63  }
0xb2: {  	_ =	swait.ge [sflag:s16], $0x4000  }
0xb3: {  	[sflag:s16] =	ssyncset.done $0x0  }
0xb4: {  	[sflag:s16] =	ssyncadd.s32 $0xFFFFC000  }
0xb5: {  	v0 =	vld [tilespmem:s7+$0xFFFFFF80];
	_ =	sdelay $0x4  }
0xb6: {  	v0 =	vand.u32 $0x3FFF, v0  }
0xb7: {  	[tilespmem:$0x3D80] =	vst v0  }
0xb8: {  	v0 =	vld [tilespmem:s7+$0xFFFFFF90];
	_ =	sdelay $0x4  }
0xb9: {  	v0 =	vand.u32 $0x3FFF, v0  }
0xba: {  	[tilespmem:$0x3D90] =	vst v0  }
0xbb: {  	v0 =	vld [tilespmem:s7+$0xFFFFFFA0];
	_ =	sdelay $0x4  }
0xbc: {  	v0 =	vand.u32 $0x3FFF, v0  }
0xbd: {  	[tilespmem:$0x3DA0] =	vst v0  }
0xbe: {  	v0 =	vld [tilespmem:s7+$0xFFFFFFB0];
	_ =	sdelay $0x4  }
0xbf: {  	v0 =	vand.u32 $0x3FFF, v0  }
0xc0: {  	[tilespmem:$0x3DB0] =	vst v0  }
0xc1: {  	v0 =	vld [tilespmem:s7+$0xFFFFFFC0];
	_ =	sdelay $0x4  }
0xc2: {  	v0 =	vand.u32 $0x3FFF, v0  }
0xc3: {  	[tilespmem:$0x3DC0] =	vst v0  }
0xc4: {  	v0 =	vld [tilespmem:s7+$0xFFFFFFD0];
	_ =	sdelay $0x4  }
0xc5: {  	v0 =	vand.u32 $0x3FFF, v0  }
0xc6: {  	[tilespmem:$0x3DD0] =	vst v0  }
0xc7: {  	v0 =	vld [tilespmem:s7+$0xFFFFFFE0];
	_ =	sdelay $0x4  }
0xc8: {  	v0 =	vand.u32 $0x3FFF, v0  }
0xc9: {  	[tilespmem:$0x3DE0] =	vst v0  }
0xca: {  	v0 =	vld [tilespmem:s7+$0xFFFFFFF0];
	_ =	sdelay $0x4  }
0xcb: {  	v0 =	vand.u32 $0x3FFF, v0  }
0xcc: {  	[tilespmem:$0x3DF0] =	vst v0  }
0xcd: {  	[spmem:s1] =	stream.indirect.scatter.add.f32 [tilespmem:s12], [sflag:$0x1], $0x80, s14, s13, $0xb8;
	[tilespmem:$0x1BE80] =	vst v63  }
0xce: {  	_ =	swait.ge [sflag:s16], $0x4000  }
0xcf: {  	[sflag:s16] =	ssyncset.done $0x0  }
0xd0: {  	[sflag:s16] =	ssyncadd.s32 $0xFFFFC000  }
0xd1: {  	_ =	swait.ge [sflag:s17], $0x4000  }
0xd2: {  	s18 =	sadd.s32 $0x1, s18;
	[sflag:s17] =	ssyncset.done $0x0  }
0xd3: {  	p1 =	sne.s32 s18, s9;
	[sflag:s17] =	ssyncadd.s32 $0xFFFFC000  }
.Ltmp2:
0xd4: {  	[bflag:$0x0] =	sbarrier.arrive $0xFFFF;
	(pc) =	sbr.rel @p1 .LBB2_1-.Ltmp2, $4  }
0xd5: {  	[hbm:s8], [sflag:s20] =	dma.local @!p0 [spmem:s10], $0x28000  }
0xd6: {  	_ =	swait.ge @!p0 [sflag:s19], $0x28000  }
0xd7: {  	[sflag:s19] =	ssyncset.done @!p0 $0x0  }
0xd8: {  	[sflag:s19] =	ssyncadd.s32 @!p0 $0xFFFD8000  }
0xd9: {  	_ =	sfence.sel $0x180000  }
0xda: {  	[bflag:$0x0] =	sbarrier.arrive $0xFFFF  }
0xdb: {  	_ =	strace $0x90000047  }
0xdc: {  	s0 =	sadd.s32 @!p0 $0x100000, s0;
	[bflag:$0x2] =	sbarrier.arrive $0xFFFF  }
0xdd: {  	[sflag:s0] =	ssyncadd.tile.s32 @!p0 $0x1;
	_ =	shalt  }
.Lfunc_end2:
_tile_overlayer_lowered:
.L_overlay_start_2:
0xde: {  	(tag) =	ssettag $0x2  }
0xdf: {  	s0 =	rddreg [dreg:$0x0];
	s2 =	stileid.u32  }
0xe0: {  	s1 =	rddreg [dreg:$0x1];
	p0 =	sne.s32 s2, $0x0  }
0xe1: {  	s3 =	rddreg [dreg:$0x2];
	[bflag:$0x3] =	sbarrier.arrive $0xFFFF;
	s2 =	simm.s32 @!p0 $0x1C03  }
0xe2: {  	[timem:s3], [sflag:s2] =	dma.local @!p0 [hbm:s0], s1  }
0xe3: {  	s0 =	simm.s32 @!p0 $0x3  }
0xe4: {  	_ =	swait.ge @!p0 [sflag:s0], s1  }
0xe5: {  	s1 =	ssub.s32 @!p0 $0x0, s1;
	[sflag:s0] =	ssyncset.done @!p0 $0x0  }
0xe6: {  	[sflag:s0] =	ssyncadd.s32 @!p0 s1  }
0xe7: {  	[bflag:$0x3] =	sbarrier.arrive $0xFFFF  }
0xe8: {  	_ =	shalt  }

</sc_bundles>
